<compile_context>
chip_gen: v7x
topology: tpu7x:2x2x1
jax: 0.10.2.dev20260603
libtpu: 0.0.44.dev20260713+nightly
codegen_flags: <defaults>
</compile_context>

<pallas_src>
import functools
import math

import jax
import jax.numpy as jnp
from jax import lax
from jax.experimental import pallas as pl
from jax.experimental.pallas import tpu as pltpu
from jax.experimental.pallas import tpu_sc as plsc

F32 = jnp.float32
NC = 2
NS = 16
NW = NC * NS


_GDN = lax.GatherDimensionNumbers(
    offset_dims=(), collapsed_slice_dims=(0,), start_index_map=(0,))


def _shfl(v, idx):
    return lax.gather(v, idx[:, None], _GDN, slice_sizes=(1,),
                      mode=lax.GatherScatterMode.PROMISE_IN_BOUNDS)


def _hsum_splat(v, lane):
    for sh in (8, 4, 2, 1):
        v = v + _shfl(v, lane ^ sh)
    return v


def _proj_body(x_ref, wl_ref, wr_ref, xl_ref, xr_ref):
    xb = x_ref[...]
    xl_ref[...] = jnp.dot(xb, wl_ref[...], preferred_element_type=F32)
    xr_ref[...] = jnp.dot(xb, wr_ref[...], preferred_element_type=F32)


def _proj(x, Wl, Wr, blk):
    n, d = x.shape
    grid = n // blk
    return pl.pallas_call(
        _proj_body,
        grid=(grid,),
        in_specs=[
            pl.BlockSpec((blk, d), lambda i: (i, 0)),
            pl.BlockSpec((d, d), lambda i: (0, 0)),
            pl.BlockSpec((d, d), lambda i: (0, 0)),
        ],
        out_specs=[
            pl.BlockSpec((blk, d), lambda i: (i, 0)),
            pl.BlockSpec((blk, d), lambda i: (i, 0)),
        ],
        out_shape=[
            jax.ShapeDtypeStruct((n, d), F32),
            jax.ShapeDtypeStruct((n, d), F32),
        ],
    )(x, Wl, Wr)


def _edge_pass_body(NB, B, NP, H, C,
                    xl_hbm, xr_hbm, src_hbm, dst_hbm, att_hbm, zu_hbm, zd_hbm,
                    u_out, den_out,
                    att_v, didx2d, sb0, sb1,
                    xlr0, xlr1, xrr0, xrr1, msg, exb,
                    u_acc, den_acc,
                    isem0, isem1, gsl0, gsl1, gsr0, gsr1, ssu, ssd):
    sbuf = (sb0, sb1)
    xlrs = (xlr0, xlr1)
    xrrs = (xrr0, xrr1)
    isem = (isem0, isem1)
    gsl = (gsl0, gsl1)
    gsr = (gsr0, gsr1)
    cid = lax.axis_index("c")
    sid = lax.axis_index("s")
    wid = sid * NC + cid
    D = H * C
    KV = D // 16
    EPW = NB * B

    pltpu.sync_copy(att_hbm, att_v)

    row0 = jnp.where(sid < 4, sid * 632, 2528 + (sid - 4) * 624)

    @pl.when(sid < 4)
    def _():
        pltpu.sync_copy(zu_hbm.at[pl.ds(row0, 632)],
                        u_acc.at[pl.ds(row0, 632)])
        pltpu.sync_copy(zd_hbm.at[pl.ds(row0, 632)],
                        den_acc.at[pl.ds(row0, 632)])

    @pl.when(sid >= 4)
    def _():
        pltpu.sync_copy(zu_hbm.at[pl.ds(row0, 624)],
                        u_acc.at[pl.ds(row0, 624)])
        pltpu.sync_copy(zd_hbm.at[pl.ds(row0, 624)],
                        den_acc.at[pl.ds(row0, 624)])

    plsc.subcore_barrier()

    attv = [att_v[pl.ds(16 * k, 16)] for k in range(KV)]
    lane = lax.broadcasted_iota(jnp.int32, (16,), 0)
    base = wid * EPW

    pltpu.sync_copy(dst_hbm.at[wid], didx2d)

    def compute(b):
        xlr, xrr = xlrs[b], xrrs[b]

        @plsc.parallel_loop(0, B, unroll=2)
        def _edge(e):
            a = [xlr[e, pl.ds(16 * k, 16)] for k in range(KV)]
            bb = [xrr[e, pl.ds(16 * k, 16)] for k in range(KV)]
            p = []
            for k in range(KV):
                sv = a[k] + bb[k]
                tv = jnp.maximum(sv, 0.2 * sv)
                p.append(tv * attv[k])
            exs = []
            for h in range(H):
                q = p[2 * h] + p[2 * h + 1]
                ev = jnp.exp(_hsum_splat(q, lane))
                exs.append(ev)
                msg[e, pl.ds(32 * h, 16)] = a[2 * h] * ev
                msg[e, pl.ds(32 * h + 16, 16)] = a[2 * h + 1] * ev
            exrow = jnp.where(
                lane == 0, exs[0],
                jnp.where(lane == 1, exs[1],
                          jnp.where(lane == 2, exs[2], exs[3])))
            exb[e, :] = exrow

    pltpu.sync_copy(src_hbm.at[pl.ds(base, B)], sbuf[0])
    pltpu.async_copy(xl_hbm.at[sbuf[0]], xlrs[0], gsl[0])
    pltpu.async_copy(xr_hbm.at[didx2d.at[0]], xrrs[0], gsr[0])
    pltpu.async_copy(src_hbm.at[pl.ds(base + B, B)], sbuf[1], isem[1])

    @pl.loop(0, NB, step=2)
    def _batch2(g0):
        for b in range(2):
            g = g0 + b
            bn = 1 - b
            pltpu.make_async_copy(xl_hbm.at[sbuf[b]], xlrs[b],
                                  gsl[b]).wait()
            pltpu.make_async_copy(xr_hbm.at[didx2d.at[g]], xrrs[b],
                                  gsr[b]).wait()

            @pl.when(g + 2 < NB)
            def _():
                pltpu.async_copy(
                    src_hbm.at[pl.ds(base + (g + 2) * B, B)],
                    sbuf[b], isem[b])

            @pl.when(g + 1 < NB)
            def _():
                pltpu.make_async_copy(
                    src_hbm.at[pl.ds(base + (g + 1) * B, B)],
                    sbuf[bn], isem[bn]).wait()
                pltpu.async_copy(xl_hbm.at[sbuf[bn]], xlrs[bn], gsl[bn])
                pltpu.async_copy(xr_hbm.at[didx2d.at[g + 1]], xrrs[bn],
                                 gsr[bn])

            @pl.when(g >= 1)
            def _():
                pltpu.make_async_copy(msg, u_acc.at[didx2d.at[g]],
                                      ssu).wait()
                pltpu.make_async_copy(exb, den_acc.at[didx2d.at[g]],
                                      ssd).wait()

            compute(b)
            pltpu.async_copy(msg, u_acc.at[didx2d.at[g]], ssu, add=True)
            pltpu.async_copy(exb, den_acc.at[didx2d.at[g]], ssd, add=True)

    pltpu.make_async_copy(msg, u_acc.at[didx2d.at[NB - 1]], ssu).wait()
    pltpu.make_async_copy(exb, den_acc.at[didx2d.at[NB - 1]], ssd).wait()

    plsc.subcore_barrier()

    @pl.when(sid < 4)
    def _():
        pltpu.sync_copy(u_acc.at[pl.ds(row0, 632)],
                        u_out.at[cid, pl.ds(row0, 632)])
        pltpu.sync_copy(den_acc.at[pl.ds(row0, 632)],
                        den_out.at[cid, pl.ds(row0, 632)])

    @pl.when(sid >= 4)
    def _():
        pltpu.sync_copy(u_acc.at[pl.ds(row0, 624)],
                        u_out.at[cid, pl.ds(row0, 624)])
        pltpu.sync_copy(den_acc.at[pl.ds(row0, 624)],
                        den_out.at[cid, pl.ds(row0, 624)])


def _edge_pass(xl, xr, src, dst, att_flat, H, C, NP):
    N, D = xl.shape
    E = src.shape[0]
    EPW = E // NW
    B = 40
    NB = EPW // B
    mesh = plsc.VectorSubcoreMesh(core_axis_name="c", subcore_axis_name="s")
    body = functools.partial(_edge_pass_body, NB, B, NP, H, C)
    f = pl.kernel(
        body,
        out_type=[
            jax.ShapeDtypeStruct((NC, NP, D), F32),
            jax.ShapeDtypeStruct((NC, NP, 16), F32),
        ],
        mesh=mesh,
        compiler_params=pltpu.CompilerParams(use_tc_tiling_on_sc=False),
        scratch_types=[
            pltpu.VMEM((D,), F32),
            pltpu.VMEM((NB, B), jnp.int32),
            pltpu.VMEM((B,), jnp.int32),
            pltpu.VMEM((B,), jnp.int32),
            pltpu.VMEM((B, D), F32),
            pltpu.VMEM((B, D), F32),
            pltpu.VMEM((B, D), F32),
            pltpu.VMEM((B, D), F32),
            pltpu.VMEM((B, D), F32),
            pltpu.VMEM((B, 16), F32),
            pltpu.VMEM_SHARED((NP, D), F32),
            pltpu.VMEM_SHARED((NP, 16), F32),
        ] + [pltpu.SemaphoreType.DMA] * 8,
    )
    zu = jnp.zeros((NP, D), F32)
    zd = jnp.zeros((NP, 16), F32)
    return f(xl, xr, src, dst.reshape(NW, NB, B), att_flat, zu, zd)


def _gin_agg_body(NB, B, NP,
                  x1_hbm, src_hbm, dst_hbm, zu_hbm, agg_out,
                  didx2d, sb0, sb1, rows0, rows1, acc,
                  isem0, isem1, gs0, gs1, ss0, ss1):
    cid = lax.axis_index("c")
    sid = lax.axis_index("s")
    wid = sid * NC + cid
    sbuf = (sb0, sb1)
    rows = (rows0, rows1)
    isem = (isem0, isem1)
    gs = (gs0, gs1)
    ss = (ss0, ss1)
    rows_per_tile = NP // NS
    EPW = NB * B
    base = wid * EPW

    row0 = sid * rows_per_tile
    pltpu.sync_copy(zu_hbm.at[pl.ds(row0, rows_per_tile)],
                    acc.at[pl.ds(row0, rows_per_tile)])
    plsc.subcore_barrier()

    pltpu.sync_copy(dst_hbm.at[wid], didx2d)

    pltpu.sync_copy(src_hbm.at[wid, 0], sbuf[0])
    pltpu.async_copy(x1_hbm.at[sbuf[0]], rows[0], gs[0])
    pltpu.async_copy(src_hbm.at[wid, 1], sbuf[1], isem[1])

    @pl.loop(0, NB, step=2)
    def _batch2(g0):
        for b in range(2):
            g = g0 + b
            bn = 1 - b
            pltpu.make_async_copy(x1_hbm.at[sbuf[b]], rows[b],
                                  gs[b]).wait()

            @pl.when(g + 2 < NB)
            def _():
                pltpu.async_copy(src_hbm.at[wid, g + 2], sbuf[b], isem[b])

            @pl.when(g + 1 < NB)
            def _():
                @pl.when(g >= 1)
                def _():
                    pltpu.make_async_copy(rows[bn],
                                          acc.at[didx2d.at[g]],
                                          ss[bn]).wait()

                pltpu.make_async_copy(src_hbm.at[wid, g + 1],
                                      sbuf[bn], isem[bn]).wait()
                pltpu.async_copy(x1_hbm.at[sbuf[bn]], rows[bn], gs[bn])

            pltpu.async_copy(rows[b], acc.at[didx2d.at[g]], ss[b],
                             add=True)

    for b in range(2):
        pltpu.make_async_copy(rows[b], acc.at[didx2d.at[b]], ss[b]).wait()

    plsc.subcore_barrier()
    pltpu.sync_copy(acc.at[pl.ds(row0, rows_per_tile)],
                    agg_out.at[cid, pl.ds(row0, rows_per_tile)])


def _gin_agg(x1, src, dst, NP):
    N, D = x1.shape
    E = src.shape[0]
    EPW = E // NW
    B = 125
    NB = EPW // B
    mesh = plsc.VectorSubcoreMesh(core_axis_name="c", subcore_axis_name="s")
    body = functools.partial(_gin_agg_body, NB, B, NP)
    f = pl.kernel(
        body,
        out_type=jax.ShapeDtypeStruct((NC, NP, D), F32),
        mesh=mesh,
        compiler_params=pltpu.CompilerParams(use_tc_tiling_on_sc=False),
        scratch_types=[
            pltpu.VMEM((NB, B), jnp.int32),
            pltpu.VMEM((B,), jnp.int32),
            pltpu.VMEM((B,), jnp.int32),
            pltpu.VMEM((B, D), F32),
            pltpu.VMEM((B, D), F32),
            pltpu.VMEM_SHARED((NP, D), F32),
        ] + [pltpu.SemaphoreType.DMA] * 6,
    )
    zu = jnp.zeros((NP, D), F32)
    return f(x1, src.reshape(NW, NB, B), dst.reshape(NW, NB, B), zu)


def _finalize_body(xl_ref, xr_ref, u0_ref, u1_ref, d0_ref, d1_ref,
                   att_ref, mh_ref, md_ref, bias_ref, x1_ref):
    xl = xl_ref[...]
    blk, d = xl.shape
    s = xl + xr_ref[...]
    t = jnp.maximum(s, 0.2 * s) * att_ref[...]
    sfull = jnp.dot(t, mh_ref[...], preferred_element_type=F32)
    exs = jnp.exp(sfull)
    den = (d0_ref[...] + d1_ref[...]).reshape(blk, 16)
    denf = jnp.dot(den, md_ref[...], preferred_element_type=F32)
    num = (u0_ref[...] + u1_ref[...]).reshape(blk, d) + exs * xl
    gat = num / (denf + exs + 1e-16) + bias_ref[...]
    x1_ref[...] = jnp.maximum(gat, 0.01 * gat)


def _finalize(xl, xr, u, den, att_row, mhead, mden, bias_row, blk):
    n, d = xl.shape
    grid = n // blk
    nspec = pl.BlockSpec((blk, d), lambda i: (i, 0))
    wspec0 = pl.BlockSpec((1, d), lambda i: (0, 0))
    return pl.pallas_call(
        _finalize_body,
        grid=(grid,),
        in_specs=[
            nspec, nspec,
            pl.BlockSpec((1, blk, d), lambda i: (0, i, 0)),
            pl.BlockSpec((1, blk, d), lambda i: (1, i, 0)),
            pl.BlockSpec((1, blk, 16), lambda i: (0, i, 0)),
            pl.BlockSpec((1, blk, 16), lambda i: (1, i, 0)),
            wspec0,
            pl.BlockSpec((d, d), lambda i: (0, 0)),
            pl.BlockSpec((16, d), lambda i: (0, 0)),
            wspec0,
        ],
        out_specs=nspec,
        out_shape=jax.ShapeDtypeStruct((n, d), F32),
    )(xl, xr, u, u, den, den, att_row, mhead, mden, bias_row)


def _mlp_pool_body(G, x1_ref, a0_ref, a1_ref, bt_ref, w1_ref, b1_ref,
                   w2_ref, b2_ref, out_ref):
    i = pl.program_id(0)
    x1 = x1_ref[...]
    h0 = x1 + (a0_ref[...] + a1_ref[...]).reshape(x1.shape)
    h1 = jnp.maximum(jnp.dot(h0, w1_ref[...], preferred_element_type=F32)
                     + b1_ref[...], 0.0)
    h2 = jnp.maximum(jnp.dot(h1, w2_ref[...], preferred_element_type=F32)
                     + b2_ref[...], 0.0)
    blk = h2.shape[0]
    gids = lax.broadcasted_iota(jnp.int32, (G, blk), 0)
    bt = bt_ref[...].reshape(1, blk)
    onehot = jnp.where(gids == jnp.broadcast_to(bt, (G, blk)),
                       1.0, 0.0).astype(F32)
    pp = jnp.dot(onehot, h2, preferred_element_type=F32)

    @pl.when(i == 0)
    def _():
        out_ref[...] = jnp.zeros_like(out_ref)

    out_ref[...] += pp


def _mlp_pool(x1, agg, bt, w1, b1_row, w2, b2_row, G, blk):
    n, d = x1.shape
    grid = n // blk
    nspec = pl.BlockSpec((blk, d), lambda i: (i, 0))
    wspec = pl.BlockSpec((d, d), lambda i: (0, 0))
    bspec = pl.BlockSpec((1, d), lambda i: (0, 0))
    return pl.pallas_call(
        functools.partial(_mlp_pool_body, G),
        grid=(grid,),
        in_specs=[
            nspec,
            pl.BlockSpec((1, blk, d), lambda i: (0, i, 0)),
            pl.BlockSpec((1, blk, d), lambda i: (1, i, 0)),
            pl.BlockSpec((1, 1, blk), lambda i: (i, 0, 0)),
            wspec, bspec, wspec, bspec,
        ],
        out_specs=pl.BlockSpec((G, d), lambda i: (0, 0)),
        out_shape=jax.ShapeDtypeStruct((G, d), F32),
    )(x1, agg, agg, bt, w1, b1_row, w2, b2_row)


@jax.jit
def _run(x, edge_index, batch, Wl, Wr, att, gat_bias, gin_w1, gin_b1,
         bn_gamma, bn_beta, gin_w2, gin_b2):
    N, D = x.shape
    H, C = att.shape
    G = 64
    blk = 1000

    src = edge_index[0]
    dst = edge_index[1]

    att_flat = att.reshape(D)
    att_row = att_flat.reshape(1, D)
    ci = jnp.arange(D, dtype=jnp.int32) // C
    mhead = (ci[:, None] == ci[None, :]).astype(F32)
    mden = (jnp.arange(16, dtype=jnp.int32)[:, None] == ci[None, :]).astype(F32)
    bias_row = gat_bias.reshape(1, D)
    bn_s = bn_gamma / math.sqrt(1.0 + 1e-5)
    w1p = gin_w1 * bn_s[None, :]
    b1_row = (gin_b1 * bn_s + bn_beta).reshape(1, D)
    b2_row = gin_b2.reshape(1, D)
    bt = batch.reshape(N // blk, 1, blk)

    NPE = 10016
    NP = 10240
    xl, xr = _proj(x, Wl, Wr, blk)
    u, den = _edge_pass(xl, xr, src, dst, att_flat, H, C, NPE)
    x1 = _finalize(xl, xr, u, den, att_row, mhead, mden, bias_row, blk)
    agg = _gin_agg(x1, src, dst, NP)
    return _mlp_pool(x1, agg, bt, w1p, b1_row, gin_w2, b2_row, G, blk)


def kernel(x, edge_index, batch, Wl, Wr, att, gat_bias, gin_w1, gin_b1,
           bn_gamma, bn_beta, gin_w2, gin_b2):
    return _run(x, edge_index, batch, Wl, Wr, att, gat_bias, gin_w1, gin_b1,
                bn_gamma, bn_beta, gin_w2, gin_b2)

# --- scband reference (transcript-rebuilt; emitter-appended) ---
"""Pipeline reference for scband-gatginencoder-11570641895556 (READ-ONLY COPY).

The authoritative reference and input builder live on the scoring server;
editing this copy changes nothing except your own understanding.
"""

import jax, jax.numpy as jnp
import numpy as np

N = 10000
E = 320000
D = 128
H = 4
C = 32  # out_dim // heads
G = 64  # number of graphs in batch


def setup_inputs(seed: int = 0) -> dict:
    key = jax.random.key(seed)
    ks = jax.random.split(key, 12)
    x = jax.random.normal(ks[0], (N, D), dtype=jnp.float32)
    edge_index = jax.random.randint(ks[1], (2, E), 0, N, dtype=jnp.int32)
    batch = jnp.sort(jax.random.randint(ks[2], (N,), 0, G, dtype=jnp.int32))
    s = 1.0 / np.sqrt(D)
    Wl = jax.random.uniform(ks[3], (D, H * C), minval=-s, maxval=s, dtype=jnp.float32)
    Wr = jax.random.uniform(ks[4], (D, H * C), minval=-s, maxval=s, dtype=jnp.float32)
    att = jax.random.uniform(ks[5], (H, C), minval=-s, maxval=s, dtype=jnp.float32)
    gat_bias = jnp.zeros((H * C,), dtype=jnp.float32)
    gin_w1 = jax.random.uniform(ks[6], (D, D), minval=-s, maxval=s, dtype=jnp.float32)
    gin_b1 = jnp.zeros((D,), dtype=jnp.float32)
    bn_gamma = jnp.ones((D,), dtype=jnp.float32)
    bn_beta = jnp.zeros((D,), dtype=jnp.float32)
    gin_w2 = jax.random.uniform(ks[7], (D, D), minval=-s, maxval=s, dtype=jnp.float32)
    gin_b2 = jnp.zeros((D,), dtype=jnp.float32)
    return {"x": x, "edge_index": edge_index, "batch": batch, "Wl": Wl, "Wr": Wr,
            "att": att, "gat_bias": gat_bias, "gin_w1": gin_w1, "gin_b1": gin_b1,
            "bn_gamma": bn_gamma, "bn_beta": bn_beta, "gin_w2": gin_w2, "gin_b2": gin_b2}


def reference(x, edge_index, batch, Wl, Wr, att, gat_bias, gin_w1, gin_b1,
              bn_gamma, bn_beta, gin_w2, gin_b2):
    n = x.shape[0]
    # ---- GATv2Conv (add_self_loops=True, negative_slope=0.2, concat heads) ----
    loop = jnp.arange(n, dtype=edge_index.dtype)
    src = jnp.concatenate([edge_index[0], loop])
    dst = jnp.concatenate([edge_index[1], loop])
    xl = (x @ Wl).reshape(n, H, C)
    xr = (x @ Wr).reshape(n, H, C)
    e = jax.nn.leaky_relu(xl[src] + xr[dst], negative_slope=0.2)  # [E+N, H, C]
    logits = jnp.einsum('ehc,hc->eh', e, att)                     # [E+N, H]
    m = jax.ops.segment_max(logits, dst, num_segments=n)
    m = jnp.where(jnp.isfinite(m), m, 0.0)
    ex = jnp.exp(logits - m[dst])
    denom = jax.ops.segment_sum(ex, dst, num_segments=n)
    alpha = ex / (denom[dst] + 1e-16)
    msg = xl[src] * alpha[:, :, None]
    gat_out = jax.ops.segment_sum(msg, dst, num_segments=n).reshape(n, H * C) + gat_bias
    x1 = jax.nn.leaky_relu(gat_out, negative_slope=0.01)
    # dropout: identity in eval mode
    # ---- GINConv: nn((1+eps)*x + sum_{j in N(i)} x_j), eps=0, no self loops ----
    agg = jax.ops.segment_sum(x1[edge_index[0]], edge_index[1], num_segments=n)
    h = x1 + agg
    h = h @ gin_w1 + gin_b1
    # BatchNorm1d in eval mode (running_mean=0, running_var=1, eps=1e-5)
    h = (h - 0.0) / jnp.sqrt(1.0 + 1e-5) * bn_gamma + bn_beta
    h = jax.nn.relu(h)
    h = h @ gin_w2 + gin_b2
    h = jax.nn.relu(h)
    x2 = jax.nn.leaky_relu(h, negative_slope=0.01)
    # ---- global_add_pool ----
    pooled = jax.ops.segment_sum(x2, batch, num_segments=G)
    return pooled

if __name__ == "__main__":
    import jax
    _d = setup_inputs()
    print(jax.jit(kernel)(*tuple(_d.values())))

</pallas_src>

<mosaic_0001>
#map = affine_map<(d0, d1) -> (0, 0)>
#map1 = affine_map<(d0, d1) -> (0, 0, 0)>
module attributes {stable_mosaic.version = 14 : i64} {
  func.func @_gin_agg_body(%arg0: i32, %arg1: i32, %arg2: memref<10000x128xf32, #tpu.memory_space<hbm>>, %arg3: memref<32x80x125xi32, #tpu.memory_space<hbm>>, %arg4: memref<32x80x125xi32, #tpu.memory_space<hbm>>, %arg5: memref<10240x128xf32, #tpu.memory_space<hbm>>, %arg6: memref<2x10240x128xf32, #tpu.memory_space<hbm>>, %arg7: memref<80x125xi32, #tpu.memory_space<vmem>>, %arg8: memref<125xi32, #tpu.memory_space<vmem>>, %arg9: memref<125xi32, #tpu.memory_space<vmem>>, %arg10: memref<125x128xf32, #tpu.memory_space<vmem>>, %arg11: memref<125x128xf32, #tpu.memory_space<vmem>>, %arg12: memref<10240x128xf32, #tpu.memory_space<vmem_shared>>, %arg13: memref<!tpu.dma_semaphore, #tpu.memory_space<semaphore_mem>>, %arg14: memref<!tpu.dma_semaphore, #tpu.memory_space<semaphore_mem>>, %arg15: memref<!tpu.dma_semaphore, #tpu.memory_space<semaphore_mem>>, %arg16: memref<!tpu.dma_semaphore, #tpu.memory_space<semaphore_mem>>, %arg17: memref<!tpu.dma_semaphore, #tpu.memory_space<semaphore_mem>>, %arg18: memref<!tpu.dma_semaphore, #tpu.memory_space<semaphore_mem>>) attributes {dimension_semantics = [#tpu.dimension_semantics<core_parallel>, #tpu.dimension_semantics<subcore_parallel>], iteration_bounds = array<i64: 2, 16>, scalar_prefetch = 0 : i64, scratch_operands = 12 : i64, tpu.core_type = #tpu.core_type<sc_vector_subcore>, window_params = [{transform_indices = #map}, {transform_indices = #map1}, {transform_indices = #map1}, {transform_indices = #map}, {transform_indices = #map1}]} {
    %mul3A = arith.constant 2 : i32
    %mul3A_0 = arith.muli %arg1, %mul3A : i32
    %add3A = arith.addi %mul3A_0, %arg0 : i32
    %mul3A_1 = arith.constant 10000 : i32
    %mul3A_2 = arith.muli %add3A, %mul3A_1 : i32
    %mul3A_3 = arith.constant 640 : i32
    %mul3A_4 = arith.muli %arg1, %mul3A_3 : i32
    "tpu.region"() ({
      %run_scoped3A_32 = tpu.sem_alloc : memref<!tpu.dma_semaphore, #tpu.memory_space<semaphore_mem>>
      %dma_start3A_33 = arith.constant 0 : i32
      %dma_start3A_34 = tpu.memref_slice %arg12[%mul3A_4, %dma_start3A_33] : memref<10240x128xf32, #tpu.memory_space<vmem_shared>> -> memref<640x128xf32, #tpu.memory_space<vmem_shared>>
      %dma_start3A_35 = arith.constant 0 : i32
      %dma_start3A_36 = tpu.memref_slice %arg5[%mul3A_4, %dma_start3A_35] : memref<10240x128xf32, #tpu.memory_space<hbm>> -> memref<640x128xf32, #tpu.memory_space<hbm>>
      tpu.enqueue_dma source(%dma_start3A_36 : memref<640x128xf32, #tpu.memory_space<hbm>>) target(%dma_start3A_34 : memref<640x128xf32, #tpu.memory_space<vmem_shared>>) target_semaphore(%run_scoped3A_32 : memref<!tpu.dma_semaphore, #tpu.memory_space<semaphore_mem>>)
      %dma_wait3A_37 = arith.constant 0 : i32
      %dma_wait3A_38 = tpu.memref_slice %arg12[%mul3A_4, %dma_wait3A_37] : memref<10240x128xf32, #tpu.memory_space<vmem_shared>> -> memref<640x128xf32, #tpu.memory_space<vmem_shared>>
      %dma_wait3A_39 = arith.constant 0 : i32
      %dma_wait3A_40 = tpu.memref_slice %arg5[%mul3A_4, %dma_wait3A_39] : memref<10240x128xf32, #tpu.memory_space<hbm>> -> memref<640x128xf32, #tpu.memory_space<hbm>>
      tpu.wait_dma2 semaphore(%run_scoped3A_32 : memref<!tpu.dma_semaphore, #tpu.memory_space<semaphore_mem>>) src(%dma_wait3A_40 : memref<640x128xf32, #tpu.memory_space<hbm>>) dst(%dma_wait3A_38 : memref<640x128xf32, #tpu.memory_space<vmem_shared>>)
      tpu.yield
    }) : () -> ()
    %barrier3A = arith.constant 0 : index
    tpu.barrier barrier_id(%barrier3A)
    "tpu.region"() ({
      %run_scoped3A_32 = tpu.sem_alloc : memref<!tpu.dma_semaphore, #tpu.memory_space<semaphore_mem>>
      %dma_start3A_33 = arith.constant 0 : i32
      %dma_start3A_34 = arith.constant 0 : i32
      %dma_start3A_35 = tpu.memref_slice %arg4[%add3A, %dma_start3A_33, %dma_start3A_34] : memref<32x80x125xi32, #tpu.memory_space<hbm>> -> memref<1x80x125xi32, #tpu.memory_space<hbm>>
      %dma_start3A_36 = tpu.memref_squeeze %dma_start3A_35 : memref<1x80x125xi32, #tpu.memory_space<hbm>> -> memref<80x125xi32, #tpu.memory_space<hbm>>
      %dma_start3A_37 = arith.constant 0 : i32
      %dma_start3A_38 = arith.constant 0 : i32
      %dma_start3A_39 = tpu.memref_slice %arg4[%add3A, %dma_start3A_37, %dma_start3A_38] : memref<32x80x125xi32, #tpu.memory_space<hbm>> -> memref<1x80x125xi32, #tpu.memory_space<hbm>>
      %dma_start3A_40 = tpu.memref_squeeze %dma_start3A_39 : memref<1x80x125xi32, #tpu.memory_space<hbm>> -> memref<80x125xi32, #tpu.memory_space<hbm>>
      tpu.enqueue_dma source(%dma_start3A_40 : memref<80x125xi32, #tpu.memory_space<hbm>>) target(%arg7 : memref<80x125xi32, #tpu.memory_space<vmem>>) target_semaphore(%run_scoped3A_32 : memref<!tpu.dma_semaphore, #tpu.memory_space<semaphore_mem>>)
      %dma_wait3A_41 = arith.constant 0 : i32
      %dma_wait3A_42 = arith.constant 0 : i32
      %dma_wait3A_43 = tpu.memref_slice %arg4[%add3A, %dma_wait3A_41, %dma_wait3A_42] : memref<32x80x125xi32, #tpu.memory_space<hbm>> -> memref<1x80x125xi32, #tpu.memory_space<hbm>>
      %dma_wait3A_44 = tpu.memref_squeeze %dma_wait3A_43 : memref<1x80x125xi32, #tpu.memory_space<hbm>> -> memref<80x125xi32, #tpu.memory_space<hbm>>
      %dma_wait3A_45 = arith.constant 0 : i32
      %dma_wait3A_46 = arith.constant 0 : i32
      %dma_wait3A_47 = tpu.memref_slice %arg4[%add3A, %dma_wait3A_45, %dma_wait3A_46] : memref<32x80x125xi32, #tpu.memory_space<hbm>> -> memref<1x80x125xi32, #tpu.memory_space<hbm>>
      %dma_wait3A_48 = tpu.memref_squeeze %dma_wait3A_47 : memref<1x80x125xi32, #tpu.memory_space<hbm>> -> memref<80x125xi32, #tpu.memory_space<hbm>>
      tpu.wait_dma2 semaphore(%run_scoped3A_32 : memref<!tpu.dma_semaphore, #tpu.memory_space<semaphore_mem>>) src(%dma_wait3A_48 : memref<80x125xi32, #tpu.memory_space<hbm>>) dst(%arg7 : memref<80x125xi32, #tpu.memory_space<vmem>>)
      tpu.yield
    }) : () -> ()
    %run_scoped3A = arith.constant 0 : i32
    "tpu.region"() ({
      %run_scoped3A_32 = tpu.sem_alloc : memref<!tpu.dma_semaphore, #tpu.memory_space<semaphore_mem>>
      %dma_start3A_33 = arith.constant 0 : i32
      %dma_start3A_34 = tpu.memref_slice %arg3[%add3A, %run_scoped3A, %dma_start3A_33] : memref<32x80x125xi32, #tpu.memory_space<hbm>> -> memref<1x1x125xi32, #tpu.memory_space<hbm>>
      %dma_start3A_35 = tpu.memref_squeeze %dma_start3A_34 : memref<1x1x125xi32, #tpu.memory_space<hbm>> -> memref<125xi32, #tpu.memory_space<hbm>>
      %dma_start3A_36 = arith.constant 0 : i32
      %dma_start3A_37 = tpu.memref_slice %arg3[%add3A, %run_scoped3A, %dma_start3A_36] : memref<32x80x125xi32, #tpu.memory_space<hbm>> -> memref<1x1x125xi32, #tpu.memory_space<hbm>>
      %dma_start3A_38 = tpu.memref_squeeze %dma_start3A_37 : memref<1x1x125xi32, #tpu.memory_space<hbm>> -> memref<125xi32, #tpu.memory_space<hbm>>
      tpu.enqueue_dma source(%dma_start3A_38 : memref<125xi32, #tpu.memory_space<hbm>>) target(%arg8 : memref<125xi32, #tpu.memory_space<vmem>>) target_semaphore(%run_scoped3A_32 : memref<!tpu.dma_semaphore, #tpu.memory_space<semaphore_mem>>)
      %dma_wait3A_39 = arith.constant 0 : i32
      %dma_wait3A_40 = tpu.memref_slice %arg3[%add3A, %run_scoped3A, %dma_wait3A_39] : memref<32x80x125xi32, #tpu.memory_space<hbm>> -> memref<1x1x125xi32, #tpu.memory_space<hbm>>
      %dma_wait3A_41 = tpu.memref_squeeze %dma_wait3A_40 : memref<1x1x125xi32, #tpu.memory_space<hbm>> -> memref<125xi32, #tpu.memory_space<hbm>>
      %dma_wait3A_42 = arith.constant 0 : i32
      %dma_wait3A_43 = tpu.memref_slice %arg3[%add3A, %run_scoped3A, %dma_wait3A_42] : memref<32x80x125xi32, #tpu.memory_space<hbm>> -> memref<1x1x125xi32, #tpu.memory_space<hbm>>
      %dma_wait3A_44 = tpu.memref_squeeze %dma_wait3A_43 : memref<1x1x125xi32, #tpu.memory_space<hbm>> -> memref<125xi32, #tpu.memory_space<hbm>>
      tpu.wait_dma2 semaphore(%run_scoped3A_32 : memref<!tpu.dma_semaphore, #tpu.memory_space<semaphore_mem>>) src(%dma_wait3A_44 : memref<125xi32, #tpu.memory_space<hbm>>) dst(%arg8 : memref<125xi32, #tpu.memory_space<vmem>>)
      tpu.yield
    }) : () -> ()
    %dma_start3A = arith.constant 0 : i32
    %dma_start3A_5 = arith.constant 0 : i32
    %dma_start3A_6 = tpu.memref_slice %arg2[%dma_start3A, %dma_start3A_5] : memref<10000x128xf32, #tpu.memory_space<hbm>> -> memref<10000x128xf32, #tpu.memory_space<hbm>>
    tpu.enqueue_indirect_dma source(%dma_start3A_6 : memref<10000x128xf32, #tpu.memory_space<hbm>>) target(%arg10 : memref<125x128xf32, #tpu.memory_space<vmem>>) offsets(%arg8 : memref<125xi32, #tpu.memory_space<vmem>>) semaphore(%arg15 : memref<!tpu.dma_semaphore, #tpu.memory_space<semaphore_mem>>)
    %dma_start3A_7 = arith.constant 1 : i32
    %dma_start3A_8 = arith.constant 0 : i32
    %dma_start3A_9 = tpu.memref_slice %arg3[%add3A, %dma_start3A_7, %dma_start3A_8] : memref<32x80x125xi32, #tpu.memory_space<hbm>> -> memref<1x1x125xi32, #tpu.memory_space<hbm>>
    %dma_start3A_10 = tpu.memref_squeeze %dma_start3A_9 : memref<1x1x125xi32, #tpu.memory_space<hbm>> -> memref<125xi32, #tpu.memory_space<hbm>>
    %dma_start3A_11 = arith.constant 0 : i32
    %dma_start3A_12 = tpu.memref_slice %arg3[%add3A, %dma_start3A_7, %dma_start3A_11] : memref<32x80x125xi32, #tpu.memory_space<hbm>> -> memref<1x1x125xi32, #tpu.memory_space<hbm>>
    %dma_start3A_13 = tpu.memref_squeeze %dma_start3A_12 : memref<1x1x125xi32, #tpu.memory_space<hbm>> -> memref<125xi32, #tpu.memory_space<hbm>>
    tpu.enqueue_dma source(%dma_start3A_13 : memref<125xi32, #tpu.memory_space<hbm>>) target(%arg9 : memref<125xi32, #tpu.memory_space<vmem>>) target_semaphore(%arg14 : memref<!tpu.dma_semaphore, #tpu.memory_space<semaphore_mem>>)
    %scan3A = arith.constant 0 : i32
    %scan3A_14 = arith.constant 40 : i32
    %scan3A_15 = arith.addi %scan3A, %scan3A_14 : i32
    %scan3A_16 = arith.constant 1 : i32
    scf.for %scan3A_32 = %scan3A to %scan3A_15 step %scan3A_16  : i32 {
      %mul3A_33 = arith.constant 2 : i32
      %mul3A_34 = arith.muli %scan3A_32, %mul3A_33 : i32
      %add3A_35 = arith.constant 0 : i32
      %add3A_36 = arith.addi %add3A_35, %mul3A_34 : i32
      %add3A_37 = arith.constant 0 : i32
      %add3A_38 = arith.addi %add3A_36, %add3A_37 : i32
      %dma_wait3A_39 = arith.constant 0 : i32
      %dma_wait3A_40 = arith.constant 0 : i32
      %dma_wait3A_41 = tpu.memref_slice %arg2[%dma_wait3A_39, %dma_wait3A_40] : memref<10000x128xf32, #tpu.memory_space<hbm>> -> memref<10000x128xf32, #tpu.memory_space<hbm>>
      tpu.wait_indirect_dma semaphore(%arg15 : memref<!tpu.dma_semaphore, #tpu.memory_space<semaphore_mem>>) src(%dma_wait3A_41 : memref<10000x128xf32, #tpu.memory_space<hbm>>) dst(%arg10 : memref<125x128xf32, #tpu.memory_space<vmem>>)
      %add3A_42 = arith.constant 2 : i32
      %add3A_43 = arith.addi %add3A_38, %add3A_42 : i32
      %lt3A = arith.constant 80 : i32
      %lt3A_44 = arith.cmpi slt, %add3A_43, %lt3A : i32
      %convert_element_type3A = arith.extui %lt3A_44 : i1 to i32
      %cond3A = arith.constant 0 : i32
      %cond3A_45 = arith.cmpi ne, %convert_element_type3A, %cond3A : i32
      scf.if %cond3A_45 {
        %add3A_84 = arith.constant 2 : i32
        %add3A_85 = arith.addi %add3A_38, %add3A_84 : i32
        %dma_start3A_86 = arith.constant 0 : i32
        %dma_start3A_87 = tpu.memref_slice %arg3[%add3A, %add3A_85, %dma_start3A_86] : memref<32x80x125xi32, #tpu.memory_space<hbm>> -> memref<1x1x125xi32, #tpu.memory_space<hbm>>
        %dma_start3A_88 = tpu.memref_squeeze %dma_start3A_87 : memref<1x1x125xi32, #tpu.memory_space<hbm>> -> memref<125xi32, #tpu.memory_space<hbm>>
        %dma_start3A_89 = arith.constant 0 : i32
        %dma_start3A_90 = tpu.memref_slice %arg3[%add3A, %add3A_85, %dma_start3A_89] : memref<32x80x125xi32, #tpu.memory_space<hbm>> -> memref<1x1x125xi32, #tpu.memory_space<hbm>>
        %dma_start3A_91 = tpu.memref_squeeze %dma_start3A_90 : memref<1x1x125xi32, #tpu.memory_space<hbm>> -> memref<125xi32, #tpu.memory_space<hbm>>
        tpu.enqueue_dma source(%dma_start3A_91 : memref<125xi32, #tpu.memory_space<hbm>>) target(%arg8 : memref<125xi32, #tpu.memory_space<vmem>>) target_semaphore(%arg13 : memref<!tpu.dma_semaphore, #tpu.memory_space<semaphore_mem>>)
      } else {
      }
      %add3A_46 = arith.constant 1 : i32
      %add3A_47 = arith.addi %add3A_38, %add3A_46 : i32
      %lt3A_48 = arith.constant 80 : i32
      %lt3A_49 = arith.cmpi slt, %add3A_47, %lt3A_48 : i32
      %convert_element_type3A_50 = arith.extui %lt3A_49 : i1 to i32
      %cond3A_51 = arith.constant 0 : i32
      %cond3A_52 = arith.cmpi ne, %convert_element_type3A_50, %cond3A_51 : i32
      scf.if %cond3A_52 {
        %ge3A = arith.constant 1 : i32
        %ge3A_84 = arith.cmpi sge, %add3A_38, %ge3A : i32
        %convert_element_type3A_85 = arith.extui %ge3A_84 : i1 to i32
        %cond3A_86 = arith.constant 0 : i32
        %cond3A_87 = arith.cmpi ne, %convert_element_type3A_85, %cond3A_86 : i32
        scf.if %cond3A_87 {
          %dma_wait3A_99 = arith.constant 0 : i32
          %dma_wait3A_100 = tpu.memref_slice %arg7[%add3A_38, %dma_wait3A_99] : memref<80x125xi32, #tpu.memory_space<vmem>> -> memref<1x125xi32, #tpu.memory_space<vmem>>
          %dma_wait3A_101 = tpu.memref_squeeze %dma_wait3A_100 : memref<1x125xi32, #tpu.memory_space<vmem>> -> memref<125xi32, #tpu.memory_space<vmem>>
          %dma_wait3A_102 = arith.constant 0 : i32
          %dma_wait3A_103 = arith.constant 0 : i32
          %dma_wait3A_104 = tpu.memref_slice %arg12[%dma_wait3A_102, %dma_wait3A_103] : memref<10240x128xf32, #tpu.memory_space<vmem_shared>> -> memref<10240x128xf32, #tpu.memory_space<vmem_shared>>
          tpu.wait_indirect_dma semaphore(%arg18 : memref<!tpu.dma_semaphore, #tpu.memory_space<semaphore_mem>>) src(%arg11 : memref<125x128xf32, #tpu.memory_space<vmem>>) dst(%dma_wait3A_104 : memref<10240x128xf32, #tpu.memory_space<vmem_shared>>)
        } else {
        }
        %add3A_88 = arith.constant 1 : i32
        %add3A_89 = arith.addi %add3A_38, %add3A_88 : i32
        %dma_wait3A_90 = arith.constant 0 : i32
        %dma_wait3A_91 = tpu.memref_slice %arg3[%add3A, %add3A_89, %dma_wait3A_90] : memref<32x80x125xi32, #tpu.memory_space<hbm>> -> memref<1x1x125xi32, #tpu.memory_space<hbm>>
        %dma_wait3A_92 = tpu.memref_squeeze %dma_wait3A_91 : memref<1x1x125xi32, #tpu.memory_space<hbm>> -> memref<125xi32, #tpu.memory_space<hbm>>
        %dma_wait3A_93 = arith.constant 0 : i32
        %dma_wait3A_94 = tpu.memref_slice %arg3[%add3A, %add3A_89, %dma_wait3A_93] : memref<32x80x125xi32, #tpu.memory_space<hbm>> -> memref<1x1x125xi32, #tpu.memory_space<hbm>>
        %dma_wait3A_95 = tpu.memref_squeeze %dma_wait3A_94 : memref<1x1x125xi32, #tpu.memory_space<hbm>> -> memref<125xi32, #tpu.memory_space<hbm>>
        tpu.wait_dma2 semaphore(%arg14 : memref<!tpu.dma_semaphore, #tpu.memory_space<semaphore_mem>>) src(%dma_wait3A_95 : memref<125xi32, #tpu.memory_space<hbm>>) dst(%arg9 : memref<125xi32, #tpu.memory_space<vmem>>)
        %dma_start3A_96 = arith.constant 0 : i32
        %dma_start3A_97 = arith.constant 0 : i32
        %dma_start3A_98 = tpu.memref_slice %arg2[%dma_start3A_96, %dma_start3A_97] : memref<10000x128xf32, #tpu.memory_space<hbm>> -> memref<10000x128xf32, #tpu.memory_space<hbm>>
        tpu.enqueue_indirect_dma source(%dma_start3A_98 : memref<10000x128xf32, #tpu.memory_space<hbm>>) target(%arg11 : memref<125x128xf32, #tpu.memory_space<vmem>>) offsets(%arg9 : memref<125xi32, #tpu.memory_space<vmem>>) semaphore(%arg16 : memref<!tpu.dma_semaphore, #tpu.memory_space<semaphore_mem>>)
      } else {
      }
      %dma_start3A_53 = arith.constant 0 : i32
      %dma_start3A_54 = tpu.memref_slice %arg7[%add3A_38, %dma_start3A_53] : memref<80x125xi32, #tpu.memory_space<vmem>> -> memref<1x125xi32, #tpu.memory_space<vmem>>
      %dma_start3A_55 = tpu.memref_squeeze %dma_start3A_54 : memref<1x125xi32, #tpu.memory_space<vmem>> -> memref<125xi32, #tpu.memory_space<vmem>>
      %dma_start3A_56 = arith.constant 0 : i32
      %dma_start3A_57 = arith.constant 0 : i32
      %dma_start3A_58 = tpu.memref_slice %arg12[%dma_start3A_56, %dma_start3A_57] : memref<10240x128xf32, #tpu.memory_space<vmem_shared>> -> memref<10240x128xf32, #tpu.memory_space<vmem_shared>>
      tpu.enqueue_indirect_dma source(%arg10 : memref<125x128xf32, #tpu.memory_space<vmem>>) target(%dma_start3A_58 : memref<10240x128xf32, #tpu.memory_space<vmem_shared>>) offsets(%dma_start3A_55 : memref<125xi32, #tpu.memory_space<vmem>>) semaphore(%arg17 : memref<!tpu.dma_semaphore, #tpu.memory_space<semaphore_mem>>) {add = true}
      %add3A_59 = arith.constant 1 : i32
      %add3A_60 = arith.addi %add3A_36, %add3A_59 : i32
      %dma_wait3A_61 = arith.constant 0 : i32
      %dma_wait3A_62 = arith.constant 0 : i32
      %dma_wait3A_63 = tpu.memref_slice %arg2[%dma_wait3A_61, %dma_wait3A_62] : memref<10000x128xf32, #tpu.memory_space<hbm>> -> memref<10000x128xf32, #tpu.memory_space<hbm>>
      tpu.wait_indirect_dma semaphore(%arg16 : memref<!tpu.dma_semaphore, #tpu.memory_space<semaphore_mem>>) src(%dma_wait3A_63 : memref<10000x128xf32, #tpu.memory_space<hbm>>) dst(%arg11 : memref<125x128xf32, #tpu.memory_space<vmem>>)
      %add3A_64 = arith.constant 2 : i32
      %add3A_65 = arith.addi %add3A_60, %add3A_64 : i32
      %lt3A_66 = arith.constant 80 : i32
      %lt3A_67 = arith.cmpi slt, %add3A_65, %lt3A_66 : i32
      %convert_element_type3A_68 = arith.extui %lt3A_67 : i1 to i32
      %cond3A_69 = arith.constant 0 : i32
      %cond3A_70 = arith.cmpi ne, %convert_element_type3A_68, %cond3A_69 : i32
      scf.if %cond3A_70 {
        %add3A_84 = arith.constant 2 : i32
        %add3A_85 = arith.addi %add3A_60, %add3A_84 : i32
        %dma_start3A_86 = arith.constant 0 : i32
        %dma_start3A_87 = tpu.memref_slice %arg3[%add3A, %add3A_85, %dma_start3A_86] : memref<32x80x125xi32, #tpu.memory_space<hbm>> -> memref<1x1x125xi32, #tpu.memory_space<hbm>>
        %dma_start3A_88 = tpu.memref_squeeze %dma_start3A_87 : memref<1x1x125xi32, #tpu.memory_space<hbm>> -> memref<125xi32, #tpu.memory_space<hbm>>
        %dma_start3A_89 = arith.constant 0 : i32
        %dma_start3A_90 = tpu.memref_slice %arg3[%add3A, %add3A_85, %dma_start3A_89] : memref<32x80x125xi32, #tpu.memory_space<hbm>> -> memref<1x1x125xi32, #tpu.memory_space<hbm>>
        %dma_start3A_91 = tpu.memref_squeeze %dma_start3A_90 : memref<1x1x125xi32, #tpu.memory_space<hbm>> -> memref<125xi32, #tpu.memory_space<hbm>>
        tpu.enqueue_dma source(%dma_start3A_91 : memref<125xi32, #tpu.memory_space<hbm>>) target(%arg9 : memref<125xi32, #tpu.memory_space<vmem>>) target_semaphore(%arg14 : memref<!tpu.dma_semaphore, #tpu.memory_space<semaphore_mem>>)
      } else {
      }
      %add3A_71 = arith.constant 1 : i32
      %add3A_72 = arith.addi %add3A_60, %add3A_71 : i32
      %lt3A_73 = arith.constant 80 : i32
      %lt3A_74 = arith.cmpi slt, %add3A_72, %lt3A_73 : i32
      %convert_element_type3A_75 = arith.extui %lt3A_74 : i1 to i32
      %cond3A_76 = arith.constant 0 : i32
      %cond3A_77 = arith.cmpi ne, %convert_element_type3A_75, %cond3A_76 : i32
      scf.if %cond3A_77 {
        %ge3A = arith.constant 1 : i32
        %ge3A_84 = arith.cmpi sge, %add3A_60, %ge3A : i32
        %convert_element_type3A_85 = arith.extui %ge3A_84 : i1 to i32
        %cond3A_86 = arith.constant 0 : i32
        %cond3A_87 = arith.cmpi ne, %convert_element_type3A_85, %cond3A_86 : i32
        scf.if %cond3A_87 {
          %dma_wait3A_99 = arith.constant 0 : i32
          %dma_wait3A_100 = tpu.memref_slice %arg7[%add3A_60, %dma_wait3A_99] : memref<80x125xi32, #tpu.memory_space<vmem>> -> memref<1x125xi32, #tpu.memory_space<vmem>>
          %dma_wait3A_101 = tpu.memref_squeeze %dma_wait3A_100 : memref<1x125xi32, #tpu.memory_space<vmem>> -> memref<125xi32, #tpu.memory_space<vmem>>
          %dma_wait3A_102 = arith.constant 0 : i32
          %dma_wait3A_103 = arith.constant 0 : i32
          %dma_wait3A_104 = tpu.memref_slice %arg12[%dma_wait3A_102, %dma_wait3A_103] : memref<10240x128xf32, #tpu.memory_space<vmem_shared>> -> memref<10240x128xf32, #tpu.memory_space<vmem_shared>>
          tpu.wait_indirect_dma semaphore(%arg17 : memref<!tpu.dma_semaphore, #tpu.memory_space<semaphore_mem>>) src(%arg10 : memref<125x128xf32, #tpu.memory_space<vmem>>) dst(%dma_wait3A_104 : memref<10240x128xf32, #tpu.memory_space<vmem_shared>>)
        } else {
        }
        %add3A_88 = arith.constant 1 : i32
        %add3A_89 = arith.addi %add3A_60, %add3A_88 : i32
        %dma_wait3A_90 = arith.constant 0 : i32
        %dma_wait3A_91 = tpu.memref_slice %arg3[%add3A, %add3A_89, %dma_wait3A_90] : memref<32x80x125xi32, #tpu.memory_space<hbm>> -> memref<1x1x125xi32, #tpu.memory_space<hbm>>
        %dma_wait3A_92 = tpu.memref_squeeze %dma_wait3A_91 : memref<1x1x125xi32, #tpu.memory_space<hbm>> -> memref<125xi32, #tpu.memory_space<hbm>>
        %dma_wait3A_93 = arith.constant 0 : i32
        %dma_wait3A_94 = tpu.memref_slice %arg3[%add3A, %add3A_89, %dma_wait3A_93] : memref<32x80x125xi32, #tpu.memory_space<hbm>> -> memref<1x1x125xi32, #tpu.memory_space<hbm>>
        %dma_wait3A_95 = tpu.memref_squeeze %dma_wait3A_94 : memref<1x1x125xi32, #tpu.memory_space<hbm>> -> memref<125xi32, #tpu.memory_space<hbm>>
        tpu.wait_dma2 semaphore(%arg13 : memref<!tpu.dma_semaphore, #tpu.memory_space<semaphore_mem>>) src(%dma_wait3A_95 : memref<125xi32, #tpu.memory_space<hbm>>) dst(%arg8 : memref<125xi32, #tpu.memory_space<vmem>>)
        %dma_start3A_96 = arith.constant 0 : i32
        %dma_start3A_97 = arith.constant 0 : i32
        %dma_start3A_98 = tpu.memref_slice %arg2[%dma_start3A_96, %dma_start3A_97] : memref<10000x128xf32, #tpu.memory_space<hbm>> -> memref<10000x128xf32, #tpu.memory_space<hbm>>
        tpu.enqueue_indirect_dma source(%dma_start3A_98 : memref<10000x128xf32, #tpu.memory_space<hbm>>) target(%arg10 : memref<125x128xf32, #tpu.memory_space<vmem>>) offsets(%arg8 : memref<125xi32, #tpu.memory_space<vmem>>) semaphore(%arg15 : memref<!tpu.dma_semaphore, #tpu.memory_space<semaphore_mem>>)
      } else {
      }
      %dma_start3A_78 = arith.constant 0 : i32
      %dma_start3A_79 = tpu.memref_slice %arg7[%add3A_60, %dma_start3A_78] : memref<80x125xi32, #tpu.memory_space<vmem>> -> memref<1x125xi32, #tpu.memory_space<vmem>>
      %dma_start3A_80 = tpu.memref_squeeze %dma_start3A_79 : memref<1x125xi32, #tpu.memory_space<vmem>> -> memref<125xi32, #tpu.memory_space<vmem>>
      %dma_start3A_81 = arith.constant 0 : i32
      %dma_start3A_82 = arith.constant 0 : i32
      %dma_start3A_83 = tpu.memref_slice %arg12[%dma_start3A_81, %dma_start3A_82] : memref<10240x128xf32, #tpu.memory_space<vmem_shared>> -> memref<10240x128xf32, #tpu.memory_space<vmem_shared>>
      tpu.enqueue_indirect_dma source(%arg11 : memref<125x128xf32, #tpu.memory_space<vmem>>) target(%dma_start3A_83 : memref<10240x128xf32, #tpu.memory_space<vmem_shared>>) offsets(%dma_start3A_80 : memref<125xi32, #tpu.memory_space<vmem>>) semaphore(%arg18 : memref<!tpu.dma_semaphore, #tpu.memory_space<semaphore_mem>>) {add = true}
    }
    %scan3A_17 = arith.constant 40 : i32
    %dma_wait3A = arith.constant 0 : i32
    %dma_wait3A_18 = arith.constant 0 : i32
    %dma_wait3A_19 = tpu.memref_slice %arg7[%dma_wait3A, %dma_wait3A_18] : memref<80x125xi32, #tpu.memory_space<vmem>> -> memref<1x125xi32, #tpu.memory_space<vmem>>
    %dma_wait3A_20 = tpu.memref_squeeze %dma_wait3A_19 : memref<1x125xi32, #tpu.memory_space<vmem>> -> memref<125xi32, #tpu.memory_space<vmem>>
    %dma_wait3A_21 = arith.constant 0 : i32
    %dma_wait3A_22 = arith.constant 0 : i32
    %dma_wait3A_23 = tpu.memref_slice %arg12[%dma_wait3A_21, %dma_wait3A_22] : memref<10240x128xf32, #tpu.memory_space<vmem_shared>> -> memref<10240x128xf32, #tpu.memory_space<vmem_shared>>
    tpu.wait_indirect_dma semaphore(%arg17 : memref<!tpu.dma_semaphore, #tpu.memory_space<semaphore_mem>>) src(%arg10 : memref<125x128xf32, #tpu.memory_space<vmem>>) dst(%dma_wait3A_23 : memref<10240x128xf32, #tpu.memory_space<vmem_shared>>)
    %dma_wait3A_24 = arith.constant 1 : i32
    %dma_wait3A_25 = arith.constant 0 : i32
    %dma_wait3A_26 = tpu.memref_slice %arg7[%dma_wait3A_24, %dma_wait3A_25] : memref<80x125xi32, #tpu.memory_space<vmem>> -> memref<1x125xi32, #tpu.memory_space<vmem>>
    %dma_wait3A_27 = tpu.memref_squeeze %dma_wait3A_26 : memref<1x125xi32, #tpu.memory_space<vmem>> -> memref<125xi32, #tpu.memory_space<vmem>>
    %dma_wait3A_28 = arith.constant 0 : i32
    %dma_wait3A_29 = arith.constant 0 : i32
    %dma_wait3A_30 = tpu.memref_slice %arg12[%dma_wait3A_28, %dma_wait3A_29] : memref<10240x128xf32, #tpu.memory_space<vmem_shared>> -> memref<10240x128xf32, #tpu.memory_space<vmem_shared>>
    tpu.wait_indirect_dma semaphore(%arg18 : memref<!tpu.dma_semaphore, #tpu.memory_space<semaphore_mem>>) src(%arg11 : memref<125x128xf32, #tpu.memory_space<vmem>>) dst(%dma_wait3A_30 : memref<10240x128xf32, #tpu.memory_space<vmem_shared>>)
    %barrier3A_31 = arith.constant 0 : index
    tpu.barrier barrier_id(%barrier3A_31)
    "tpu.region"() ({
      %run_scoped3A_32 = tpu.sem_alloc : memref<!tpu.dma_semaphore, #tpu.memory_space<semaphore_mem>>
      %dma_start3A_33 = arith.constant 0 : i32
      %dma_start3A_34 = tpu.memref_slice %arg6[%arg0, %mul3A_4, %dma_start3A_33] : memref<2x10240x128xf32, #tpu.memory_space<hbm>> -> memref<1x640x128xf32, #tpu.memory_space<hbm>>
      %dma_start3A_35 = tpu.memref_squeeze %dma_start3A_34 : memref<1x640x128xf32, #tpu.memory_space<hbm>> -> memref<640x128xf32, #tpu.memory_space<hbm>>
      %dma_start3A_36 = arith.constant 0 : i32
      %dma_start3A_37 = tpu.memref_slice %arg12[%mul3A_4, %dma_start3A_36] : memref<10240x128xf32, #tpu.memory_space<vmem_shared>> -> memref<640x128xf32, #tpu.memory_space<vmem_shared>>
      tpu.enqueue_dma source(%dma_start3A_37 : memref<640x128xf32, #tpu.memory_space<vmem_shared>>) target(%dma_start3A_35 : memref<640x128xf32, #tpu.memory_space<hbm>>) target_semaphore(%run_scoped3A_32 : memref<!tpu.dma_semaphore, #tpu.memory_space<semaphore_mem>>)
      %dma_wait3A_38 = arith.constant 0 : i32
      %dma_wait3A_39 = tpu.memref_slice %arg6[%arg0, %mul3A_4, %dma_wait3A_38] : memref<2x10240x128xf32, #tpu.memory_space<hbm>> -> memref<1x640x128xf32, #tpu.memory_space<hbm>>
      %dma_wait3A_40 = tpu.memref_squeeze %dma_wait3A_39 : memref<1x640x128xf32, #tpu.memory_space<hbm>> -> memref<640x128xf32, #tpu.memory_space<hbm>>
      %dma_wait3A_41 = arith.constant 0 : i32
      %dma_wait3A_42 = tpu.memref_slice %arg12[%mul3A_4, %dma_wait3A_41] : memref<10240x128xf32, #tpu.memory_space<vmem_shared>> -> memref<640x128xf32, #tpu.memory_space<vmem_shared>>
      tpu.wait_dma2 semaphore(%run_scoped3A_32 : memref<!tpu.dma_semaphore, #tpu.memory_space<semaphore_mem>>) src(%dma_wait3A_42 : memref<640x128xf32, #tpu.memory_space<vmem_shared>>) dst(%dma_wait3A_40 : memref<640x128xf32, #tpu.memory_space<hbm>>)
      tpu.yield
    }) : () -> ()
    return
  }
}

#map = affine_map<(d0, d1) -> (0, 0)>
#map1 = affine_map<(d0, d1) -> (0)>
#map2 = affine_map<(d0, d1) -> (0, 0, 0)>
module attributes {stable_mosaic.version = 14 : i64} {
  func.func @_edge_pass_body(%arg0: i32, %arg1: i32, %arg2: memref<10000x128xf32, #tpu.memory_space<hbm>>, %arg3: memref<10000x128xf32, #tpu.memory_space<hbm>>, %arg4: memref<320000xi32, #tpu.memory_space<hbm>>, %arg5: memref<32x250x40xi32, #tpu.memory_space<hbm>>, %arg6: memref<128xf32, #tpu.memory_space<hbm>>, %arg7: memref<10016x128xf32, #tpu.memory_space<hbm>>, %arg8: memref<10016x16xf32, #tpu.memory_space<hbm>>, %arg9: memref<2x10016x128xf32, #tpu.memory_space<hbm>>, %arg10: memref<2x10016x16xf32, #tpu.memory_space<hbm>>, %arg11: memref<128xf32, #tpu.memory_space<vmem>>, %arg12: memref<250x40xi32, #tpu.memory_space<vmem>>, %arg13: memref<40xi32, #tpu.memory_space<vmem>>, %arg14: memref<40xi32, #tpu.memory_space<vmem>>, %arg15: memref<40x128xf32, #tpu.memory_space<vmem>>, %arg16: memref<40x128xf32, #tpu.memory_space<vmem>>, %arg17: memref<40x128xf32, #tpu.memory_space<vmem>>, %arg18: memref<40x128xf32, #tpu.memory_space<vmem>>, %arg19: memref<40x128xf32, #tpu.memory_space<vmem>>, %arg20: memref<40x16xf32, #tpu.memory_space<vmem>>, %arg21: memref<10016x128xf32, #tpu.memory_space<vmem_shared>>, %arg22: memref<10016x16xf32, #tpu.memory_space<vmem_shared>>, %arg23: memref<!tpu.dma_semaphore, #tpu.memory_space<semaphore_mem>>, %arg24: memref<!tpu.dma_semaphore, #tpu.memory_space<semaphore_mem>>, %arg25: memref<!tpu.dma_semaphore, #tpu.memory_space<semaphore_mem>>, %arg26: memref<!tpu.dma_semaphore, #tpu.memory_space<semaphore_mem>>, %arg27: memref<!tpu.dma_semaphore, #tpu.memory_space<semaphore_mem>>, %arg28: memref<!tpu.dma_semaphore, #tpu.memory_space<semaphore_mem>>, %arg29: memref<!tpu.dma_semaphore, #tpu.memory_space<semaphore_mem>>, %arg30: memref<!tpu.dma_semaphore, #tpu.memory_space<semaphore_mem>>) attributes {dimension_semantics = [#tpu.dimension_semantics<core_parallel>, #tpu.dimension_semantics<subcore_parallel>], iteration_bounds = array<i64: 2, 16>, scalar_prefetch = 0 : i64, scratch_operands = 20 : i64, tpu.core_type = #tpu.core_type<sc_vector_subcore>, window_params = [{transform_indices = #map}, {transform_indices = #map}, {transform_indices = #map1}, {transform_indices = #map2}, {transform_indices = #map1}, {transform_indices = #map}, {transform_indices = #map}, {transform_indices = #map2}, {transform_indices = #map2}]} {
    %mul3A = arith.constant 2 : i32
    %mul3A_0 = arith.muli %arg1, %mul3A : i32
    %add3A = arith.addi %mul3A_0, %arg0 : i32
    "tpu.region"() ({
      %run_scoped3A = tpu.sem_alloc : memref<!tpu.dma_semaphore, #tpu.memory_space<semaphore_mem>>
      tpu.enqueue_dma source(%arg6 : memref<128xf32, #tpu.memory_space<hbm>>) target(%arg11 : memref<128xf32, #tpu.memory_space<vmem>>) target_semaphore(%run_scoped3A : memref<!tpu.dma_semaphore, #tpu.memory_space<semaphore_mem>>)
      tpu.wait_dma2 semaphore(%run_scoped3A : memref<!tpu.dma_semaphore, #tpu.memory_space<semaphore_mem>>) src(%arg6 : memref<128xf32, #tpu.memory_space<hbm>>) dst(%arg11 : memref<128xf32, #tpu.memory_space<vmem>>)
      tpu.yield
    }) : () -> ()
    %lt3A = arith.constant 4 : i32
    %lt3A_1 = arith.cmpi slt, %arg1, %lt3A : i32
    %mul3A_2 = arith.constant 632 : i32
    %mul3A_3 = arith.muli %arg1, %mul3A_2 : i32
    %sub3A = arith.constant 4 : i32
    %sub3A_4 = arith.subi %arg1, %sub3A : i32
    %mul3A_5 = arith.constant 624 : i32
    %mul3A_6 = arith.muli %sub3A_4, %mul3A_5 : i32
    %add3A_7 = arith.constant 2528 : i32
    %add3A_8 = arith.addi %add3A_7, %mul3A_6 : i32
    %select_n3A = arith.select %lt3A_1, %mul3A_3, %add3A_8 : i32
    %lt3A_9 = arith.constant 4 : i32
    %lt3A_10 = arith.cmpi slt, %arg1, %lt3A_9 : i32
    %convert_element_type3A = arith.extui %lt3A_10 : i1 to i32
    %cond3A = arith.constant 0 : i32
    %cond3A_11 = arith.cmpi ne, %convert_element_type3A, %cond3A : i32
    scf.if %cond3A_11 {
      "tpu.region"() ({
        %run_scoped3A = tpu.sem_alloc : memref<!tpu.dma_semaphore, #tpu.memory_space<semaphore_mem>>
        %dma_start3A_82 = arith.constant 0 : i32
        %dma_start3A_83 = tpu.memref_slice %arg21[%select_n3A, %dma_start3A_82] : memref<10016x128xf32, #tpu.memory_space<vmem_shared>> -> memref<632x128xf32, #tpu.memory_space<vmem_shared>>
        %dma_start3A_84 = arith.constant 0 : i32
        %dma_start3A_85 = tpu.memref_slice %arg7[%select_n3A, %dma_start3A_84] : memref<10016x128xf32, #tpu.memory_space<hbm>> -> memref<632x128xf32, #tpu.memory_space<hbm>>
        tpu.enqueue_dma source(%dma_start3A_85 : memref<632x128xf32, #tpu.memory_space<hbm>>) target(%dma_start3A_83 : memref<632x128xf32, #tpu.memory_space<vmem_shared>>) target_semaphore(%run_scoped3A : memref<!tpu.dma_semaphore, #tpu.memory_space<semaphore_mem>>)
        %dma_wait3A_86 = arith.constant 0 : i32
        %dma_wait3A_87 = tpu.memref_slice %arg21[%select_n3A, %dma_wait3A_86] : memref<10016x128xf32, #tpu.memory_space<vmem_shared>> -> memref<632x128xf32, #tpu.memory_space<vmem_shared>>
        %dma_wait3A_88 = arith.constant 0 : i32
        %dma_wait3A_89 = tpu.memref_slice %arg7[%select_n3A, %dma_wait3A_88] : memref<10016x128xf32, #tpu.memory_space<hbm>> -> memref<632x128xf32, #tpu.memory_space<hbm>>
        tpu.wait_dma2 semaphore(%run_scoped3A : memref<!tpu.dma_semaphore, #tpu.memory_space<semaphore_mem>>) src(%dma_wait3A_89 : memref<632x128xf32, #tpu.memory_space<hbm>>) dst(%dma_wait3A_87 : memref<632x128xf32, #tpu.memory_space<vmem_shared>>)
        tpu.yield
      }) : () -> ()
      "tpu.region"() ({
        %run_scoped3A = tpu.sem_alloc : memref<!tpu.dma_semaphore, #tpu.memory_space<semaphore_mem>>
        %dma_start3A_82 = arith.constant 0 : i32
        %dma_start3A_83 = tpu.memref_slice %arg22[%select_n3A, %dma_start3A_82] : memref<10016x16xf32, #tpu.memory_space<vmem_shared>> -> memref<632x16xf32, #tpu.memory_space<vmem_shared>>
        %dma_start3A_84 = arith.constant 0 : i32
        %dma_start3A_85 = tpu.memref_slice %arg8[%select_n3A, %dma_start3A_84] : memref<10016x16xf32, #tpu.memory_space<hbm>> -> memref<632x16xf32, #tpu.memory_space<hbm>>
        tpu.enqueue_dma source(%dma_start3A_85 : memref<632x16xf32, #tpu.memory_space<hbm>>) target(%dma_start3A_83 : memref<632x16xf32, #tpu.memory_space<vmem_shared>>) target_semaphore(%run_scoped3A : memref<!tpu.dma_semaphore, #tpu.memory_space<semaphore_mem>>)
        %dma_wait3A_86 = arith.constant 0 : i32
        %dma_wait3A_87 = tpu.memref_slice %arg22[%select_n3A, %dma_wait3A_86] : memref<10016x16xf32, #tpu.memory_space<vmem_shared>> -> memref<632x16xf32, #tpu.memory_space<vmem_shared>>
        %dma_wait3A_88 = arith.constant 0 : i32
        %dma_wait3A_89 = tpu.memref_slice %arg8[%select_n3A, %dma_wait3A_88] : memref<10016x16xf32, #tpu.memory_space<hbm>> -> memref<632x16xf32, #tpu.memory_space<hbm>>
        tpu.wait_dma2 semaphore(%run_scoped3A : memref<!tpu.dma_semaphore, #tpu.memory_space<semaphore_mem>>) src(%dma_wait3A_89 : memref<632x16xf32, #tpu.memory_space<hbm>>) dst(%dma_wait3A_87 : memref<632x16xf32, #tpu.memory_space<vmem_shared>>)
        tpu.yield
      }) : () -> ()
    } else {
    }
    %ge3A = arith.constant 4 : i32
    %ge3A_12 = arith.cmpi sge, %arg1, %ge3A : i32
    %convert_element_type3A_13 = arith.extui %ge3A_12 : i1 to i32
    %cond3A_14 = arith.constant 0 : i32
    %cond3A_15 = arith.cmpi ne, %convert_element_type3A_13, %cond3A_14 : i32
    scf.if %cond3A_15 {
      "tpu.region"() ({
        %run_scoped3A = tpu.sem_alloc : memref<!tpu.dma_semaphore, #tpu.memory_space<semaphore_mem>>
        %dma_start3A_82 = arith.constant 0 : i32
        %dma_start3A_83 = tpu.memref_slice %arg21[%select_n3A, %dma_start3A_82] : memref<10016x128xf32, #tpu.memory_space<vmem_shared>> -> memref<624x128xf32, #tpu.memory_space<vmem_shared>>
        %dma_start3A_84 = arith.constant 0 : i32
        %dma_start3A_85 = tpu.memref_slice %arg7[%select_n3A, %dma_start3A_84] : memref<10016x128xf32, #tpu.memory_space<hbm>> -> memref<624x128xf32, #tpu.memory_space<hbm>>
        tpu.enqueue_dma source(%dma_start3A_85 : memref<624x128xf32, #tpu.memory_space<hbm>>) target(%dma_start3A_83 : memref<624x128xf32, #tpu.memory_space<vmem_shared>>) target_semaphore(%run_scoped3A : memref<!tpu.dma_semaphore, #tpu.memory_space<semaphore_mem>>)
        %dma_wait3A_86 = arith.constant 0 : i32
        %dma_wait3A_87 = tpu.memref_slice %arg21[%select_n3A, %dma_wait3A_86] : memref<10016x128xf32, #tpu.memory_space<vmem_shared>> -> memref<624x128xf32, #tpu.memory_space<vmem_shared>>
        %dma_wait3A_88 = arith.constant 0 : i32
        %dma_wait3A_89 = tpu.memref_slice %arg7[%select_n3A, %dma_wait3A_88] : memref<10016x128xf32, #tpu.memory_space<hbm>> -> memref<624x128xf32, #tpu.memory_space<hbm>>
        tpu.wait_dma2 semaphore(%run_scoped3A : memref<!tpu.dma_semaphore, #tpu.memory_space<semaphore_mem>>) src(%dma_wait3A_89 : memref<624x128xf32, #tpu.memory_space<hbm>>) dst(%dma_wait3A_87 : memref<624x128xf32, #tpu.memory_space<vmem_shared>>)
        tpu.yield
      }) : () -> ()
      "tpu.region"() ({
        %run_scoped3A = tpu.sem_alloc : memref<!tpu.dma_semaphore, #tpu.memory_space<semaphore_mem>>
        %dma_start3A_82 = arith.constant 0 : i32
        %dma_start3A_83 = tpu.memref_slice %arg22[%select_n3A, %dma_start3A_82] : memref<10016x16xf32, #tpu.memory_space<vmem_shared>> -> memref<624x16xf32, #tpu.memory_space<vmem_shared>>
        %dma_start3A_84 = arith.constant 0 : i32
        %dma_start3A_85 = tpu.memref_slice %arg8[%select_n3A, %dma_start3A_84] : memref<10016x16xf32, #tpu.memory_space<hbm>> -> memref<624x16xf32, #tpu.memory_space<hbm>>
        tpu.enqueue_dma source(%dma_start3A_85 : memref<624x16xf32, #tpu.memory_space<hbm>>) target(%dma_start3A_83 : memref<624x16xf32, #tpu.memory_space<vmem_shared>>) target_semaphore(%run_scoped3A : memref<!tpu.dma_semaphore, #tpu.memory_space<semaphore_mem>>)
        %dma_wait3A_86 = arith.constant 0 : i32
        %dma_wait3A_87 = tpu.memref_slice %arg22[%select_n3A, %dma_wait3A_86] : memref<10016x16xf32, #tpu.memory_space<vmem_shared>> -> memref<624x16xf32, #tpu.memory_space<vmem_shared>>
        %dma_wait3A_88 = arith.constant 0 : i32
        %dma_wait3A_89 = tpu.memref_slice %arg8[%select_n3A, %dma_wait3A_88] : memref<10016x16xf32, #tpu.memory_space<hbm>> -> memref<624x16xf32, #tpu.memory_space<hbm>>
        tpu.wait_dma2 semaphore(%run_scoped3A : memref<!tpu.dma_semaphore, #tpu.memory_space<semaphore_mem>>) src(%dma_wait3A_89 : memref<624x16xf32, #tpu.memory_space<hbm>>) dst(%dma_wait3A_87 : memref<624x16xf32, #tpu.memory_space<vmem_shared>>)
        tpu.yield
      }) : () -> ()
    } else {
    }
    %barrier3A = arith.constant 0 : index
    tpu.barrier barrier_id(%barrier3A)
    %get3A = arith.constant 0 : index
    %get3A_16 = tpu.vector_load %arg11[%get3A] {strides = array<i32>} : memref<128xf32, #tpu.memory_space<vmem>>, vector<16xf32>,
    %get3A_17 = vector.shape_cast %get3A_16 : vector<16xf32> to vector<16xf32>
    %get3A_18 = arith.constant 16 : index
    %get3A_19 = tpu.vector_load %arg11[%get3A_18] {strides = array<i32>} : memref<128xf32, #tpu.memory_space<vmem>>, vector<16xf32>,
    %get3A_20 = vector.shape_cast %get3A_19 : vector<16xf32> to vector<16xf32>
    %get3A_21 = arith.constant 32 : index
    %get3A_22 = tpu.vector_load %arg11[%get3A_21] {strides = array<i32>} : memref<128xf32, #tpu.memory_space<vmem>>, vector<16xf32>,
    %get3A_23 = vector.shape_cast %get3A_22 : vector<16xf32> to vector<16xf32>
    %get3A_24 = arith.constant 48 : index
    %get3A_25 = tpu.vector_load %arg11[%get3A_24] {strides = array<i32>} : memref<128xf32, #tpu.memory_space<vmem>>, vector<16xf32>,
    %get3A_26 = vector.shape_cast %get3A_25 : vector<16xf32> to vector<16xf32>
    %get3A_27 = arith.constant 64 : index
    %get3A_28 = tpu.vector_load %arg11[%get3A_27] {strides = array<i32>} : memref<128xf32, #tpu.memory_space<vmem>>, vector<16xf32>,
    %get3A_29 = vector.shape_cast %get3A_28 : vector<16xf32> to vector<16xf32>
    %get3A_30 = arith.constant 80 : index
    %get3A_31 = tpu.vector_load %arg11[%get3A_30] {strides = array<i32>} : memref<128xf32, #tpu.memory_space<vmem>>, vector<16xf32>,
    %get3A_32 = vector.shape_cast %get3A_31 : vector<16xf32> to vector<16xf32>
    %get3A_33 = arith.constant 96 : index
    %get3A_34 = tpu.vector_load %arg11[%get3A_33] {strides = array<i32>} : memref<128xf32, #tpu.memory_space<vmem>>, vector<16xf32>,
    %get3A_35 = vector.shape_cast %get3A_34 : vector<16xf32> to vector<16xf32>
    %get3A_36 = arith.constant 112 : index
    %get3A_37 = tpu.vector_load %arg11[%get3A_36] {strides = array<i32>} : memref<128xf32, #tpu.memory_space<vmem>>, vector<16xf32>,
    %get3A_38 = vector.shape_cast %get3A_37 : vector<16xf32> to vector<16xf32>
    %iota3A = tpu.iota {dimensions = array<i32: 0>} : vector<16xi32>
    %mul3A_39 = arith.constant 10000 : i32
    %mul3A_40 = arith.muli %add3A, %mul3A_39 : i32
    "tpu.region"() ({
      %run_scoped3A = tpu.sem_alloc : memref<!tpu.dma_semaphore, #tpu.memory_space<semaphore_mem>>
      %dma_start3A_82 = arith.constant 0 : i32
      %dma_start3A_83 = arith.constant 0 : i32
      %dma_start3A_84 = tpu.memref_slice %arg5[%add3A, %dma_start3A_82, %dma_start3A_83] : memref<32x250x40xi32, #tpu.memory_space<hbm>> -> memref<1x250x40xi32, #tpu.memory_space<hbm>>
      %dma_start3A_85 = tpu.memref_squeeze %dma_start3A_84 : memref<1x250x40xi32, #tpu.memory_space<hbm>> -> memref<250x40xi32, #tpu.memory_space<hbm>>
      %dma_start3A_86 = arith.constant 0 : i32
      %dma_start3A_87 = arith.constant 0 : i32
      %dma_start3A_88 = tpu.memref_slice %arg5[%add3A, %dma_start3A_86, %dma_start3A_87] : memref<32x250x40xi32, #tpu.memory_space<hbm>> -> memref<1x250x40xi32, #tpu.memory_space<hbm>>
      %dma_start3A_89 = tpu.memref_squeeze %dma_start3A_88 : memref<1x250x40xi32, #tpu.memory_space<hbm>> -> memref<250x40xi32, #tpu.memory_space<hbm>>
      tpu.enqueue_dma source(%dma_start3A_89 : memref<250x40xi32, #tpu.memory_space<hbm>>) target(%arg12 : memref<250x40xi32, #tpu.memory_space<vmem>>) target_semaphore(%run_scoped3A : memref<!tpu.dma_semaphore, #tpu.memory_space<semaphore_mem>>)
      %dma_wait3A_90 = arith.constant 0 : i32
      %dma_wait3A_91 = arith.constant 0 : i32
      %dma_wait3A_92 = tpu.memref_slice %arg5[%add3A, %dma_wait3A_90, %dma_wait3A_91] : memref<32x250x40xi32, #tpu.memory_space<hbm>> -> memref<1x250x40xi32, #tpu.memory_space<hbm>>
      %dma_wait3A_93 = tpu.memref_squeeze %dma_wait3A_92 : memref<1x250x40xi32, #tpu.memory_space<hbm>> -> memref<250x40xi32, #tpu.memory_space<hbm>>
      %dma_wait3A_94 = arith.constant 0 : i32
      %dma_wait3A_95 = arith.constant 0 : i32
      %dma_wait3A_96 = tpu.memref_slice %arg5[%add3A, %dma_wait3A_94, %dma_wait3A_95] : memref<32x250x40xi32, #tpu.memory_space<hbm>> -> memref<1x250x40xi32, #tpu.memory_space<hbm>>
      %dma_wait3A_97 = tpu.memref_squeeze %dma_wait3A_96 : memref<1x250x40xi32, #tpu.memory_space<hbm>> -> memref<250x40xi32, #tpu.memory_space<hbm>>
      tpu.wait_dma2 semaphore(%run_scoped3A : memref<!tpu.dma_semaphore, #tpu.memory_space<semaphore_mem>>) src(%dma_wait3A_97 : memref<250x40xi32, #tpu.memory_space<hbm>>) dst(%arg12 : memref<250x40xi32, #tpu.memory_space<vmem>>)
      tpu.yield
    }) : () -> ()
    "tpu.region"() ({
      %run_scoped3A = tpu.sem_alloc : memref<!tpu.dma_semaphore, #tpu.memory_space<semaphore_mem>>
      %dma_start3A_82 = tpu.memref_slice %arg4[%mul3A_40] : memref<320000xi32, #tpu.memory_space<hbm>> -> memref<40xi32, #tpu.memory_space<hbm>>
      %dma_start3A_83 = tpu.memref_slice %arg4[%mul3A_40] : memref<320000xi32, #tpu.memory_space<hbm>> -> memref<40xi32, #tpu.memory_space<hbm>>
      tpu.enqueue_dma source(%dma_start3A_83 : memref<40xi32, #tpu.memory_space<hbm>>) target(%arg13 : memref<40xi32, #tpu.memory_space<vmem>>) target_semaphore(%run_scoped3A : memref<!tpu.dma_semaphore, #tpu.memory_space<semaphore_mem>>)
      %dma_wait3A_84 = tpu.memref_slice %arg4[%mul3A_40] : memref<320000xi32, #tpu.memory_space<hbm>> -> memref<40xi32, #tpu.memory_space<hbm>>
      %dma_wait3A_85 = tpu.memref_slice %arg4[%mul3A_40] : memref<320000xi32, #tpu.memory_space<hbm>> -> memref<40xi32, #tpu.memory_space<hbm>>
      tpu.wait_dma2 semaphore(%run_scoped3A : memref<!tpu.dma_semaphore, #tpu.memory_space<semaphore_mem>>) src(%dma_wait3A_85 : memref<40xi32, #tpu.memory_space<hbm>>) dst(%arg13 : memref<40xi32, #tpu.memory_space<vmem>>)
      tpu.yield
    }) : () -> ()
    %dma_start3A = arith.constant 0 : i32
    %dma_start3A_41 = arith.constant 0 : i32
    %dma_start3A_42 = tpu.memref_slice %arg2[%dma_start3A, %dma_start3A_41] : memref<10000x128xf32, #tpu.memory_space<hbm>> -> memref<10000x128xf32, #tpu.memory_space<hbm>>
    tpu.enqueue_indirect_dma source(%dma_start3A_42 : memref<10000x128xf32, #tpu.memory_space<hbm>>) target(%arg15 : memref<40x128xf32, #tpu.memory_space<vmem>>) offsets(%arg13 : memref<40xi32, #tpu.memory_space<vmem>>) semaphore(%arg25 : memref<!tpu.dma_semaphore, #tpu.memory_space<semaphore_mem>>)
    %dma_start3A_43 = arith.constant 0 : i32
    %dma_start3A_44 = arith.constant 0 : i32
    %dma_start3A_45 = tpu.memref_slice %arg12[%dma_start3A_43, %dma_start3A_44] : memref<250x40xi32, #tpu.memory_space<vmem>> -> memref<1x40xi32, #tpu.memory_space<vmem>>
    %dma_start3A_46 = tpu.memref_squeeze %dma_start3A_45 : memref<1x40xi32, #tpu.memory_space<vmem>> -> memref<40xi32, #tpu.memory_space<vmem>>
    %dma_start3A_47 = arith.constant 0 : i32
    %dma_start3A_48 = arith.constant 0 : i32
    %dma_start3A_49 = tpu.memref_slice %arg3[%dma_start3A_47, %dma_start3A_48] : memref<10000x128xf32, #tpu.memory_space<hbm>> -> memref<10000x128xf32, #tpu.memory_space<hbm>>
    tpu.enqueue_indirect_dma source(%dma_start3A_49 : memref<10000x128xf32, #tpu.memory_space<hbm>>) target(%arg17 : memref<40x128xf32, #tpu.memory_space<vmem>>) offsets(%dma_start3A_46 : memref<40xi32, #tpu.memory_space<vmem>>) semaphore(%arg27 : memref<!tpu.dma_semaphore, #tpu.memory_space<semaphore_mem>>)
    %add3A_50 = arith.constant 40 : i32
    %add3A_51 = arith.addi %mul3A_40, %add3A_50 : i32
    %dma_start3A_52 = tpu.memref_slice %arg4[%add3A_51] : memref<320000xi32, #tpu.memory_space<hbm>> -> memref<40xi32, #tpu.memory_space<hbm>>
    %dma_start3A_53 = tpu.memref_slice %arg4[%add3A_51] : memref<320000xi32, #tpu.memory_space<hbm>> -> memref<40xi32, #tpu.memory_space<hbm>>
    tpu.enqueue_dma source(%dma_start3A_53 : memref<40xi32, #tpu.memory_space<hbm>>) target(%arg14 : memref<40xi32, #tpu.memory_space<vmem>>) target_semaphore(%arg24 : memref<!tpu.dma_semaphore, #tpu.memory_space<semaphore_mem>>)
    %scan3A = arith.constant 0 : i32
    %scan3A_54 = arith.constant 125 : i32
    %scan3A_55 = arith.addi %scan3A, %scan3A_54 : i32
    %scan3A_56 = arith.constant 1 : i32
    scf.for %scan3A_82 = %scan3A to %scan3A_55 step %scan3A_56  : i32 {
      %mul3A_83 = arith.constant 2 : i32
      %mul3A_84 = arith.muli %scan3A_82, %mul3A_83 : i32
      %add3A_85 = arith.constant 0 : i32
      %add3A_86 = arith.addi %add3A_85, %mul3A_84 : i32
      %add3A_87 = arith.constant 0 : i32
      %add3A_88 = arith.addi %add3A_86, %add3A_87 : i32
      %dma_wait3A_89 = arith.constant 0 : i32
      %dma_wait3A_90 = arith.constant 0 : i32
      %dma_wait3A_91 = tpu.memref_slice %arg2[%dma_wait3A_89, %dma_wait3A_90] : memref<10000x128xf32, #tpu.memory_space<hbm>> -> memref<10000x128xf32, #tpu.memory_space<hbm>>
      tpu.wait_indirect_dma semaphore(%arg25 : memref<!tpu.dma_semaphore, #tpu.memory_space<semaphore_mem>>) src(%dma_wait3A_91 : memref<10000x128xf32, #tpu.memory_space<hbm>>) dst(%arg15 : memref<40x128xf32, #tpu.memory_space<vmem>>)
      %dma_wait3A_92 = arith.constant 0 : i32
      %dma_wait3A_93 = tpu.memref_slice %arg12[%add3A_88, %dma_wait3A_92] : memref<250x40xi32, #tpu.memory_space<vmem>> -> memref<1x40xi32, #tpu.memory_space<vmem>>
      %dma_wait3A_94 = tpu.memref_squeeze %dma_wait3A_93 : memref<1x40xi32, #tpu.memory_space<vmem>> -> memref<40xi32, #tpu.memory_space<vmem>>
      %dma_wait3A_95 = arith.constant 0 : i32
      %dma_wait3A_96 = arith.constant 0 : i32
      %dma_wait3A_97 = tpu.memref_slice %arg3[%dma_wait3A_95, %dma_wait3A_96] : memref<10000x128xf32, #tpu.memory_space<hbm>> -> memref<10000x128xf32, #tpu.memory_space<hbm>>
      tpu.wait_indirect_dma semaphore(%arg27 : memref<!tpu.dma_semaphore, #tpu.memory_space<semaphore_mem>>) src(%dma_wait3A_97 : memref<10000x128xf32, #tpu.memory_space<hbm>>) dst(%arg17 : memref<40x128xf32, #tpu.memory_space<vmem>>)
      %add3A_98 = arith.constant 2 : i32
      %add3A_99 = arith.addi %add3A_88, %add3A_98 : i32
      %lt3A_100 = arith.constant 250 : i32
      %lt3A_101 = arith.cmpi slt, %add3A_99, %lt3A_100 : i32
      %convert_element_type3A_102 = arith.extui %lt3A_101 : i1 to i32
      %cond3A_103 = arith.constant 0 : i32
      %cond3A_104 = arith.cmpi ne, %convert_element_type3A_102, %cond3A_103 : i32
      scf.if %cond3A_104 {
        %add3A_176 = arith.constant 2 : i32
        %add3A_177 = arith.addi %add3A_88, %add3A_176 : i32
        %mul3A_178 = arith.constant 40 : i32
        %mul3A_179 = arith.muli %add3A_177, %mul3A_178 : i32
        %add3A_180 = arith.addi %mul3A_40, %mul3A_179 : i32
        %dma_start3A_181 = tpu.memref_slice %arg4[%add3A_180] : memref<320000xi32, #tpu.memory_space<hbm>> -> memref<40xi32, #tpu.memory_space<hbm>>
        %dma_start3A_182 = tpu.memref_slice %arg4[%add3A_180] : memref<320000xi32, #tpu.memory_space<hbm>> -> memref<40xi32, #tpu.memory_space<hbm>>
        tpu.enqueue_dma source(%dma_start3A_182 : memref<40xi32, #tpu.memory_space<hbm>>) target(%arg13 : memref<40xi32, #tpu.memory_space<vmem>>) target_semaphore(%arg23 : memref<!tpu.dma_semaphore, #tpu.memory_space<semaphore_mem>>)
      } else {
      }
      %add3A_105 = arith.constant 1 : i32
      %add3A_106 = arith.addi %add3A_88, %add3A_105 : i32
      %lt3A_107 = arith.constant 250 : i32
      %lt3A_108 = arith.cmpi slt, %add3A_106, %lt3A_107 : i32
      %convert_element_type3A_109 = arith.extui %lt3A_108 : i1 to i32
      %cond3A_110 = arith.constant 0 : i32
      %cond3A_111 = arith.cmpi ne, %convert_element_type3A_109, %cond3A_110 : i32
      scf.if %cond3A_111 {
        %add3A_176 = arith.constant 1 : i32
        %add3A_177 = arith.addi %add3A_88, %add3A_176 : i32
        %mul3A_178 = arith.constant 40 : i32
        %mul3A_179 = arith.muli %add3A_177, %mul3A_178 : i32
        %add3A_180 = arith.addi %mul3A_40, %mul3A_179 : i32
        %dma_wait3A_181 = tpu.memref_slice %arg4[%add3A_180] : memref<320000xi32, #tpu.memory_space<hbm>> -> memref<40xi32, #tpu.memory_space<hbm>>
        %dma_wait3A_182 = tpu.memref_slice %arg4[%add3A_180] : memref<320000xi32, #tpu.memory_space<hbm>> -> memref<40xi32, #tpu.memory_space<hbm>>
        tpu.wait_dma2 semaphore(%arg24 : memref<!tpu.dma_semaphore, #tpu.memory_space<semaphore_mem>>) src(%dma_wait3A_182 : memref<40xi32, #tpu.memory_space<hbm>>) dst(%arg14 : memref<40xi32, #tpu.memory_space<vmem>>)
        %dma_start3A_183 = arith.constant 0 : i32
        %dma_start3A_184 = arith.constant 0 : i32
        %dma_start3A_185 = tpu.memref_slice %arg2[%dma_start3A_183, %dma_start3A_184] : memref<10000x128xf32, #tpu.memory_space<hbm>> -> memref<10000x128xf32, #tpu.memory_space<hbm>>
        tpu.enqueue_indirect_dma source(%dma_start3A_185 : memref<10000x128xf32, #tpu.memory_space<hbm>>) target(%arg16 : memref<40x128xf32, #tpu.memory_space<vmem>>) offsets(%arg14 : memref<40xi32, #tpu.memory_space<vmem>>) semaphore(%arg26 : memref<!tpu.dma_semaphore, #tpu.memory_space<semaphore_mem>>)
        %add3A_186 = arith.constant 1 : i32
        %add3A_187 = arith.addi %add3A_88, %add3A_186 : i32
        %dma_start3A_188 = arith.constant 0 : i32
        %dma_start3A_189 = tpu.memref_slice %arg12[%add3A_187, %dma_start3A_188] : memref<250x40xi32, #tpu.memory_space<vmem>> -> memref<1x40xi32, #tpu.memory_space<vmem>>
        %dma_start3A_190 = tpu.memref_squeeze %dma_start3A_189 : memref<1x40xi32, #tpu.memory_space<vmem>> -> memref<40xi32, #tpu.memory_space<vmem>>
        %dma_start3A_191 = arith.constant 0 : i32
        %dma_start3A_192 = arith.constant 0 : i32
        %dma_start3A_193 = tpu.memref_slice %arg3[%dma_start3A_191, %dma_start3A_192] : memref<10000x128xf32, #tpu.memory_space<hbm>> -> memref<10000x128xf32, #tpu.memory_space<hbm>>
        tpu.enqueue_indirect_dma source(%dma_start3A_193 : memref<10000x128xf32, #tpu.memory_space<hbm>>) target(%arg18 : memref<40x128xf32, #tpu.memory_space<vmem>>) offsets(%dma_start3A_190 : memref<40xi32, #tpu.memory_space<vmem>>) semaphore(%arg28 : memref<!tpu.dma_semaphore, #tpu.memory_space<semaphore_mem>>)
      } else {
      }
      %ge3A_112 = arith.constant 1 : i32
      %ge3A_113 = arith.cmpi sge, %add3A_88, %ge3A_112 : i32
      %convert_element_type3A_114 = arith.extui %ge3A_113 : i1 to i32
      %cond3A_115 = arith.constant 0 : i32
      %cond3A_116 = arith.cmpi ne, %convert_element_type3A_114, %cond3A_115 : i32
      scf.if %cond3A_116 {
        %dma_wait3A_176 = arith.constant 0 : i32
        %dma_wait3A_177 = tpu.memref_slice %arg12[%add3A_88, %dma_wait3A_176] : memref<250x40xi32, #tpu.memory_space<vmem>> -> memref<1x40xi32, #tpu.memory_space<vmem>>
        %dma_wait3A_178 = tpu.memref_squeeze %dma_wait3A_177 : memref<1x40xi32, #tpu.memory_space<vmem>> -> memref<40xi32, #tpu.memory_space<vmem>>
        %dma_wait3A_179 = arith.constant 0 : i32
        %dma_wait3A_180 = arith.constant 0 : i32
        %dma_wait3A_181 = tpu.memref_slice %arg21[%dma_wait3A_179, %dma_wait3A_180] : memref<10016x128xf32, #tpu.memory_space<vmem_shared>> -> memref<10016x128xf32, #tpu.memory_space<vmem_shared>>
        tpu.wait_indirect_dma semaphore(%arg29 : memref<!tpu.dma_semaphore, #tpu.memory_space<semaphore_mem>>) src(%arg19 : memref<40x128xf32, #tpu.memory_space<vmem>>) dst(%dma_wait3A_181 : memref<10016x128xf32, #tpu.memory_space<vmem_shared>>)
        %dma_wait3A_182 = arith.constant 0 : i32
        %dma_wait3A_183 = tpu.memref_slice %arg12[%add3A_88, %dma_wait3A_182] : memref<250x40xi32, #tpu.memory_space<vmem>> -> memref<1x40xi32, #tpu.memory_space<vmem>>
        %dma_wait3A_184 = tpu.memref_squeeze %dma_wait3A_183 : memref<1x40xi32, #tpu.memory_space<vmem>> -> memref<40xi32, #tpu.memory_space<vmem>>
        %dma_wait3A_185 = arith.constant 0 : i32
        %dma_wait3A_186 = arith.constant 0 : i32
        %dma_wait3A_187 = tpu.memref_slice %arg22[%dma_wait3A_185, %dma_wait3A_186] : memref<10016x16xf32, #tpu.memory_space<vmem_shared>> -> memref<10016x16xf32, #tpu.memory_space<vmem_shared>>
        tpu.wait_indirect_dma semaphore(%arg30 : memref<!tpu.dma_semaphore, #tpu.memory_space<semaphore_mem>>) src(%arg20 : memref<40x16xf32, #tpu.memory_space<vmem>>) dst(%dma_wait3A_187 : memref<10016x16xf32, #tpu.memory_space<vmem_shared>>)
      } else {
      }
      %parallel_loop3A = arith.constant 0 : i32
      %parallel_loop3A_117 = arith.constant 40 : i32
      %parallel_loop3A_118 = arith.constant 1 : i32
      scf.for %parallel_loop3A_176 = %parallel_loop3A to %parallel_loop3A_117 step %parallel_loop3A_118  : i32 {
        %parallel_loop3A_177 = arith.index_cast %parallel_loop3A_176 : i32 to index
        %parallel_loop3A_178 = arith.constant 0 : index
        %parallel_loop3A_179 = tpu.vector_load %arg15[%parallel_loop3A_177, %parallel_loop3A_178] {strides = array<i32>} : memref<40x128xf32, #tpu.memory_space<vmem>>, vector<1x16xf32>,
        %parallel_loop3A_180 = vector.shape_cast %parallel_loop3A_179 : vector<1x16xf32> to vector<16xf32>
        %parallel_loop3A_181 = arith.index_cast %parallel_loop3A_176 : i32 to index
        %parallel_loop3A_182 = arith.constant 16 : index
        %parallel_loop3A_183 = tpu.vector_load %arg15[%parallel_loop3A_181, %parallel_loop3A_182] {strides = array<i32>} : memref<40x128xf32, #tpu.memory_space<vmem>>, vector<1x16xf32>,
        %parallel_loop3A_184 = vector.shape_cast %parallel_loop3A_183 : vector<1x16xf32> to vector<16xf32>
        %parallel_loop3A_185 = arith.index_cast %parallel_loop3A_176 : i32 to index
        %parallel_loop3A_186 = arith.constant 32 : index
        %parallel_loop3A_187 = tpu.vector_load %arg15[%parallel_loop3A_185, %parallel_loop3A_186] {strides = array<i32>} : memref<40x128xf32, #tpu.memory_space<vmem>>, vector<1x16xf32>,
        %parallel_loop3A_188 = vector.shape_cast %parallel_loop3A_187 : vector<1x16xf32> to vector<16xf32>
        %parallel_loop3A_189 = arith.index_cast %parallel_loop3A_176 : i32 to index
        %parallel_loop3A_190 = arith.constant 48 : index
        %parallel_loop3A_191 = tpu.vector_load %arg15[%parallel_loop3A_189, %parallel_loop3A_190] {strides = array<i32>} : memref<40x128xf32, #tpu.memory_space<vmem>>, vector<1x16xf32>,
        %parallel_loop3A_192 = vector.shape_cast %parallel_loop3A_191 : vector<1x16xf32> to vector<16xf32>
        %parallel_loop3A_193 = arith.index_cast %parallel_loop3A_176 : i32 to index
        %parallel_loop3A_194 = arith.constant 64 : index
        %parallel_loop3A_195 = tpu.vector_load %arg15[%parallel_loop3A_193, %parallel_loop3A_194] {strides = array<i32>} : memref<40x128xf32, #tpu.memory_space<vmem>>, vector<1x16xf32>,
        %parallel_loop3A_196 = vector.shape_cast %parallel_loop3A_195 : vector<1x16xf32> to vector<16xf32>
        %parallel_loop3A_197 = arith.index_cast %parallel_loop3A_176 : i32 to index
        %parallel_loop3A_198 = arith.constant 80 : index
        %parallel_loop3A_199 = tpu.vector_load %arg15[%parallel_loop3A_197, %parallel_loop3A_198] {strides = array<i32>} : memref<40x128xf32, #tpu.memory_space<vmem>>, vector<1x16xf32>,
        %parallel_loop3A_200 = vector.shape_cast %parallel_loop3A_199 : vector<1x16xf32> to vector<16xf32>
        %parallel_loop3A_201 = arith.index_cast %parallel_loop3A_176 : i32 to index
        %parallel_loop3A_202 = arith.constant 96 : index
        %parallel_loop3A_203 = tpu.vector_load %arg15[%parallel_loop3A_201, %parallel_loop3A_202] {strides = array<i32>} : memref<40x128xf32, #tpu.memory_space<vmem>>, vector<1x16xf32>,
        %parallel_loop3A_204 = vector.shape_cast %parallel_loop3A_203 : vector<1x16xf32> to vector<16xf32>
        %parallel_loop3A_205 = arith.index_cast %parallel_loop3A_176 : i32 to index
        %parallel_loop3A_206 = arith.constant 112 : index
        %parallel_loop3A_207 = tpu.vector_load %arg15[%parallel_loop3A_205, %parallel_loop3A_206] {strides = array<i32>} : memref<40x128xf32, #tpu.memory_space<vmem>>, vector<1x16xf32>,
        %parallel_loop3A_208 = vector.shape_cast %parallel_loop3A_207 : vector<1x16xf32> to vector<16xf32>
        %parallel_loop3A_209 = arith.index_cast %parallel_loop3A_176 : i32 to index
        %parallel_loop3A_210 = arith.constant 0 : index
        %parallel_loop3A_211 = tpu.vector_load %arg17[%parallel_loop3A_209, %parallel_loop3A_210] {strides = array<i32>} : memref<40x128xf32, #tpu.memory_space<vmem>>, vector<1x16xf32>,
        %parallel_loop3A_212 = vector.shape_cast %parallel_loop3A_211 : vector<1x16xf32> to vector<16xf32>
        %parallel_loop3A_213 = arith.index_cast %parallel_loop3A_176 : i32 to index
        %parallel_loop3A_214 = arith.constant 16 : index
        %parallel_loop3A_215 = tpu.vector_load %arg17[%parallel_loop3A_213, %parallel_loop3A_214] {strides = array<i32>} : memref<40x128xf32, #tpu.memory_space<vmem>>, vector<1x16xf32>,
        %parallel_loop3A_216 = vector.shape_cast %parallel_loop3A_215 : vector<1x16xf32> to vector<16xf32>
        %parallel_loop3A_217 = arith.index_cast %parallel_loop3A_176 : i32 to index
        %parallel_loop3A_218 = arith.constant 32 : index
        %parallel_loop3A_219 = tpu.vector_load %arg17[%parallel_loop3A_217, %parallel_loop3A_218] {strides = array<i32>} : memref<40x128xf32, #tpu.memory_space<vmem>>, vector<1x16xf32>,
        %parallel_loop3A_220 = vector.shape_cast %parallel_loop3A_219 : vector<1x16xf32> to vector<16xf32>
        %parallel_loop3A_221 = arith.index_cast %parallel_loop3A_176 : i32 to index
        %parallel_loop3A_222 = arith.constant 48 : index
        %parallel_loop3A_223 = tpu.vector_load %arg17[%parallel_loop3A_221, %parallel_loop3A_222] {strides = array<i32>} : memref<40x128xf32, #tpu.memory_space<vmem>>, vector<1x16xf32>,
        %parallel_loop3A_224 = vector.shape_cast %parallel_loop3A_223 : vector<1x16xf32> to vector<16xf32>
        %parallel_loop3A_225 = arith.index_cast %parallel_loop3A_176 : i32 to index
        %parallel_loop3A_226 = arith.constant 64 : index
        %parallel_loop3A_227 = tpu.vector_load %arg17[%parallel_loop3A_225, %parallel_loop3A_226] {strides = array<i32>} : memref<40x128xf32, #tpu.memory_space<vmem>>, vector<1x16xf32>,
        %parallel_loop3A_228 = vector.shape_cast %parallel_loop3A_227 : vector<1x16xf32> to vector<16xf32>
        %parallel_loop3A_229 = arith.index_cast %parallel_loop3A_176 : i32 to index
        %parallel_loop3A_230 = arith.constant 80 : index
        %parallel_loop3A_231 = tpu.vector_load %arg17[%parallel_loop3A_229, %parallel_loop3A_230] {strides = array<i32>} : memref<40x128xf32, #tpu.memory_space<vmem>>, vector<1x16xf32>,
        %parallel_loop3A_232 = vector.shape_cast %parallel_loop3A_231 : vector<1x16xf32> to vector<16xf32>
        %parallel_loop3A_233 = arith.index_cast %parallel_loop3A_176 : i32 to index
        %parallel_loop3A_234 = arith.constant 96 : index
        %parallel_loop3A_235 = tpu.vector_load %arg17[%parallel_loop3A_233, %parallel_loop3A_234] {strides = array<i32>} : memref<40x128xf32, #tpu.memory_space<vmem>>, vector<1x16xf32>,
        %parallel_loop3A_236 = vector.shape_cast %parallel_loop3A_235 : vector<1x16xf32> to vector<16xf32>
        %parallel_loop3A_237 = arith.index_cast %parallel_loop3A_176 : i32 to index
        %parallel_loop3A_238 = arith.constant 112 : index
        %parallel_loop3A_239 = tpu.vector_load %arg17[%parallel_loop3A_237, %parallel_loop3A_238] {strides = array<i32>} : memref<40x128xf32, #tpu.memory_space<vmem>>, vector<1x16xf32>,
        %parallel_loop3A_240 = vector.shape_cast %parallel_loop3A_239 : vector<1x16xf32> to vector<16xf32>
        %parallel_loop3A_241 = arith.addf %parallel_loop3A_180, %parallel_loop3A_212 : vector<16xf32>
        %parallel_loop3A_242 = arith.constant 2.000000e-01 : f32
        %parallel_loop3A_243 = vector.broadcast %parallel_loop3A_242 : f32 to vector<16xf32>
        %parallel_loop3A_244 = arith.mulf %parallel_loop3A_243, %parallel_loop3A_241 : vector<16xf32>
        %parallel_loop3A_245 = arith.maximumf %parallel_loop3A_241, %parallel_loop3A_244 : vector<16xf32>
        %parallel_loop3A_246 = arith.mulf %parallel_loop3A_245, %get3A_17 : vector<16xf32>
        %parallel_loop3A_247 = arith.addf %parallel_loop3A_184, %parallel_loop3A_216 : vector<16xf32>
        %parallel_loop3A_248 = arith.constant 2.000000e-01 : f32
        %parallel_loop3A_249 = vector.broadcast %parallel_loop3A_248 : f32 to vector<16xf32>
        %parallel_loop3A_250 = arith.mulf %parallel_loop3A_249, %parallel_loop3A_247 : vector<16xf32>
        %parallel_loop3A_251 = arith.maximumf %parallel_loop3A_247, %parallel_loop3A_250 : vector<16xf32>
        %parallel_loop3A_252 = arith.mulf %parallel_loop3A_251, %get3A_20 : vector<16xf32>
        %parallel_loop3A_253 = arith.addf %parallel_loop3A_188, %parallel_loop3A_220 : vector<16xf32>
        %parallel_loop3A_254 = arith.constant 2.000000e-01 : f32
        %parallel_loop3A_255 = vector.broadcast %parallel_loop3A_254 : f32 to vector<16xf32>
        %parallel_loop3A_256 = arith.mulf %parallel_loop3A_255, %parallel_loop3A_253 : vector<16xf32>
        %parallel_loop3A_257 = arith.maximumf %parallel_loop3A_253, %parallel_loop3A_256 : vector<16xf32>
        %parallel_loop3A_258 = arith.mulf %parallel_loop3A_257, %get3A_23 : vector<16xf32>
        %parallel_loop3A_259 = arith.addf %parallel_loop3A_192, %parallel_loop3A_224 : vector<16xf32>
        %parallel_loop3A_260 = arith.constant 2.000000e-01 : f32
        %parallel_loop3A_261 = vector.broadcast %parallel_loop3A_260 : f32 to vector<16xf32>
        %parallel_loop3A_262 = arith.mulf %parallel_loop3A_261, %parallel_loop3A_259 : vector<16xf32>
        %parallel_loop3A_263 = arith.maximumf %parallel_loop3A_259, %parallel_loop3A_262 : vector<16xf32>
        %parallel_loop3A_264 = arith.mulf %parallel_loop3A_263, %get3A_26 : vector<16xf32>
        %parallel_loop3A_265 = arith.addf %parallel_loop3A_196, %parallel_loop3A_228 : vector<16xf32>
        %parallel_loop3A_266 = arith.constant 2.000000e-01 : f32
        %parallel_loop3A_267 = vector.broadcast %parallel_loop3A_266 : f32 to vector<16xf32>
        %parallel_loop3A_268 = arith.mulf %parallel_loop3A_267, %parallel_loop3A_265 : vector<16xf32>
        %parallel_loop3A_269 = arith.maximumf %parallel_loop3A_265, %parallel_loop3A_268 : vector<16xf32>
        %parallel_loop3A_270 = arith.mulf %parallel_loop3A_269, %get3A_29 : vector<16xf32>
        %parallel_loop3A_271 = arith.addf %parallel_loop3A_200, %parallel_loop3A_232 : vector<16xf32>
        %parallel_loop3A_272 = arith.constant 2.000000e-01 : f32
        %parallel_loop3A_273 = vector.broadcast %parallel_loop3A_272 : f32 to vector<16xf32>
        %parallel_loop3A_274 = arith.mulf %parallel_loop3A_273, %parallel_loop3A_271 : vector<16xf32>
        %parallel_loop3A_275 = arith.maximumf %parallel_loop3A_271, %parallel_loop3A_274 : vector<16xf32>
        %parallel_loop3A_276 = arith.mulf %parallel_loop3A_275, %get3A_32 : vector<16xf32>
        %parallel_loop3A_277 = arith.addf %parallel_loop3A_204, %parallel_loop3A_236 : vector<16xf32>
        %parallel_loop3A_278 = arith.constant 2.000000e-01 : f32
        %parallel_loop3A_279 = vector.broadcast %parallel_loop3A_278 : f32 to vector<16xf32>
        %parallel_loop3A_280 = arith.mulf %parallel_loop3A_279, %parallel_loop3A_277 : vector<16xf32>
        %parallel_loop3A_281 = arith.maximumf %parallel_loop3A_277, %parallel_loop3A_280 : vector<16xf32>
        %parallel_loop3A_282 = arith.mulf %parallel_loop3A_281, %get3A_35 : vector<16xf32>
        %parallel_loop3A_283 = arith.addf %parallel_loop3A_208, %parallel_loop3A_240 : vector<16xf32>
        %parallel_loop3A_284 = arith.constant 2.000000e-01 : f32
        %parallel_loop3A_285 = vector.broadcast %parallel_loop3A_284 : f32 to vector<16xf32>
        %parallel_loop3A_286 = arith.mulf %parallel_loop3A_285, %parallel_loop3A_283 : vector<16xf32>
        %parallel_loop3A_287 = arith.maximumf %parallel_loop3A_283, %parallel_loop3A_286 : vector<16xf32>
        %parallel_loop3A_288 = arith.mulf %parallel_loop3A_287, %get3A_38 : vector<16xf32>
        %parallel_loop3A_289 = arith.addf %parallel_loop3A_246, %parallel_loop3A_252 : vector<16xf32>
        %parallel_loop3A_290 = arith.constant 8 : i32
        %parallel_loop3A_291 = vector.broadcast %parallel_loop3A_290 : i32 to vector<16xi32>
        %parallel_loop3A_292 = arith.xori %iota3A, %parallel_loop3A_291 : vector<16xi32>
        %parallel_loop3A_293 = vector.shape_cast %parallel_loop3A_292 : vector<16xi32> to vector<16x1xi32>
        %parallel_loop3A_294 = vector.shape_cast %parallel_loop3A_293 : vector<16x1xi32> to vector<16xi32>
        %parallel_loop3A_295 = tpu.dynamic_gather %parallel_loop3A_289[%parallel_loop3A_294] in [0] : vector<16xf32>, vector<16xi32> -> vector<16xf32>
        %parallel_loop3A_296 = arith.addf %parallel_loop3A_289, %parallel_loop3A_295 : vector<16xf32>
        %parallel_loop3A_297 = arith.constant 4 : i32
        %parallel_loop3A_298 = vector.broadcast %parallel_loop3A_297 : i32 to vector<16xi32>
        %parallel_loop3A_299 = arith.xori %iota3A, %parallel_loop3A_298 : vector<16xi32>
        %parallel_loop3A_300 = vector.shape_cast %parallel_loop3A_299 : vector<16xi32> to vector<16x1xi32>
        %parallel_loop3A_301 = vector.shape_cast %parallel_loop3A_300 : vector<16x1xi32> to vector<16xi32>
        %parallel_loop3A_302 = tpu.dynamic_gather %parallel_loop3A_296[%parallel_loop3A_301] in [0] : vector<16xf32>, vector<16xi32> -> vector<16xf32>
        %parallel_loop3A_303 = arith.addf %parallel_loop3A_296, %parallel_loop3A_302 : vector<16xf32>
        %parallel_loop3A_304 = arith.constant 2 : i32
        %parallel_loop3A_305 = vector.broadcast %parallel_loop3A_304 : i32 to vector<16xi32>
        %parallel_loop3A_306 = arith.xori %iota3A, %parallel_loop3A_305 : vector<16xi32>
        %parallel_loop3A_307 = vector.shape_cast %parallel_loop3A_306 : vector<16xi32> to vector<16x1xi32>
        %parallel_loop3A_308 = vector.shape_cast %parallel_loop3A_307 : vector<16x1xi32> to vector<16xi32>
        %parallel_loop3A_309 = tpu.dynamic_gather %parallel_loop3A_303[%parallel_loop3A_308] in [0] : vector<16xf32>, vector<16xi32> -> vector<16xf32>
        %parallel_loop3A_310 = arith.addf %parallel_loop3A_303, %parallel_loop3A_309 : vector<16xf32>
        %parallel_loop3A_311 = arith.constant 1 : i32
        %parallel_loop3A_312 = vector.broadcast %parallel_loop3A_311 : i32 to vector<16xi32>
        %parallel_loop3A_313 = arith.xori %iota3A, %parallel_loop3A_312 : vector<16xi32>
        %parallel_loop3A_314 = vector.shape_cast %parallel_loop3A_313 : vector<16xi32> to vector<16x1xi32>
        %parallel_loop3A_315 = vector.shape_cast %parallel_loop3A_314 : vector<16x1xi32> to vector<16xi32>
        %parallel_loop3A_316 = tpu.dynamic_gather %parallel_loop3A_310[%parallel_loop3A_315] in [0] : vector<16xf32>, vector<16xi32> -> vector<16xf32>
        %parallel_loop3A_317 = arith.addf %parallel_loop3A_310, %parallel_loop3A_316 : vector<16xf32>
        %parallel_loop3A_318 = math.exp %parallel_loop3A_317 : vector<16xf32>
        %parallel_loop3A_319 = arith.mulf %parallel_loop3A_180, %parallel_loop3A_318 : vector<16xf32>
        %parallel_loop3A_320 = arith.index_cast %parallel_loop3A_176 : i32 to index
        %parallel_loop3A_321 = arith.constant 0 : index
        %parallel_loop3A_322 = tpu.vector_load %arg19[%parallel_loop3A_320, %parallel_loop3A_321] {strides = array<i32>} : memref<40x128xf32, #tpu.memory_space<vmem>>, vector<1x16xf32>,
        %parallel_loop3A_323 = vector.shape_cast %parallel_loop3A_322 : vector<1x16xf32> to vector<16xf32>
        %parallel_loop3A_324 = vector.shape_cast %parallel_loop3A_319 : vector<16xf32> to vector<1x16xf32>
        tpu.vector_store %arg19[%parallel_loop3A_320, %parallel_loop3A_321], %parallel_loop3A_324 {strides = array<i32>} : memref<40x128xf32, #tpu.memory_space<vmem>>, vector<1x16xf32>,
        %parallel_loop3A_325 = arith.mulf %parallel_loop3A_184, %parallel_loop3A_318 : vector<16xf32>
        %parallel_loop3A_326 = arith.index_cast %parallel_loop3A_176 : i32 to index
        %parallel_loop3A_327 = arith.constant 16 : index
        %parallel_loop3A_328 = tpu.vector_load %arg19[%parallel_loop3A_326, %parallel_loop3A_327] {strides = array<i32>} : memref<40x128xf32, #tpu.memory_space<vmem>>, vector<1x16xf32>,
        %parallel_loop3A_329 = vector.shape_cast %parallel_loop3A_328 : vector<1x16xf32> to vector<16xf32>
        %parallel_loop3A_330 = vector.shape_cast %parallel_loop3A_325 : vector<16xf32> to vector<1x16xf32>
        tpu.vector_store %arg19[%parallel_loop3A_326, %parallel_loop3A_327], %parallel_loop3A_330 {strides = array<i32>} : memref<40x128xf32, #tpu.memory_space<vmem>>, vector<1x16xf32>,
        %parallel_loop3A_331 = arith.addf %parallel_loop3A_258, %parallel_loop3A_264 : vector<16xf32>
        %parallel_loop3A_332 = arith.constant 8 : i32
        %parallel_loop3A_333 = vector.broadcast %parallel_loop3A_332 : i32 to vector<16xi32>
        %parallel_loop3A_334 = arith.xori %iota3A, %parallel_loop3A_333 : vector<16xi32>
        %parallel_loop3A_335 = vector.shape_cast %parallel_loop3A_334 : vector<16xi32> to vector<16x1xi32>
        %parallel_loop3A_336 = vector.shape_cast %parallel_loop3A_335 : vector<16x1xi32> to vector<16xi32>
        %parallel_loop3A_337 = tpu.dynamic_gather %parallel_loop3A_331[%parallel_loop3A_336] in [0] : vector<16xf32>, vector<16xi32> -> vector<16xf32>
        %parallel_loop3A_338 = arith.addf %parallel_loop3A_331, %parallel_loop3A_337 : vector<16xf32>
        %parallel_loop3A_339 = arith.constant 4 : i32
        %parallel_loop3A_340 = vector.broadcast %parallel_loop3A_339 : i32 to vector<16xi32>
        %parallel_loop3A_341 = arith.xori %iota3A, %parallel_loop3A_340 : vector<16xi32>
        %parallel_loop3A_342 = vector.shape_cast %parallel_loop3A_341 : vector<16xi32> to vector<16x1xi32>
        %parallel_loop3A_343 = vector.shape_cast %parallel_loop3A_342 : vector<16x1xi32> to vector<16xi32>
        %parallel_loop3A_344 = tpu.dynamic_gather %parallel_loop3A_338[%parallel_loop3A_343] in [0] : vector<16xf32>, vector<16xi32> -> vector<16xf32>
        %parallel_loop3A_345 = arith.addf %parallel_loop3A_338, %parallel_loop3A_344 : vector<16xf32>
        %parallel_loop3A_346 = arith.constant 2 : i32
        %parallel_loop3A_347 = vector.broadcast %parallel_loop3A_346 : i32 to vector<16xi32>
        %parallel_loop3A_348 = arith.xori %iota3A, %parallel_loop3A_347 : vector<16xi32>
        %parallel_loop3A_349 = vector.shape_cast %parallel_loop3A_348 : vector<16xi32> to vector<16x1xi32>
        %parallel_loop3A_350 = vector.shape_cast %parallel_loop3A_349 : vector<16x1xi32> to vector<16xi32>
        %parallel_loop3A_351 = tpu.dynamic_gather %parallel_loop3A_345[%parallel_loop3A_350] in [0] : vector<16xf32>, vector<16xi32> -> vector<16xf32>
        %parallel_loop3A_352 = arith.addf %parallel_loop3A_345, %parallel_loop3A_351 : vector<16xf32>
        %parallel_loop3A_353 = arith.constant 1 : i32
        %parallel_loop3A_354 = vector.broadcast %parallel_loop3A_353 : i32 to vector<16xi32>
        %parallel_loop3A_355 = arith.xori %iota3A, %parallel_loop3A_354 : vector<16xi32>
        %parallel_loop3A_356 = vector.shape_cast %parallel_loop3A_355 : vector<16xi32> to vector<16x1xi32>
        %parallel_loop3A_357 = vector.shape_cast %parallel_loop3A_356 : vector<16x1xi32> to vector<16xi32>
        %parallel_loop3A_358 = tpu.dynamic_gather %parallel_loop3A_352[%parallel_loop3A_357] in [0] : vector<16xf32>, vector<16xi32> -> vector<16xf32>
        %parallel_loop3A_359 = arith.addf %parallel_loop3A_352, %parallel_loop3A_358 : vector<16xf32>
        %parallel_loop3A_360 = math.exp %parallel_loop3A_359 : vector<16xf32>
        %parallel_loop3A_361 = arith.mulf %parallel_loop3A_188, %parallel_loop3A_360 : vector<16xf32>
        %parallel_loop3A_362 = arith.index_cast %parallel_loop3A_176 : i32 to index
        %parallel_loop3A_363 = arith.constant 32 : index
        %parallel_loop3A_364 = tpu.vector_load %arg19[%parallel_loop3A_362, %parallel_loop3A_363] {strides = array<i32>} : memref<40x128xf32, #tpu.memory_space<vmem>>, vector<1x16xf32>,
        %parallel_loop3A_365 = vector.shape_cast %parallel_loop3A_364 : vector<1x16xf32> to vector<16xf32>
        %parallel_loop3A_366 = vector.shape_cast %parallel_loop3A_361 : vector<16xf32> to vector<1x16xf32>
        tpu.vector_store %arg19[%parallel_loop3A_362, %parallel_loop3A_363], %parallel_loop3A_366 {strides = array<i32>} : memref<40x128xf32, #tpu.memory_space<vmem>>, vector<1x16xf32>,
        %parallel_loop3A_367 = arith.mulf %parallel_loop3A_192, %parallel_loop3A_360 : vector<16xf32>
        %parallel_loop3A_368 = arith.index_cast %parallel_loop3A_176 : i32 to index
        %parallel_loop3A_369 = arith.constant 48 : index
        %parallel_loop3A_370 = tpu.vector_load %arg19[%parallel_loop3A_368, %parallel_loop3A_369] {strides = array<i32>} : memref<40x128xf32, #tpu.memory_space<vmem>>, vector<1x16xf32>,
        %parallel_loop3A_371 = vector.shape_cast %parallel_loop3A_370 : vector<1x16xf32> to vector<16xf32>
        %parallel_loop3A_372 = vector.shape_cast %parallel_loop3A_367 : vector<16xf32> to vector<1x16xf32>
        tpu.vector_store %arg19[%parallel_loop3A_368, %parallel_loop3A_369], %parallel_loop3A_372 {strides = array<i32>} : memref<40x128xf32, #tpu.memory_space<vmem>>, vector<1x16xf32>,
        %parallel_loop3A_373 = arith.addf %parallel_loop3A_270, %parallel_loop3A_276 : vector<16xf32>
        %parallel_loop3A_374 = arith.constant 8 : i32
        %parallel_loop3A_375 = vector.broadcast %parallel_loop3A_374 : i32 to vector<16xi32>
        %parallel_loop3A_376 = arith.xori %iota3A, %parallel_loop3A_375 : vector<16xi32>
        %parallel_loop3A_377 = vector.shape_cast %parallel_loop3A_376 : vector<16xi32> to vector<16x1xi32>
        %parallel_loop3A_378 = vector.shape_cast %parallel_loop3A_377 : vector<16x1xi32> to vector<16xi32>
        %parallel_loop3A_379 = tpu.dynamic_gather %parallel_loop3A_373[%parallel_loop3A_378] in [0] : vector<16xf32>, vector<16xi32> -> vector<16xf32>
        %parallel_loop3A_380 = arith.addf %parallel_loop3A_373, %parallel_loop3A_379 : vector<16xf32>
        %parallel_loop3A_381 = arith.constant 4 : i32
        %parallel_loop3A_382 = vector.broadcast %parallel_loop3A_381 : i32 to vector<16xi32>
        %parallel_loop3A_383 = arith.xori %iota3A, %parallel_loop3A_382 : vector<16xi32>
        %parallel_loop3A_384 = vector.shape_cast %parallel_loop3A_383 : vector<16xi32> to vector<16x1xi32>
        %parallel_loop3A_385 = vector.shape_cast %parallel_loop3A_384 : vector<16x1xi32> to vector<16xi32>
        %parallel_loop3A_386 = tpu.dynamic_gather %parallel_loop3A_380[%parallel_loop3A_385] in [0] : vector<16xf32>, vector<16xi32> -> vector<16xf32>
        %parallel_loop3A_387 = arith.addf %parallel_loop3A_380, %parallel_loop3A_386 : vector<16xf32>
        %parallel_loop3A_388 = arith.constant 2 : i32
        %parallel_loop3A_389 = vector.broadcast %parallel_loop3A_388 : i32 to vector<16xi32>
        %parallel_loop3A_390 = arith.xori %iota3A, %parallel_loop3A_389 : vector<16xi32>
        %parallel_loop3A_391 = vector.shape_cast %parallel_loop3A_390 : vector<16xi32> to vector<16x1xi32>
        %parallel_loop3A_392 = vector.shape_cast %parallel_loop3A_391 : vector<16x1xi32> to vector<16xi32>
        %parallel_loop3A_393 = tpu.dynamic_gather %parallel_loop3A_387[%parallel_loop3A_392] in [0] : vector<16xf32>, vector<16xi32> -> vector<16xf32>
        %parallel_loop3A_394 = arith.addf %parallel_loop3A_387, %parallel_loop3A_393 : vector<16xf32>
        %parallel_loop3A_395 = arith.constant 1 : i32
        %parallel_loop3A_396 = vector.broadcast %parallel_loop3A_395 : i32 to vector<16xi32>
        %parallel_loop3A_397 = arith.xori %iota3A, %parallel_loop3A_396 : vector<16xi32>
        %parallel_loop3A_398 = vector.shape_cast %parallel_loop3A_397 : vector<16xi32> to vector<16x1xi32>
        %parallel_loop3A_399 = vector.shape_cast %parallel_loop3A_398 : vector<16x1xi32> to vector<16xi32>
        %parallel_loop3A_400 = tpu.dynamic_gather %parallel_loop3A_394[%parallel_loop3A_399] in [0] : vector<16xf32>, vector<16xi32> -> vector<16xf32>
        %parallel_loop3A_401 = arith.addf %parallel_loop3A_394, %parallel_loop3A_400 : vector<16xf32>
        %parallel_loop3A_402 = math.exp %parallel_loop3A_401 : vector<16xf32>
        %parallel_loop3A_403 = arith.mulf %parallel_loop3A_196, %parallel_loop3A_402 : vector<16xf32>
        %parallel_loop3A_404 = arith.index_cast %parallel_loop3A_176 : i32 to index
        %parallel_loop3A_405 = arith.constant 64 : index
        %parallel_loop3A_406 = tpu.vector_load %arg19[%parallel_loop3A_404, %parallel_loop3A_405] {strides = array<i32>} : memref<40x128xf32, #tpu.memory_space<vmem>>, vector<1x16xf32>,
        %parallel_loop3A_407 = vector.shape_cast %parallel_loop3A_406 : vector<1x16xf32> to vector<16xf32>
        %parallel_loop3A_408 = vector.shape_cast %parallel_loop3A_403 : vector<16xf32> to vector<1x16xf32>
        tpu.vector_store %arg19[%parallel_loop3A_404, %parallel_loop3A_405], %parallel_loop3A_408 {strides = array<i32>} : memref<40x128xf32, #tpu.memory_space<vmem>>, vector<1x16xf32>,
        %parallel_loop3A_409 = arith.mulf %parallel_loop3A_200, %parallel_loop3A_402 : vector<16xf32>
        %parallel_loop3A_410 = arith.index_cast %parallel_loop3A_176 : i32 to index
        %parallel_loop3A_411 = arith.constant 80 : index
        %parallel_loop3A_412 = tpu.vector_load %arg19[%parallel_loop3A_410, %parallel_loop3A_411] {strides = array<i32>} : memref<40x128xf32, #tpu.memory_space<vmem>>, vector<1x16xf32>,
        %parallel_loop3A_413 = vector.shape_cast %parallel_loop3A_412 : vector<1x16xf32> to vector<16xf32>
        %parallel_loop3A_414 = vector.shape_cast %parallel_loop3A_409 : vector<16xf32> to vector<1x16xf32>
        tpu.vector_store %arg19[%parallel_loop3A_410, %parallel_loop3A_411], %parallel_loop3A_414 {strides = array<i32>} : memref<40x128xf32, #tpu.memory_space<vmem>>, vector<1x16xf32>,
        %parallel_loop3A_415 = arith.addf %parallel_loop3A_282, %parallel_loop3A_288 : vector<16xf32>
        %parallel_loop3A_416 = arith.constant 8 : i32
        %parallel_loop3A_417 = vector.broadcast %parallel_loop3A_416 : i32 to vector<16xi32>
        %parallel_loop3A_418 = arith.xori %iota3A, %parallel_loop3A_417 : vector<16xi32>
        %parallel_loop3A_419 = vector.shape_cast %parallel_loop3A_418 : vector<16xi32> to vector<16x1xi32>
        %parallel_loop3A_420 = vector.shape_cast %parallel_loop3A_419 : vector<16x1xi32> to vector<16xi32>
        %parallel_loop3A_421 = tpu.dynamic_gather %parallel_loop3A_415[%parallel_loop3A_420] in [0] : vector<16xf32>, vector<16xi32> -> vector<16xf32>
        %parallel_loop3A_422 = arith.addf %parallel_loop3A_415, %parallel_loop3A_421 : vector<16xf32>
        %parallel_loop3A_423 = arith.constant 4 : i32
        %parallel_loop3A_424 = vector.broadcast %parallel_loop3A_423 : i32 to vector<16xi32>
        %parallel_loop3A_425 = arith.xori %iota3A, %parallel_loop3A_424 : vector<16xi32>
        %parallel_loop3A_426 = vector.shape_cast %parallel_loop3A_425 : vector<16xi32> to vector<16x1xi32>
        %parallel_loop3A_427 = vector.shape_cast %parallel_loop3A_426 : vector<16x1xi32> to vector<16xi32>
        %parallel_loop3A_428 = tpu.dynamic_gather %parallel_loop3A_422[%parallel_loop3A_427] in [0] : vector<16xf32>, vector<16xi32> -> vector<16xf32>
        %parallel_loop3A_429 = arith.addf %parallel_loop3A_422, %parallel_loop3A_428 : vector<16xf32>
        %parallel_loop3A_430 = arith.constant 2 : i32
        %parallel_loop3A_431 = vector.broadcast %parallel_loop3A_430 : i32 to vector<16xi32>
        %parallel_loop3A_432 = arith.xori %iota3A, %parallel_loop3A_431 : vector<16xi32>
        %parallel_loop3A_433 = vector.shape_cast %parallel_loop3A_432 : vector<16xi32> to vector<16x1xi32>
        %parallel_loop3A_434 = vector.shape_cast %parallel_loop3A_433 : vector<16x1xi32> to vector<16xi32>
        %parallel_loop3A_435 = tpu.dynamic_gather %parallel_loop3A_429[%parallel_loop3A_434] in [0] : vector<16xf32>, vector<16xi32> -> vector<16xf32>
        %parallel_loop3A_436 = arith.addf %parallel_loop3A_429, %parallel_loop3A_435 : vector<16xf32>
        %parallel_loop3A_437 = arith.constant 1 : i32
        %parallel_loop3A_438 = vector.broadcast %parallel_loop3A_437 : i32 to vector<16xi32>
        %parallel_loop3A_439 = arith.xori %iota3A, %parallel_loop3A_438 : vector<16xi32>
        %parallel_loop3A_440 = vector.shape_cast %parallel_loop3A_439 : vector<16xi32> to vector<16x1xi32>
        %parallel_loop3A_441 = vector.shape_cast %parallel_loop3A_440 : vector<16x1xi32> to vector<16xi32>
        %parallel_loop3A_442 = tpu.dynamic_gather %parallel_loop3A_436[%parallel_loop3A_441] in [0] : vector<16xf32>, vector<16xi32> -> vector<16xf32>
        %parallel_loop3A_443 = arith.addf %parallel_loop3A_436, %parallel_loop3A_442 : vector<16xf32>
        %parallel_loop3A_444 = math.exp %parallel_loop3A_443 : vector<16xf32>
        %parallel_loop3A_445 = arith.mulf %parallel_loop3A_204, %parallel_loop3A_444 : vector<16xf32>
        %parallel_loop3A_446 = arith.index_cast %parallel_loop3A_176 : i32 to index
        %parallel_loop3A_447 = arith.constant 96 : index
        %parallel_loop3A_448 = tpu.vector_load %arg19[%parallel_loop3A_446, %parallel_loop3A_447] {strides = array<i32>} : memref<40x128xf32, #tpu.memory_space<vmem>>, vector<1x16xf32>,
        %parallel_loop3A_449 = vector.shape_cast %parallel_loop3A_448 : vector<1x16xf32> to vector<16xf32>
        %parallel_loop3A_450 = vector.shape_cast %parallel_loop3A_445 : vector<16xf32> to vector<1x16xf32>
        tpu.vector_store %arg19[%parallel_loop3A_446, %parallel_loop3A_447], %parallel_loop3A_450 {strides = array<i32>} : memref<40x128xf32, #tpu.memory_space<vmem>>, vector<1x16xf32>,
        %parallel_loop3A_451 = arith.mulf %parallel_loop3A_208, %parallel_loop3A_444 : vector<16xf32>
        %parallel_loop3A_452 = arith.index_cast %parallel_loop3A_176 : i32 to index
        %parallel_loop3A_453 = arith.constant 112 : index
        %parallel_loop3A_454 = tpu.vector_load %arg19[%parallel_loop3A_452, %parallel_loop3A_453] {strides = array<i32>} : memref<40x128xf32, #tpu.memory_space<vmem>>, vector<1x16xf32>,
        %parallel_loop3A_455 = vector.shape_cast %parallel_loop3A_454 : vector<1x16xf32> to vector<16xf32>
        %parallel_loop3A_456 = vector.shape_cast %parallel_loop3A_451 : vector<16xf32> to vector<1x16xf32>
        tpu.vector_store %arg19[%parallel_loop3A_452, %parallel_loop3A_453], %parallel_loop3A_456 {strides = array<i32>} : memref<40x128xf32, #tpu.memory_space<vmem>>, vector<1x16xf32>,
        %parallel_loop3A_457 = arith.constant 0 : i32
        %parallel_loop3A_458 = vector.broadcast %parallel_loop3A_457 : i32 to vector<16xi32>
        %parallel_loop3A_459 = arith.cmpi eq, %iota3A, %parallel_loop3A_458 : vector<16xi32>
        %parallel_loop3A_460 = arith.constant 1 : i32
        %parallel_loop3A_461 = vector.broadcast %parallel_loop3A_460 : i32 to vector<16xi32>
        %parallel_loop3A_462 = arith.cmpi eq, %iota3A, %parallel_loop3A_461 : vector<16xi32>
        %parallel_loop3A_463 = arith.constant 2 : i32
        %parallel_loop3A_464 = vector.broadcast %parallel_loop3A_463 : i32 to vector<16xi32>
        %parallel_loop3A_465 = arith.cmpi eq, %iota3A, %parallel_loop3A_464 : vector<16xi32>
        %parallel_loop3A_466 = arith.select %parallel_loop3A_465, %parallel_loop3A_402, %parallel_loop3A_444 : vector<16xi1>, vector<16xf32>
        %parallel_loop3A_467 = arith.select %parallel_loop3A_462, %parallel_loop3A_360, %parallel_loop3A_466 : vector<16xi1>, vector<16xf32>
        %parallel_loop3A_468 = arith.select %parallel_loop3A_459, %parallel_loop3A_318, %parallel_loop3A_467 : vector<16xi1>, vector<16xf32>
        %parallel_loop3A_469 = arith.index_cast %parallel_loop3A_176 : i32 to index
        %parallel_loop3A_470 = arith.constant 0 : index
        %parallel_loop3A_471 = tpu.vector_load %arg20[%parallel_loop3A_469, %parallel_loop3A_470] {strides = array<i32>} : memref<40x16xf32, #tpu.memory_space<vmem>>, vector<1x16xf32>,
        %parallel_loop3A_472 = vector.shape_cast %parallel_loop3A_471 : vector<1x16xf32> to vector<16xf32>
        %parallel_loop3A_473 = vector.shape_cast %parallel_loop3A_468 : vector<16xf32> to vector<1x16xf32>
        tpu.vector_store %arg20[%parallel_loop3A_469, %parallel_loop3A_470], %parallel_loop3A_473 {strides = array<i32>} : memref<40x16xf32, #tpu.memory_space<vmem>>, vector<1x16xf32>,
      } {sc.loop_unroll_factor = 2 : i64, sc.parallel_access}
      %dma_start3A_119 = arith.constant 0 : i32
      %dma_start3A_120 = tpu.memref_slice %arg12[%add3A_88, %dma_start3A_119] : memref<250x40xi32, #tpu.memory_space<vmem>> -> memref<1x40xi32, #tpu.memory_space<vmem>>
      %dma_start3A_121 = tpu.memref_squeeze %dma_start3A_120 : memref<1x40xi32, #tpu.memory_space<vmem>> -> memref<40xi32, #tpu.memory_space<vmem>>
      %dma_start3A_122 = arith.constant 0 : i32
      %dma_start3A_123 = arith.constant 0 : i32
      %dma_start3A_124 = tpu.memref_slice %arg21[%dma_start3A_122, %dma_start3A_123] : memref<10016x128xf32, #tpu.memory_space<vmem_shared>> -> memref<10016x128xf32, #tpu.memory_space<vmem_shared>>
      tpu.enqueue_indirect_dma source(%arg19 : memref<40x128xf32, #tpu.memory_space<vmem>>) target(%dma_start3A_124 : memref<10016x128xf32, #tpu.memory_space<vmem_shared>>) offsets(%dma_start3A_121 : memref<40xi32, #tpu.memory_space<vmem>>) semaphore(%arg29 : memref<!tpu.dma_semaphore, #tpu.memory_space<semaphore_mem>>) {add = true}
      %dma_start3A_125 = arith.constant 0 : i32
      %dma_start3A_126 = tpu.memref_slice %arg12[%add3A_88, %dma_start3A_125] : memref<250x40xi32, #tpu.memory_space<vmem>> -> memref<1x40xi32, #tpu.memory_space<vmem>>
      %dma_start3A_127 = tpu.memref_squeeze %dma_start3A_126 : memref<1x40xi32, #tpu.memory_space<vmem>> -> memref<40xi32, #tpu.memory_space<vmem>>
      %dma_start3A_128 = arith.constant 0 : i32
      %dma_start3A_129 = arith.constant 0 : i32
      %dma_start3A_130 = tpu.memref_slice %arg22[%dma_start3A_128, %dma_start3A_129] : memref<10016x16xf32, #tpu.memory_space<vmem_shared>> -> memref<10016x16xf32, #tpu.memory_space<vmem_shared>>
      tpu.enqueue_indirect_dma source(%arg20 : memref<40x16xf32, #tpu.memory_space<vmem>>) target(%dma_start3A_130 : memref<10016x16xf32, #tpu.memory_space<vmem_shared>>) offsets(%dma_start3A_127 : memref<40xi32, #tpu.memory_space<vmem>>) semaphore(%arg30 : memref<!tpu.dma_semaphore, #tpu.memory_space<semaphore_mem>>) {add = true}
      %add3A_131 = arith.constant 1 : i32
      %add3A_132 = arith.addi %add3A_86, %add3A_131 : i32
      %dma_wait3A_133 = arith.constant 0 : i32
      %dma_wait3A_134 = arith.constant 0 : i32
      %dma_wait3A_135 = tpu.memref_slice %arg2[%dma_wait3A_133, %dma_wait3A_134] : memref<10000x128xf32, #tpu.memory_space<hbm>> -> memref<10000x128xf32, #tpu.memory_space<hbm>>
      tpu.wait_indirect_dma semaphore(%arg26 : memref<!tpu.dma_semaphore, #tpu.memory_space<semaphore_mem>>) src(%dma_wait3A_135 : memref<10000x128xf32, #tpu.memory_space<hbm>>) dst(%arg16 : memref<40x128xf32, #tpu.memory_space<vmem>>)
      %dma_wait3A_136 = arith.constant 0 : i32
      %dma_wait3A_137 = tpu.memref_slice %arg12[%add3A_132, %dma_wait3A_136] : memref<250x40xi32, #tpu.memory_space<vmem>> -> memref<1x40xi32, #tpu.memory_space<vmem>>
      %dma_wait3A_138 = tpu.memref_squeeze %dma_wait3A_137 : memref<1x40xi32, #tpu.memory_space<vmem>> -> memref<40xi32, #tpu.memory_space<vmem>>
      %dma_wait3A_139 = arith.constant 0 : i32
      %dma_wait3A_140 = arith.constant 0 : i32
      %dma_wait3A_141 = tpu.memref_slice %arg3[%dma_wait3A_139, %dma_wait3A_140] : memref<10000x128xf32, #tpu.memory_space<hbm>> -> memref<10000x128xf32, #tpu.memory_space<hbm>>
      tpu.wait_indirect_dma semaphore(%arg28 : memref<!tpu.dma_semaphore, #tpu.memory_space<semaphore_mem>>) src(%dma_wait3A_141 : memref<10000x128xf32, #tpu.memory_space<hbm>>) dst(%arg18 : memref<40x128xf32, #tpu.memory_space<vmem>>)
      %add3A_142 = arith.constant 2 : i32
      %add3A_143 = arith.addi %add3A_132, %add3A_142 : i32
      %lt3A_144 = arith.constant 250 : i32
      %lt3A_145 = arith.cmpi slt, %add3A_143, %lt3A_144 : i32
      %convert_element_type3A_146 = arith.extui %lt3A_145 : i1 to i32
      %cond3A_147 = arith.constant 0 : i32
      %cond3A_148 = arith.cmpi ne, %convert_element_type3A_146, %cond3A_147 : i32
      scf.if %cond3A_148 {
        %add3A_176 = arith.constant 2 : i32
        %add3A_177 = arith.addi %add3A_132, %add3A_176 : i32
        %mul3A_178 = arith.constant 40 : i32
        %mul3A_179 = arith.muli %add3A_177, %mul3A_178 : i32
        %add3A_180 = arith.addi %mul3A_40, %mul3A_179 : i32
        %dma_start3A_181 = tpu.memref_slice %arg4[%add3A_180] : memref<320000xi32, #tpu.memory_space<hbm>> -> memref<40xi32, #tpu.memory_space<hbm>>
        %dma_start3A_182 = tpu.memref_slice %arg4[%add3A_180] : memref<320000xi32, #tpu.memory_space<hbm>> -> memref<40xi32, #tpu.memory_space<hbm>>
        tpu.enqueue_dma source(%dma_start3A_182 : memref<40xi32, #tpu.memory_space<hbm>>) target(%arg14 : memref<40xi32, #tpu.memory_space<vmem>>) target_semaphore(%arg24 : memref<!tpu.dma_semaphore, #tpu.memory_space<semaphore_mem>>)
      } else {
      }
      %add3A_149 = arith.constant 1 : i32
      %add3A_150 = arith.addi %add3A_132, %add3A_149 : i32
      %lt3A_151 = arith.constant 250 : i32
      %lt3A_152 = arith.cmpi slt, %add3A_150, %lt3A_151 : i32
      %convert_element_type3A_153 = arith.extui %lt3A_152 : i1 to i32
      %cond3A_154 = arith.constant 0 : i32
      %cond3A_155 = arith.cmpi ne, %convert_element_type3A_153, %cond3A_154 : i32
      scf.if %cond3A_155 {
        %add3A_176 = arith.constant 1 : i32
        %add3A_177 = arith.addi %add3A_132, %add3A_176 : i32
        %mul3A_178 = arith.constant 40 : i32
        %mul3A_179 = arith.muli %add3A_177, %mul3A_178 : i32
        %add3A_180 = arith.addi %mul3A_40, %mul3A_179 : i32
        %dma_wait3A_181 = tpu.memref_slice %arg4[%add3A_180] : memref<320000xi32, #tpu.memory_space<hbm>> -> memref<40xi32, #tpu.memory_space<hbm>>
        %dma_wait3A_182 = tpu.memref_slice %arg4[%add3A_180] : memref<320000xi32, #tpu.memory_space<hbm>> -> memref<40xi32, #tpu.memory_space<hbm>>
        tpu.wait_dma2 semaphore(%arg23 : memref<!tpu.dma_semaphore, #tpu.memory_space<semaphore_mem>>) src(%dma_wait3A_182 : memref<40xi32, #tpu.memory_space<hbm>>) dst(%arg13 : memref<40xi32, #tpu.memory_space<vmem>>)
        %dma_start3A_183 = arith.constant 0 : i32
        %dma_start3A_184 = arith.constant 0 : i32
        %dma_start3A_185 = tpu.memref_slice %arg2[%dma_start3A_183, %dma_start3A_184] : memref<10000x128xf32, #tpu.memory_space<hbm>> -> memref<10000x128xf32, #tpu.memory_space<hbm>>
        tpu.enqueue_indirect_dma source(%dma_start3A_185 : memref<10000x128xf32, #tpu.memory_space<hbm>>) target(%arg15 : memref<40x128xf32, #tpu.memory_space<vmem>>) offsets(%arg13 : memref<40xi32, #tpu.memory_space<vmem>>) semaphore(%arg25 : memref<!tpu.dma_semaphore, #tpu.memory_space<semaphore_mem>>)
        %add3A_186 = arith.constant 1 : i32
        %add3A_187 = arith.addi %add3A_132, %add3A_186 : i32
        %dma_start3A_188 = arith.constant 0 : i32
        %dma_start3A_189 = tpu.memref_slice %arg12[%add3A_187, %dma_start3A_188] : memref<250x40xi32, #tpu.memory_space<vmem>> -> memref<1x40xi32, #tpu.memory_space<vmem>>
        %dma_start3A_190 = tpu.memref_squeeze %dma_start3A_189 : memref<1x40xi32, #tpu.memory_space<vmem>> -> memref<40xi32, #tpu.memory_space<vmem>>
        %dma_start3A_191 = arith.constant 0 : i32
        %dma_start3A_192 = arith.constant 0 : i32
        %dma_start3A_193 = tpu.memref_slice %arg3[%dma_start3A_191, %dma_start3A_192] : memref<10000x128xf32, #tpu.memory_space<hbm>> -> memref<10000x128xf32, #tpu.memory_space<hbm>>
        tpu.enqueue_indirect_dma source(%dma_start3A_193 : memref<10000x128xf32, #tpu.memory_space<hbm>>) target(%arg17 : memref<40x128xf32, #tpu.memory_space<vmem>>) offsets(%dma_start3A_190 : memref<40xi32, #tpu.memory_space<vmem>>) semaphore(%arg27 : memref<!tpu.dma_semaphore, #tpu.memory_space<semaphore_mem>>)
      } else {
      }
      %ge3A_156 = arith.constant 1 : i32
      %ge3A_157 = arith.cmpi sge, %add3A_132, %ge3A_156 : i32
      %convert_element_type3A_158 = arith.extui %ge3A_157 : i1 to i32
      %cond3A_159 = arith.constant 0 : i32
      %cond3A_160 = arith.cmpi ne, %convert_element_type3A_158, %cond3A_159 : i32
      scf.if %cond3A_160 {
        %dma_wait3A_176 = arith.constant 0 : i32
        %dma_wait3A_177 = tpu.memref_slice %arg12[%add3A_132, %dma_wait3A_176] : memref<250x40xi32, #tpu.memory_space<vmem>> -> memref<1x40xi32, #tpu.memory_space<vmem>>
        %dma_wait3A_178 = tpu.memref_squeeze %dma_wait3A_177 : memref<1x40xi32, #tpu.memory_space<vmem>> -> memref<40xi32, #tpu.memory_space<vmem>>
        %dma_wait3A_179 = arith.constant 0 : i32
        %dma_wait3A_180 = arith.constant 0 : i32
        %dma_wait3A_181 = tpu.memref_slice %arg21[%dma_wait3A_179, %dma_wait3A_180] : memref<10016x128xf32, #tpu.memory_space<vmem_shared>> -> memref<10016x128xf32, #tpu.memory_space<vmem_shared>>
        tpu.wait_indirect_dma semaphore(%arg29 : memref<!tpu.dma_semaphore, #tpu.memory_space<semaphore_mem>>) src(%arg19 : memref<40x128xf32, #tpu.memory_space<vmem>>) dst(%dma_wait3A_181 : memref<10016x128xf32, #tpu.memory_space<vmem_shared>>)
        %dma_wait3A_182 = arith.constant 0 : i32
        %dma_wait3A_183 = tpu.memref_slice %arg12[%add3A_132, %dma_wait3A_182] : memref<250x40xi32, #tpu.memory_space<vmem>> -> memref<1x40xi32, #tpu.memory_space<vmem>>
        %dma_wait3A_184 = tpu.memref_squeeze %dma_wait3A_183 : memref<1x40xi32, #tpu.memory_space<vmem>> -> memref<40xi32, #tpu.memory_space<vmem>>
        %dma_wait3A_185 = arith.constant 0 : i32
        %dma_wait3A_186 = arith.constant 0 : i32
        %dma_wait3A_187 = tpu.memref_slice %arg22[%dma_wait3A_185, %dma_wait3A_186] : memref<10016x16xf32, #tpu.memory_space<vmem_shared>> -> memref<10016x16xf32, #tpu.memory_space<vmem_shared>>
        tpu.wait_indirect_dma semaphore(%arg30 : memref<!tpu.dma_semaphore, #tpu.memory_space<semaphore_mem>>) src(%arg20 : memref<40x16xf32, #tpu.memory_space<vmem>>) dst(%dma_wait3A_187 : memref<10016x16xf32, #tpu.memory_space<vmem_shared>>)
      } else {
      }
      %parallel_loop3A_161 = arith.constant 0 : i32
      %parallel_loop3A_162 = arith.constant 40 : i32
      %parallel_loop3A_163 = arith.constant 1 : i32
      scf.for %parallel_loop3A_176 = %parallel_loop3A_161 to %parallel_loop3A_162 step %parallel_loop3A_163  : i32 {
        %parallel_loop3A_177 = arith.index_cast %parallel_loop3A_176 : i32 to index
        %parallel_loop3A_178 = arith.constant 0 : index
        %parallel_loop3A_179 = tpu.vector_load %arg16[%parallel_loop3A_177, %parallel_loop3A_178] {strides = array<i32>} : memref<40x128xf32, #tpu.memory_space<vmem>>, vector<1x16xf32>,
        %parallel_loop3A_180 = vector.shape_cast %parallel_loop3A_179 : vector<1x16xf32> to vector<16xf32>
        %parallel_loop3A_181 = arith.index_cast %parallel_loop3A_176 : i32 to index
        %parallel_loop3A_182 = arith.constant 16 : index
        %parallel_loop3A_183 = tpu.vector_load %arg16[%parallel_loop3A_181, %parallel_loop3A_182] {strides = array<i32>} : memref<40x128xf32, #tpu.memory_space<vmem>>, vector<1x16xf32>,
        %parallel_loop3A_184 = vector.shape_cast %parallel_loop3A_183 : vector<1x16xf32> to vector<16xf32>
        %parallel_loop3A_185 = arith.index_cast %parallel_loop3A_176 : i32 to index
        %parallel_loop3A_186 = arith.constant 32 : index
        %parallel_loop3A_187 = tpu.vector_load %arg16[%parallel_loop3A_185, %parallel_loop3A_186] {strides = array<i32>} : memref<40x128xf32, #tpu.memory_space<vmem>>, vector<1x16xf32>,
        %parallel_loop3A_188 = vector.shape_cast %parallel_loop3A_187 : vector<1x16xf32> to vector<16xf32>
        %parallel_loop3A_189 = arith.index_cast %parallel_loop3A_176 : i32 to index
        %parallel_loop3A_190 = arith.constant 48 : index
        %parallel_loop3A_191 = tpu.vector_load %arg16[%parallel_loop3A_189, %parallel_loop3A_190] {strides = array<i32>} : memref<40x128xf32, #tpu.memory_space<vmem>>, vector<1x16xf32>,
        %parallel_loop3A_192 = vector.shape_cast %parallel_loop3A_191 : vector<1x16xf32> to vector<16xf32>
        %parallel_loop3A_193 = arith.index_cast %parallel_loop3A_176 : i32 to index
        %parallel_loop3A_194 = arith.constant 64 : index
        %parallel_loop3A_195 = tpu.vector_load %arg16[%parallel_loop3A_193, %parallel_loop3A_194] {strides = array<i32>} : memref<40x128xf32, #tpu.memory_space<vmem>>, vector<1x16xf32>,
        %parallel_loop3A_196 = vector.shape_cast %parallel_loop3A_195 : vector<1x16xf32> to vector<16xf32>
        %parallel_loop3A_197 = arith.index_cast %parallel_loop3A_176 : i32 to index
        %parallel_loop3A_198 = arith.constant 80 : index
        %parallel_loop3A_199 = tpu.vector_load %arg16[%parallel_loop3A_197, %parallel_loop3A_198] {strides = array<i32>} : memref<40x128xf32, #tpu.memory_space<vmem>>, vector<1x16xf32>,
        %parallel_loop3A_200 = vector.shape_cast %parallel_loop3A_199 : vector<1x16xf32> to vector<16xf32>
        %parallel_loop3A_201 = arith.index_cast %parallel_loop3A_176 : i32 to index
        %parallel_loop3A_202 = arith.constant 96 : index
        %parallel_loop3A_203 = tpu.vector_load %arg16[%parallel_loop3A_201, %parallel_loop3A_202] {strides = array<i32>} : memref<40x128xf32, #tpu.memory_space<vmem>>, vector<1x16xf32>,
        %parallel_loop3A_204 = vector.shape_cast %parallel_loop3A_203 : vector<1x16xf32> to vector<16xf32>
        %parallel_loop3A_205 = arith.index_cast %parallel_loop3A_176 : i32 to index
        %parallel_loop3A_206 = arith.constant 112 : index
        %parallel_loop3A_207 = tpu.vector_load %arg16[%parallel_loop3A_205, %parallel_loop3A_206] {strides = array<i32>} : memref<40x128xf32, #tpu.memory_space<vmem>>, vector<1x16xf32>,
        %parallel_loop3A_208 = vector.shape_cast %parallel_loop3A_207 : vector<1x16xf32> to vector<16xf32>
        %parallel_loop3A_209 = arith.index_cast %parallel_loop3A_176 : i32 to index
        %parallel_loop3A_210 = arith.constant 0 : index
        %parallel_loop3A_211 = tpu.vector_load %arg18[%parallel_loop3A_209, %parallel_loop3A_210] {strides = array<i32>} : memref<40x128xf32, #tpu.memory_space<vmem>>, vector<1x16xf32>,
        %parallel_loop3A_212 = vector.shape_cast %parallel_loop3A_211 : vector<1x16xf32> to vector<16xf32>
        %parallel_loop3A_213 = arith.index_cast %parallel_loop3A_176 : i32 to index
        %parallel_loop3A_214 = arith.constant 16 : index
        %parallel_loop3A_215 = tpu.vector_load %arg18[%parallel_loop3A_213, %parallel_loop3A_214] {strides = array<i32>} : memref<40x128xf32, #tpu.memory_space<vmem>>, vector<1x16xf32>,
        %parallel_loop3A_216 = vector.shape_cast %parallel_loop3A_215 : vector<1x16xf32> to vector<16xf32>
        %parallel_loop3A_217 = arith.index_cast %parallel_loop3A_176 : i32 to index
        %parallel_loop3A_218 = arith.constant 32 : index
        %parallel_loop3A_219 = tpu.vector_load %arg18[%parallel_loop3A_217, %parallel_loop3A_218] {strides = array<i32>} : memref<40x128xf32, #tpu.memory_space<vmem>>, vector<1x16xf32>,
        %parallel_loop3A_220 = vector.shape_cast %parallel_loop3A_219 : vector<1x16xf32> to vector<16xf32>
        %parallel_loop3A_221 = arith.index_cast %parallel_loop3A_176 : i32 to index
        %parallel_loop3A_222 = arith.constant 48 : index
        %parallel_loop3A_223 = tpu.vector_load %arg18[%parallel_loop3A_221, %parallel_loop3A_222] {strides = array<i32>} : memref<40x128xf32, #tpu.memory_space<vmem>>, vector<1x16xf32>,
        %parallel_loop3A_224 = vector.shape_cast %parallel_loop3A_223 : vector<1x16xf32> to vector<16xf32>
        %parallel_loop3A_225 = arith.index_cast %parallel_loop3A_176 : i32 to index
        %parallel_loop3A_226 = arith.constant 64 : index
        %parallel_loop3A_227 = tpu.vector_load %arg18[%parallel_loop3A_225, %parallel_loop3A_226] {strides = array<i32>} : memref<40x128xf32, #tpu.memory_space<vmem>>, vector<1x16xf32>,
        %parallel_loop3A_228 = vector.shape_cast %parallel_loop3A_227 : vector<1x16xf32> to vector<16xf32>
        %parallel_loop3A_229 = arith.index_cast %parallel_loop3A_176 : i32 to index
        %parallel_loop3A_230 = arith.constant 80 : index
        %parallel_loop3A_231 = tpu.vector_load %arg18[%parallel_loop3A_229, %parallel_loop3A_230] {strides = array<i32>} : memref<40x128xf32, #tpu.memory_space<vmem>>, vector<1x16xf32>,
        %parallel_loop3A_232 = vector.shape_cast %parallel_loop3A_231 : vector<1x16xf32> to vector<16xf32>
        %parallel_loop3A_233 = arith.index_cast %parallel_loop3A_176 : i32 to index
        %parallel_loop3A_234 = arith.constant 96 : index
        %parallel_loop3A_235 = tpu.vector_load %arg18[%parallel_loop3A_233, %parallel_loop3A_234] {strides = array<i32>} : memref<40x128xf32, #tpu.memory_space<vmem>>, vector<1x16xf32>,
        %parallel_loop3A_236 = vector.shape_cast %parallel_loop3A_235 : vector<1x16xf32> to vector<16xf32>
        %parallel_loop3A_237 = arith.index_cast %parallel_loop3A_176 : i32 to index
        %parallel_loop3A_238 = arith.constant 112 : index
        %parallel_loop3A_239 = tpu.vector_load %arg18[%parallel_loop3A_237, %parallel_loop3A_238] {strides = array<i32>} : memref<40x128xf32, #tpu.memory_space<vmem>>, vector<1x16xf32>,
        %parallel_loop3A_240 = vector.shape_cast %parallel_loop3A_239 : vector<1x16xf32> to vector<16xf32>
        %parallel_loop3A_241 = arith.addf %parallel_loop3A_180, %parallel_loop3A_212 : vector<16xf32>
        %parallel_loop3A_242 = arith.constant 2.000000e-01 : f32
        %parallel_loop3A_243 = vector.broadcast %parallel_loop3A_242 : f32 to vector<16xf32>
        %parallel_loop3A_244 = arith.mulf %parallel_loop3A_243, %parallel_loop3A_241 : vector<16xf32>
        %parallel_loop3A_245 = arith.maximumf %parallel_loop3A_241, %parallel_loop3A_244 : vector<16xf32>
        %parallel_loop3A_246 = arith.mulf %parallel_loop3A_245, %get3A_17 : vector<16xf32>
        %parallel_loop3A_247 = arith.addf %parallel_loop3A_184, %parallel_loop3A_216 : vector<16xf32>
        %parallel_loop3A_248 = arith.constant 2.000000e-01 : f32
        %parallel_loop3A_249 = vector.broadcast %parallel_loop3A_248 : f32 to vector<16xf32>
        %parallel_loop3A_250 = arith.mulf %parallel_loop3A_249, %parallel_loop3A_247 : vector<16xf32>
        %parallel_loop3A_251 = arith.maximumf %parallel_loop3A_247, %parallel_loop3A_250 : vector<16xf32>
        %parallel_loop3A_252 = arith.mulf %parallel_loop3A_251, %get3A_20 : vector<16xf32>
        %parallel_loop3A_253 = arith.addf %parallel_loop3A_188, %parallel_loop3A_220 : vector<16xf32>
        %parallel_loop3A_254 = arith.constant 2.000000e-01 : f32
        %parallel_loop3A_255 = vector.broadcast %parallel_loop3A_254 : f32 to vector<16xf32>
        %parallel_loop3A_256 = arith.mulf %parallel_loop3A_255, %parallel_loop3A_253 : vector<16xf32>
        %parallel_loop3A_257 = arith.maximumf %parallel_loop3A_253, %parallel_loop3A_256 : vector<16xf32>
        %parallel_loop3A_258 = arith.mulf %parallel_loop3A_257, %get3A_23 : vector<16xf32>
        %parallel_loop3A_259 = arith.addf %parallel_loop3A_192, %parallel_loop3A_224 : vector<16xf32>
        %parallel_loop3A_260 = arith.constant 2.000000e-01 : f32
        %parallel_loop3A_261 = vector.broadcast %parallel_loop3A_260 : f32 to vector<16xf32>
        %parallel_loop3A_262 = arith.mulf %parallel_loop3A_261, %parallel_loop3A_259 : vector<16xf32>
        %parallel_loop3A_263 = arith.maximumf %parallel_loop3A_259, %parallel_loop3A_262 : vector<16xf32>
        %parallel_loop3A_264 = arith.mulf %parallel_loop3A_263, %get3A_26 : vector<16xf32>
        %parallel_loop3A_265 = arith.addf %parallel_loop3A_196, %parallel_loop3A_228 : vector<16xf32>
        %parallel_loop3A_266 = arith.constant 2.000000e-01 : f32
        %parallel_loop3A_267 = vector.broadcast %parallel_loop3A_266 : f32 to vector<16xf32>
        %parallel_loop3A_268 = arith.mulf %parallel_loop3A_267, %parallel_loop3A_265 : vector<16xf32>
        %parallel_loop3A_269 = arith.maximumf %parallel_loop3A_265, %parallel_loop3A_268 : vector<16xf32>
        %parallel_loop3A_270 = arith.mulf %parallel_loop3A_269, %get3A_29 : vector<16xf32>
        %parallel_loop3A_271 = arith.addf %parallel_loop3A_200, %parallel_loop3A_232 : vector<16xf32>
        %parallel_loop3A_272 = arith.constant 2.000000e-01 : f32
        %parallel_loop3A_273 = vector.broadcast %parallel_loop3A_272 : f32 to vector<16xf32>
        %parallel_loop3A_274 = arith.mulf %parallel_loop3A_273, %parallel_loop3A_271 : vector<16xf32>
        %parallel_loop3A_275 = arith.maximumf %parallel_loop3A_271, %parallel_loop3A_274 : vector<16xf32>
        %parallel_loop3A_276 = arith.mulf %parallel_loop3A_275, %get3A_32 : vector<16xf32>
        %parallel_loop3A_277 = arith.addf %parallel_loop3A_204, %parallel_loop3A_236 : vector<16xf32>
        %parallel_loop3A_278 = arith.constant 2.000000e-01 : f32
        %parallel_loop3A_279 = vector.broadcast %parallel_loop3A_278 : f32 to vector<16xf32>
        %parallel_loop3A_280 = arith.mulf %parallel_loop3A_279, %parallel_loop3A_277 : vector<16xf32>
        %parallel_loop3A_281 = arith.maximumf %parallel_loop3A_277, %parallel_loop3A_280 : vector<16xf32>
        %parallel_loop3A_282 = arith.mulf %parallel_loop3A_281, %get3A_35 : vector<16xf32>
        %parallel_loop3A_283 = arith.addf %parallel_loop3A_208, %parallel_loop3A_240 : vector<16xf32>
        %parallel_loop3A_284 = arith.constant 2.000000e-01 : f32
        %parallel_loop3A_285 = vector.broadcast %parallel_loop3A_284 : f32 to vector<16xf32>
        %parallel_loop3A_286 = arith.mulf %parallel_loop3A_285, %parallel_loop3A_283 : vector<16xf32>
        %parallel_loop3A_287 = arith.maximumf %parallel_loop3A_283, %parallel_loop3A_286 : vector<16xf32>
        %parallel_loop3A_288 = arith.mulf %parallel_loop3A_287, %get3A_38 : vector<16xf32>
        %parallel_loop3A_289 = arith.addf %parallel_loop3A_246, %parallel_loop3A_252 : vector<16xf32>
        %parallel_loop3A_290 = arith.constant 8 : i32
        %parallel_loop3A_291 = vector.broadcast %parallel_loop3A_290 : i32 to vector<16xi32>
        %parallel_loop3A_292 = arith.xori %iota3A, %parallel_loop3A_291 : vector<16xi32>
        %parallel_loop3A_293 = vector.shape_cast %parallel_loop3A_292 : vector<16xi32> to vector<16x1xi32>
        %parallel_loop3A_294 = vector.shape_cast %parallel_loop3A_293 : vector<16x1xi32> to vector<16xi32>
        %parallel_loop3A_295 = tpu.dynamic_gather %parallel_loop3A_289[%parallel_loop3A_294] in [0] : vector<16xf32>, vector<16xi32> -> vector<16xf32>
        %parallel_loop3A_296 = arith.addf %parallel_loop3A_289, %parallel_loop3A_295 : vector<16xf32>
        %parallel_loop3A_297 = arith.constant 4 : i32
        %parallel_loop3A_298 = vector.broadcast %parallel_loop3A_297 : i32 to vector<16xi32>
        %parallel_loop3A_299 = arith.xori %iota3A, %parallel_loop3A_298 : vector<16xi32>
        %parallel_loop3A_300 = vector.shape_cast %parallel_loop3A_299 : vector<16xi32> to vector<16x1xi32>
        %parallel_loop3A_301 = vector.shape_cast %parallel_loop3A_300 : vector<16x1xi32> to vector<16xi32>
        %parallel_loop3A_302 = tpu.dynamic_gather %parallel_loop3A_296[%parallel_loop3A_301] in [0] : vector<16xf32>, vector<16xi32> -> vector<16xf32>
        %parallel_loop3A_303 = arith.addf %parallel_loop3A_296, %parallel_loop3A_302 : vector<16xf32>
        %parallel_loop3A_304 = arith.constant 2 : i32
        %parallel_loop3A_305 = vector.broadcast %parallel_loop3A_304 : i32 to vector<16xi32>
        %parallel_loop3A_306 = arith.xori %iota3A, %parallel_loop3A_305 : vector<16xi32>
        %parallel_loop3A_307 = vector.shape_cast %parallel_loop3A_306 : vector<16xi32> to vector<16x1xi32>
        %parallel_loop3A_308 = vector.shape_cast %parallel_loop3A_307 : vector<16x1xi32> to vector<16xi32>
        %parallel_loop3A_309 = tpu.dynamic_gather %parallel_loop3A_303[%parallel_loop3A_308] in [0] : vector<16xf32>, vector<16xi32> -> vector<16xf32>
        %parallel_loop3A_310 = arith.addf %parallel_loop3A_303, %parallel_loop3A_309 : vector<16xf32>
        %parallel_loop3A_311 = arith.constant 1 : i32
        %parallel_loop3A_312 = vector.broadcast %parallel_loop3A_311 : i32 to vector<16xi32>
        %parallel_loop3A_313 = arith.xori %iota3A, %parallel_loop3A_312 : vector<16xi32>
        %parallel_loop3A_314 = vector.shape_cast %parallel_loop3A_313 : vector<16xi32> to vector<16x1xi32>
        %parallel_loop3A_315 = vector.shape_cast %parallel_loop3A_314 : vector<16x1xi32> to vector<16xi32>
        %parallel_loop3A_316 = tpu.dynamic_gather %parallel_loop3A_310[%parallel_loop3A_315] in [0] : vector<16xf32>, vector<16xi32> -> vector<16xf32>
        %parallel_loop3A_317 = arith.addf %parallel_loop3A_310, %parallel_loop3A_316 : vector<16xf32>
        %parallel_loop3A_318 = math.exp %parallel_loop3A_317 : vector<16xf32>
        %parallel_loop3A_319 = arith.mulf %parallel_loop3A_180, %parallel_loop3A_318 : vector<16xf32>
        %parallel_loop3A_320 = arith.index_cast %parallel_loop3A_176 : i32 to index
        %parallel_loop3A_321 = arith.constant 0 : index
        %parallel_loop3A_322 = tpu.vector_load %arg19[%parallel_loop3A_320, %parallel_loop3A_321] {strides = array<i32>} : memref<40x128xf32, #tpu.memory_space<vmem>>, vector<1x16xf32>,
        %parallel_loop3A_323 = vector.shape_cast %parallel_loop3A_322 : vector<1x16xf32> to vector<16xf32>
        %parallel_loop3A_324 = vector.shape_cast %parallel_loop3A_319 : vector<16xf32> to vector<1x16xf32>
        tpu.vector_store %arg19[%parallel_loop3A_320, %parallel_loop3A_321], %parallel_loop3A_324 {strides = array<i32>} : memref<40x128xf32, #tpu.memory_space<vmem>>, vector<1x16xf32>,
        %parallel_loop3A_325 = arith.mulf %parallel_loop3A_184, %parallel_loop3A_318 : vector<16xf32>
        %parallel_loop3A_326 = arith.index_cast %parallel_loop3A_176 : i32 to index
        %parallel_loop3A_327 = arith.constant 16 : index
        %parallel_loop3A_328 = tpu.vector_load %arg19[%parallel_loop3A_326, %parallel_loop3A_327] {strides = array<i32>} : memref<40x128xf32, #tpu.memory_space<vmem>>, vector<1x16xf32>,
        %parallel_loop3A_329 = vector.shape_cast %parallel_loop3A_328 : vector<1x16xf32> to vector<16xf32>
        %parallel_loop3A_330 = vector.shape_cast %parallel_loop3A_325 : vector<16xf32> to vector<1x16xf32>
        tpu.vector_store %arg19[%parallel_loop3A_326, %parallel_loop3A_327], %parallel_loop3A_330 {strides = array<i32>} : memref<40x128xf32, #tpu.memory_space<vmem>>, vector<1x16xf32>,
        %parallel_loop3A_331 = arith.addf %parallel_loop3A_258, %parallel_loop3A_264 : vector<16xf32>
        %parallel_loop3A_332 = arith.constant 8 : i32
        %parallel_loop3A_333 = vector.broadcast %parallel_loop3A_332 : i32 to vector<16xi32>
        %parallel_loop3A_334 = arith.xori %iota3A, %parallel_loop3A_333 : vector<16xi32>
        %parallel_loop3A_335 = vector.shape_cast %parallel_loop3A_334 : vector<16xi32> to vector<16x1xi32>
        %parallel_loop3A_336 = vector.shape_cast %parallel_loop3A_335 : vector<16x1xi32> to vector<16xi32>
        %parallel_loop3A_337 = tpu.dynamic_gather %parallel_loop3A_331[%parallel_loop3A_336] in [0] : vector<16xf32>, vector<16xi32> -> vector<16xf32>
        %parallel_loop3A_338 = arith.addf %parallel_loop3A_331, %parallel_loop3A_337 : vector<16xf32>
        %parallel_loop3A_339 = arith.constant 4 : i32
        %parallel_loop3A_340 = vector.broadcast %parallel_loop3A_339 : i32 to vector<16xi32>
        %parallel_loop3A_341 = arith.xori %iota3A, %parallel_loop3A_340 : vector<16xi32>
        %parallel_loop3A_342 = vector.shape_cast %parallel_loop3A_341 : vector<16xi32> to vector<16x1xi32>
        %parallel_loop3A_343 = vector.shape_cast %parallel_loop3A_342 : vector<16x1xi32> to vector<16xi32>
        %parallel_loop3A_344 = tpu.dynamic_gather %parallel_loop3A_338[%parallel_loop3A_343] in [0] : vector<16xf32>, vector<16xi32> -> vector<16xf32>
        %parallel_loop3A_345 = arith.addf %parallel_loop3A_338, %parallel_loop3A_344 : vector<16xf32>
        %parallel_loop3A_346 = arith.constant 2 : i32
        %parallel_loop3A_347 = vector.broadcast %parallel_loop3A_346 : i32 to vector<16xi32>
        %parallel_loop3A_348 = arith.xori %iota3A, %parallel_loop3A_347 : vector<16xi32>
        %parallel_loop3A_349 = vector.shape_cast %parallel_loop3A_348 : vector<16xi32> to vector<16x1xi32>
        %parallel_loop3A_350 = vector.shape_cast %parallel_loop3A_349 : vector<16x1xi32> to vector<16xi32>
        %parallel_loop3A_351 = tpu.dynamic_gather %parallel_loop3A_345[%parallel_loop3A_350] in [0] : vector<16xf32>, vector<16xi32> -> vector<16xf32>
        %parallel_loop3A_352 = arith.addf %parallel_loop3A_345, %parallel_loop3A_351 : vector<16xf32>
        %parallel_loop3A_353 = arith.constant 1 : i32
        %parallel_loop3A_354 = vector.broadcast %parallel_loop3A_353 : i32 to vector<16xi32>
        %parallel_loop3A_355 = arith.xori %iota3A, %parallel_loop3A_354 : vector<16xi32>
        %parallel_loop3A_356 = vector.shape_cast %parallel_loop3A_355 : vector<16xi32> to vector<16x1xi32>
        %parallel_loop3A_357 = vector.shape_cast %parallel_loop3A_356 : vector<16x1xi32> to vector<16xi32>
        %parallel_loop3A_358 = tpu.dynamic_gather %parallel_loop3A_352[%parallel_loop3A_357] in [0] : vector<16xf32>, vector<16xi32> -> vector<16xf32>
        %parallel_loop3A_359 = arith.addf %parallel_loop3A_352, %parallel_loop3A_358 : vector<16xf32>
        %parallel_loop3A_360 = math.exp %parallel_loop3A_359 : vector<16xf32>
        %parallel_loop3A_361 = arith.mulf %parallel_loop3A_188, %parallel_loop3A_360 : vector<16xf32>
        %parallel_loop3A_362 = arith.index_cast %parallel_loop3A_176 : i32 to index
        %parallel_loop3A_363 = arith.constant 32 : index
        %parallel_loop3A_364 = tpu.vector_load %arg19[%parallel_loop3A_362, %parallel_loop3A_363] {strides = array<i32>} : memref<40x128xf32, #tpu.memory_space<vmem>>, vector<1x16xf32>,
        %parallel_loop3A_365 = vector.shape_cast %parallel_loop3A_364 : vector<1x16xf32> to vector<16xf32>
        %parallel_loop3A_366 = vector.shape_cast %parallel_loop3A_361 : vector<16xf32> to vector<1x16xf32>
        tpu.vector_store %arg19[%parallel_loop3A_362, %parallel_loop3A_363], %parallel_loop3A_366 {strides = array<i32>} : memref<40x128xf32, #tpu.memory_space<vmem>>, vector<1x16xf32>,
        %parallel_loop3A_367 = arith.mulf %parallel_loop3A_192, %parallel_loop3A_360 : vector<16xf32>
        %parallel_loop3A_368 = arith.index_cast %parallel_loop3A_176 : i32 to index
        %parallel_loop3A_369 = arith.constant 48 : index
        %parallel_loop3A_370 = tpu.vector_load %arg19[%parallel_loop3A_368, %parallel_loop3A_369] {strides = array<i32>} : memref<40x128xf32, #tpu.memory_space<vmem>>, vector<1x16xf32>,
        %parallel_loop3A_371 = vector.shape_cast %parallel_loop3A_370 : vector<1x16xf32> to vector<16xf32>
        %parallel_loop3A_372 = vector.shape_cast %parallel_loop3A_367 : vector<16xf32> to vector<1x16xf32>
        tpu.vector_store %arg19[%parallel_loop3A_368, %parallel_loop3A_369], %parallel_loop3A_372 {strides = array<i32>} : memref<40x128xf32, #tpu.memory_space<vmem>>, vector<1x16xf32>,
        %parallel_loop3A_373 = arith.addf %parallel_loop3A_270, %parallel_loop3A_276 : vector<16xf32>
        %parallel_loop3A_374 = arith.constant 8 : i32
        %parallel_loop3A_375 = vector.broadcast %parallel_loop3A_374 : i32 to vector<16xi32>
        %parallel_loop3A_376 = arith.xori %iota3A, %parallel_loop3A_375 : vector<16xi32>
        %parallel_loop3A_377 = vector.shape_cast %parallel_loop3A_376 : vector<16xi32> to vector<16x1xi32>
        %parallel_loop3A_378 = vector.shape_cast %parallel_loop3A_377 : vector<16x1xi32> to vector<16xi32>
        %parallel_loop3A_379 = tpu.dynamic_gather %parallel_loop3A_373[%parallel_loop3A_378] in [0] : vector<16xf32>, vector<16xi32> -> vector<16xf32>
        %parallel_loop3A_380 = arith.addf %parallel_loop3A_373, %parallel_loop3A_379 : vector<16xf32>
        %parallel_loop3A_381 = arith.constant 4 : i32
        %parallel_loop3A_382 = vector.broadcast %parallel_loop3A_381 : i32 to vector<16xi32>
        %parallel_loop3A_383 = arith.xori %iota3A, %parallel_loop3A_382 : vector<16xi32>
        %parallel_loop3A_384 = vector.shape_cast %parallel_loop3A_383 : vector<16xi32> to vector<16x1xi32>
        %parallel_loop3A_385 = vector.shape_cast %parallel_loop3A_384 : vector<16x1xi32> to vector<16xi32>
        %parallel_loop3A_386 = tpu.dynamic_gather %parallel_loop3A_380[%parallel_loop3A_385] in [0] : vector<16xf32>, vector<16xi32> -> vector<16xf32>
        %parallel_loop3A_387 = arith.addf %parallel_loop3A_380, %parallel_loop3A_386 : vector<16xf32>
        %parallel_loop3A_388 = arith.constant 2 : i32
        %parallel_loop3A_389 = vector.broadcast %parallel_loop3A_388 : i32 to vector<16xi32>
        %parallel_loop3A_390 = arith.xori %iota3A, %parallel_loop3A_389 : vector<16xi32>
        %parallel_loop3A_391 = vector.shape_cast %parallel_loop3A_390 : vector<16xi32> to vector<16x1xi32>
        %parallel_loop3A_392 = vector.shape_cast %parallel_loop3A_391 : vector<16x1xi32> to vector<16xi32>
        %parallel_loop3A_393 = tpu.dynamic_gather %parallel_loop3A_387[%parallel_loop3A_392] in [0] : vector<16xf32>, vector<16xi32> -> vector<16xf32>
        %parallel_loop3A_394 = arith.addf %parallel_loop3A_387, %parallel_loop3A_393 : vector<16xf32>
        %parallel_loop3A_395 = arith.constant 1 : i32
        %parallel_loop3A_396 = vector.broadcast %parallel_loop3A_395 : i32 to vector<16xi32>
        %parallel_loop3A_397 = arith.xori %iota3A, %parallel_loop3A_396 : vector<16xi32>
        %parallel_loop3A_398 = vector.shape_cast %parallel_loop3A_397 : vector<16xi32> to vector<16x1xi32>
        %parallel_loop3A_399 = vector.shape_cast %parallel_loop3A_398 : vector<16x1xi32> to vector<16xi32>
        %parallel_loop3A_400 = tpu.dynamic_gather %parallel_loop3A_394[%parallel_loop3A_399] in [0] : vector<16xf32>, vector<16xi32> -> vector<16xf32>
        %parallel_loop3A_401 = arith.addf %parallel_loop3A_394, %parallel_loop3A_400 : vector<16xf32>
        %parallel_loop3A_402 = math.exp %parallel_loop3A_401 : vector<16xf32>
        %parallel_loop3A_403 = arith.mulf %parallel_loop3A_196, %parallel_loop3A_402 : vector<16xf32>
        %parallel_loop3A_404 = arith.index_cast %parallel_loop3A_176 : i32 to index
        %parallel_loop3A_405 = arith.constant 64 : index
        %parallel_loop3A_406 = tpu.vector_load %arg19[%parallel_loop3A_404, %parallel_loop3A_405] {strides = array<i32>} : memref<40x128xf32, #tpu.memory_space<vmem>>, vector<1x16xf32>,
        %parallel_loop3A_407 = vector.shape_cast %parallel_loop3A_406 : vector<1x16xf32> to vector<16xf32>
        %parallel_loop3A_408 = vector.shape_cast %parallel_loop3A_403 : vector<16xf32> to vector<1x16xf32>
        tpu.vector_store %arg19[%parallel_loop3A_404, %parallel_loop3A_405], %parallel_loop3A_408 {strides = array<i32>} : memref<40x128xf32, #tpu.memory_space<vmem>>, vector<1x16xf32>,
        %parallel_loop3A_409 = arith.mulf %parallel_loop3A_200, %parallel_loop3A_402 : vector<16xf32>
        %parallel_loop3A_410 = arith.index_cast %parallel_loop3A_176 : i32 to index
        %parallel_loop3A_411 = arith.constant 80 : index
        %parallel_loop3A_412 = tpu.vector_load %arg19[%parallel_loop3A_410, %parallel_loop3A_411] {strides = array<i32>} : memref<40x128xf32, #tpu.memory_space<vmem>>, vector<1x16xf32>,
        %parallel_loop3A_413 = vector.shape_cast %parallel_loop3A_412 : vector<1x16xf32> to vector<16xf32>
        %parallel_loop3A_414 = vector.shape_cast %parallel_loop3A_409 : vector<16xf32> to vector<1x16xf32>
        tpu.vector_store %arg19[%parallel_loop3A_410, %parallel_loop3A_411], %parallel_loop3A_414 {strides = array<i32>} : memref<40x128xf32, #tpu.memory_space<vmem>>, vector<1x16xf32>,
        %parallel_loop3A_415 = arith.addf %parallel_loop3A_282, %parallel_loop3A_288 : vector<16xf32>
        %parallel_loop3A_416 = arith.constant 8 : i32
        %parallel_loop3A_417 = vector.broadcast %parallel_loop3A_416 : i32 to vector<16xi32>
        %parallel_loop3A_418 = arith.xori %iota3A, %parallel_loop3A_417 : vector<16xi32>
        %parallel_loop3A_419 = vector.shape_cast %parallel_loop3A_418 : vector<16xi32> to vector<16x1xi32>
        %parallel_loop3A_420 = vector.shape_cast %parallel_loop3A_419 : vector<16x1xi32> to vector<16xi32>
        %parallel_loop3A_421 = tpu.dynamic_gather %parallel_loop3A_415[%parallel_loop3A_420] in [0] : vector<16xf32>, vector<16xi32> -> vector<16xf32>
        %parallel_loop3A_422 = arith.addf %parallel_loop3A_415, %parallel_loop3A_421 : vector<16xf32>
        %parallel_loop3A_423 = arith.constant 4 : i32
        %parallel_loop3A_424 = vector.broadcast %parallel_loop3A_423 : i32 to vector<16xi32>
        %parallel_loop3A_425 = arith.xori %iota3A, %parallel_loop3A_424 : vector<16xi32>
        %parallel_loop3A_426 = vector.shape_cast %parallel_loop3A_425 : vector<16xi32> to vector<16x1xi32>
        %parallel_loop3A_427 = vector.shape_cast %parallel_loop3A_426 : vector<16x1xi32> to vector<16xi32>
        %parallel_loop3A_428 = tpu.dynamic_gather %parallel_loop3A_422[%parallel_loop3A_427] in [0] : vector<16xf32>, vector<16xi32> -> vector<16xf32>
        %parallel_loop3A_429 = arith.addf %parallel_loop3A_422, %parallel_loop3A_428 : vector<16xf32>
        %parallel_loop3A_430 = arith.constant 2 : i32
        %parallel_loop3A_431 = vector.broadcast %parallel_loop3A_430 : i32 to vector<16xi32>
        %parallel_loop3A_432 = arith.xori %iota3A, %parallel_loop3A_431 : vector<16xi32>
        %parallel_loop3A_433 = vector.shape_cast %parallel_loop3A_432 : vector<16xi32> to vector<16x1xi32>
        %parallel_loop3A_434 = vector.shape_cast %parallel_loop3A_433 : vector<16x1xi32> to vector<16xi32>
        %parallel_loop3A_435 = tpu.dynamic_gather %parallel_loop3A_429[%parallel_loop3A_434] in [0] : vector<16xf32>, vector<16xi32> -> vector<16xf32>
        %parallel_loop3A_436 = arith.addf %parallel_loop3A_429, %parallel_loop3A_435 : vector<16xf32>
        %parallel_loop3A_437 = arith.constant 1 : i32
        %parallel_loop3A_438 = vector.broadcast %parallel_loop3A_437 : i32 to vector<16xi32>
        %parallel_loop3A_439 = arith.xori %iota3A, %parallel_loop3A_438 : vector<16xi32>
        %parallel_loop3A_440 = vector.shape_cast %parallel_loop3A_439 : vector<16xi32> to vector<16x1xi32>
        %parallel_loop3A_441 = vector.shape_cast %parallel_loop3A_440 : vector<16x1xi32> to vector<16xi32>
        %parallel_loop3A_442 = tpu.dynamic_gather %parallel_loop3A_436[%parallel_loop3A_441] in [0] : vector<16xf32>, vector<16xi32> -> vector<16xf32>
        %parallel_loop3A_443 = arith.addf %parallel_loop3A_436, %parallel_loop3A_442 : vector<16xf32>
        %parallel_loop3A_444 = math.exp %parallel_loop3A_443 : vector<16xf32>
        %parallel_loop3A_445 = arith.mulf %parallel_loop3A_204, %parallel_loop3A_444 : vector<16xf32>
        %parallel_loop3A_446 = arith.index_cast %parallel_loop3A_176 : i32 to index
        %parallel_loop3A_447 = arith.constant 96 : index
        %parallel_loop3A_448 = tpu.vector_load %arg19[%parallel_loop3A_446, %parallel_loop3A_447] {strides = array<i32>} : memref<40x128xf32, #tpu.memory_space<vmem>>, vector<1x16xf32>,
        %parallel_loop3A_449 = vector.shape_cast %parallel_loop3A_448 : vector<1x16xf32> to vector<16xf32>
        %parallel_loop3A_450 = vector.shape_cast %parallel_loop3A_445 : vector<16xf32> to vector<1x16xf32>
        tpu.vector_store %arg19[%parallel_loop3A_446, %parallel_loop3A_447], %parallel_loop3A_450 {strides = array<i32>} : memref<40x128xf32, #tpu.memory_space<vmem>>, vector<1x16xf32>,
        %parallel_loop3A_451 = arith.mulf %parallel_loop3A_208, %parallel_loop3A_444 : vector<16xf32>
        %parallel_loop3A_452 = arith.index_cast %parallel_loop3A_176 : i32 to index
        %parallel_loop3A_453 = arith.constant 112 : index
        %parallel_loop3A_454 = tpu.vector_load %arg19[%parallel_loop3A_452, %parallel_loop3A_453] {strides = array<i32>} : memref<40x128xf32, #tpu.memory_space<vmem>>, vector<1x16xf32>,
        %parallel_loop3A_455 = vector.shape_cast %parallel_loop3A_454 : vector<1x16xf32> to vector<16xf32>
        %parallel_loop3A_456 = vector.shape_cast %parallel_loop3A_451 : vector<16xf32> to vector<1x16xf32>
        tpu.vector_store %arg19[%parallel_loop3A_452, %parallel_loop3A_453], %parallel_loop3A_456 {strides = array<i32>} : memref<40x128xf32, #tpu.memory_space<vmem>>, vector<1x16xf32>,
        %parallel_loop3A_457 = arith.constant 0 : i32
        %parallel_loop3A_458 = vector.broadcast %parallel_loop3A_457 : i32 to vector<16xi32>
        %parallel_loop3A_459 = arith.cmpi eq, %iota3A, %parallel_loop3A_458 : vector<16xi32>
        %parallel_loop3A_460 = arith.constant 1 : i32
        %parallel_loop3A_461 = vector.broadcast %parallel_loop3A_460 : i32 to vector<16xi32>
        %parallel_loop3A_462 = arith.cmpi eq, %iota3A, %parallel_loop3A_461 : vector<16xi32>
        %parallel_loop3A_463 = arith.constant 2 : i32
        %parallel_loop3A_464 = vector.broadcast %parallel_loop3A_463 : i32 to vector<16xi32>
        %parallel_loop3A_465 = arith.cmpi eq, %iota3A, %parallel_loop3A_464 : vector<16xi32>
        %parallel_loop3A_466 = arith.select %parallel_loop3A_465, %parallel_loop3A_402, %parallel_loop3A_444 : vector<16xi1>, vector<16xf32>
        %parallel_loop3A_467 = arith.select %parallel_loop3A_462, %parallel_loop3A_360, %parallel_loop3A_466 : vector<16xi1>, vector<16xf32>
        %parallel_loop3A_468 = arith.select %parallel_loop3A_459, %parallel_loop3A_318, %parallel_loop3A_467 : vector<16xi1>, vector<16xf32>
        %parallel_loop3A_469 = arith.index_cast %parallel_loop3A_176 : i32 to index
        %parallel_loop3A_470 = arith.constant 0 : index
        %parallel_loop3A_471 = tpu.vector_load %arg20[%parallel_loop3A_469, %parallel_loop3A_470] {strides = array<i32>} : memref<40x16xf32, #tpu.memory_space<vmem>>, vector<1x16xf32>,
        %parallel_loop3A_472 = vector.shape_cast %parallel_loop3A_471 : vector<1x16xf32> to vector<16xf32>
        %parallel_loop3A_473 = vector.shape_cast %parallel_loop3A_468 : vector<16xf32> to vector<1x16xf32>
        tpu.vector_store %arg20[%parallel_loop3A_469, %parallel_loop3A_470], %parallel_loop3A_473 {strides = array<i32>} : memref<40x16xf32, #tpu.memory_space<vmem>>, vector<1x16xf32>,
      } {sc.loop_unroll_factor = 2 : i64, sc.parallel_access}
      %dma_start3A_164 = arith.constant 0 : i32
      %dma_start3A_165 = tpu.memref_slice %arg12[%add3A_132, %dma_start3A_164] : memref<250x40xi32, #tpu.memory_space<vmem>> -> memref<1x40xi32, #tpu.memory_space<vmem>>
      %dma_start3A_166 = tpu.memref_squeeze %dma_start3A_165 : memref<1x40xi32, #tpu.memory_space<vmem>> -> memref<40xi32, #tpu.memory_space<vmem>>
      %dma_start3A_167 = arith.constant 0 : i32
      %dma_start3A_168 = arith.constant 0 : i32
      %dma_start3A_169 = tpu.memref_slice %arg21[%dma_start3A_167, %dma_start3A_168] : memref<10016x128xf32, #tpu.memory_space<vmem_shared>> -> memref<10016x128xf32, #tpu.memory_space<vmem_shared>>
      tpu.enqueue_indirect_dma source(%arg19 : memref<40x128xf32, #tpu.memory_space<vmem>>) target(%dma_start3A_169 : memref<10016x128xf32, #tpu.memory_space<vmem_shared>>) offsets(%dma_start3A_166 : memref<40xi32, #tpu.memory_space<vmem>>) semaphore(%arg29 : memref<!tpu.dma_semaphore, #tpu.memory_space<semaphore_mem>>) {add = true}
      %dma_start3A_170 = arith.constant 0 : i32
      %dma_start3A_171 = tpu.memref_slice %arg12[%add3A_132, %dma_start3A_170] : memref<250x40xi32, #tpu.memory_space<vmem>> -> memref<1x40xi32, #tpu.memory_space<vmem>>
      %dma_start3A_172 = tpu.memref_squeeze %dma_start3A_171 : memref<1x40xi32, #tpu.memory_space<vmem>> -> memref<40xi32, #tpu.memory_space<vmem>>
      %dma_start3A_173 = arith.constant 0 : i32
      %dma_start3A_174 = arith.constant 0 : i32
      %dma_start3A_175 = tpu.memref_slice %arg22[%dma_start3A_173, %dma_start3A_174] : memref<10016x16xf32, #tpu.memory_space<vmem_shared>> -> memref<10016x16xf32, #tpu.memory_space<vmem_shared>>
      tpu.enqueue_indirect_dma source(%arg20 : memref<40x16xf32, #tpu.memory_space<vmem>>) target(%dma_start3A_175 : memref<10016x16xf32, #tpu.memory_space<vmem_shared>>) offsets(%dma_start3A_172 : memref<40xi32, #tpu.memory_space<vmem>>) semaphore(%arg30 : memref<!tpu.dma_semaphore, #tpu.memory_space<semaphore_mem>>) {add = true}
    }
    %scan3A_57 = arith.constant 125 : i32
    %dma_wait3A = arith.constant 249 : i32
    %dma_wait3A_58 = arith.constant 0 : i32
    %dma_wait3A_59 = tpu.memref_slice %arg12[%dma_wait3A, %dma_wait3A_58] : memref<250x40xi32, #tpu.memory_space<vmem>> -> memref<1x40xi32, #tpu.memory_space<vmem>>
    %dma_wait3A_60 = tpu.memref_squeeze %dma_wait3A_59 : memref<1x40xi32, #tpu.memory_space<vmem>> -> memref<40xi32, #tpu.memory_space<vmem>>
    %dma_wait3A_61 = arith.constant 0 : i32
    %dma_wait3A_62 = arith.constant 0 : i32
    %dma_wait3A_63 = tpu.memref_slice %arg21[%dma_wait3A_61, %dma_wait3A_62] : memref<10016x128xf32, #tpu.memory_space<vmem_shared>> -> memref<10016x128xf32, #tpu.memory_space<vmem_shared>>
    tpu.wait_indirect_dma semaphore(%arg29 : memref<!tpu.dma_semaphore, #tpu.memory_space<semaphore_mem>>) src(%arg19 : memref<40x128xf32, #tpu.memory_space<vmem>>) dst(%dma_wait3A_63 : memref<10016x128xf32, #tpu.memory_space<vmem_shared>>)
    %dma_wait3A_64 = arith.constant 249 : i32
    %dma_wait3A_65 = arith.constant 0 : i32
    %dma_wait3A_66 = tpu.memref_slice %arg12[%dma_wait3A_64, %dma_wait3A_65] : memref<250x40xi32, #tpu.memory_space<vmem>> -> memref<1x40xi32, #tpu.memory_space<vmem>>
    %dma_wait3A_67 = tpu.memref_squeeze %dma_wait3A_66 : memref<1x40xi32, #tpu.memory_space<vmem>> -> memref<40xi32, #tpu.memory_space<vmem>>
    %dma_wait3A_68 = arith.constant 0 : i32
    %dma_wait3A_69 = arith.constant 0 : i32
    %dma_wait3A_70 = tpu.memref_slice %arg22[%dma_wait3A_68, %dma_wait3A_69] : memref<10016x16xf32, #tpu.memory_space<vmem_shared>> -> memref<10016x16xf32, #tpu.memory_space<vmem_shared>>
    tpu.wait_indirect_dma semaphore(%arg30 : memref<!tpu.dma_semaphore, #tpu.memory_space<semaphore_mem>>) src(%arg20 : memref<40x16xf32, #tpu.memory_space<vmem>>) dst(%dma_wait3A_70 : memref<10016x16xf32, #tpu.memory_space<vmem_shared>>)
    %barrier3A_71 = arith.constant 0 : index
    tpu.barrier barrier_id(%barrier3A_71)
    %lt3A_72 = arith.constant 4 : i32
    %lt3A_73 = arith.cmpi slt, %arg1, %lt3A_72 : i32
    %convert_element_type3A_74 = arith.extui %lt3A_73 : i1 to i32
    %cond3A_75 = arith.constant 0 : i32
    %cond3A_76 = arith.cmpi ne, %convert_element_type3A_74, %cond3A_75 : i32
    scf.if %cond3A_76 {
      "tpu.region"() ({
        %run_scoped3A = tpu.sem_alloc : memref<!tpu.dma_semaphore, #tpu.memory_space<semaphore_mem>>
        %dma_start3A_82 = arith.constant 0 : i32
        %dma_start3A_83 = tpu.memref_slice %arg9[%arg0, %select_n3A, %dma_start3A_82] : memref<2x10016x128xf32, #tpu.memory_space<hbm>> -> memref<1x632x128xf32, #tpu.memory_space<hbm>>
        %dma_start3A_84 = tpu.memref_squeeze %dma_start3A_83 : memref<1x632x128xf32, #tpu.memory_space<hbm>> -> memref<632x128xf32, #tpu.memory_space<hbm>>
        %dma_start3A_85 = arith.constant 0 : i32
        %dma_start3A_86 = tpu.memref_slice %arg21[%select_n3A, %dma_start3A_85] : memref<10016x128xf32, #tpu.memory_space<vmem_shared>> -> memref<632x128xf32, #tpu.memory_space<vmem_shared>>
        tpu.enqueue_dma source(%dma_start3A_86 : memref<632x128xf32, #tpu.memory_space<vmem_shared>>) target(%dma_start3A_84 : memref<632x128xf32, #tpu.memory_space<hbm>>) target_semaphore(%run_scoped3A : memref<!tpu.dma_semaphore, #tpu.memory_space<semaphore_mem>>)
        %dma_wait3A_87 = arith.constant 0 : i32
        %dma_wait3A_88 = tpu.memref_slice %arg9[%arg0, %select_n3A, %dma_wait3A_87] : memref<2x10016x128xf32, #tpu.memory_space<hbm>> -> memref<1x632x128xf32, #tpu.memory_space<hbm>>
        %dma_wait3A_89 = tpu.memref_squeeze %dma_wait3A_88 : memref<1x632x128xf32, #tpu.memory_space<hbm>> -> memref<632x128xf32, #tpu.memory_space<hbm>>
        %dma_wait3A_90 = arith.constant 0 : i32
        %dma_wait3A_91 = tpu.memref_slice %arg21[%select_n3A, %dma_wait3A_90] : memref<10016x128xf32, #tpu.memory_space<vmem_shared>> -> memref<632x128xf32, #tpu.memory_space<vmem_shared>>
        tpu.wait_dma2 semaphore(%run_scoped3A : memref<!tpu.dma_semaphore, #tpu.memory_space<semaphore_mem>>) src(%dma_wait3A_91 : memref<632x128xf32, #tpu.memory_space<vmem_shared>>) dst(%dma_wait3A_89 : memref<632x128xf32, #tpu.memory_space<hbm>>)
        tpu.yield
      }) : () -> ()
      "tpu.region"() ({
        %run_scoped3A = tpu.sem_alloc : memref<!tpu.dma_semaphore, #tpu.memory_space<semaphore_mem>>
        %dma_start3A_82 = arith.constant 0 : i32
        %dma_start3A_83 = tpu.memref_slice %arg10[%arg0, %select_n3A, %dma_start3A_82] : memref<2x10016x16xf32, #tpu.memory_space<hbm>> -> memref<1x632x16xf32, #tpu.memory_space<hbm>>
        %dma_start3A_84 = tpu.memref_squeeze %dma_start3A_83 : memref<1x632x16xf32, #tpu.memory_space<hbm>> -> memref<632x16xf32, #tpu.memory_space<hbm>>
        %dma_start3A_85 = arith.constant 0 : i32
        %dma_start3A_86 = tpu.memref_slice %arg22[%select_n3A, %dma_start3A_85] : memref<10016x16xf32, #tpu.memory_space<vmem_shared>> -> memref<632x16xf32, #tpu.memory_space<vmem_shared>>
        tpu.enqueue_dma source(%dma_start3A_86 : memref<632x16xf32, #tpu.memory_space<vmem_shared>>) target(%dma_start3A_84 : memref<632x16xf32, #tpu.memory_space<hbm>>) target_semaphore(%run_scoped3A : memref<!tpu.dma_semaphore, #tpu.memory_space<semaphore_mem>>)
        %dma_wait3A_87 = arith.constant 0 : i32
        %dma_wait3A_88 = tpu.memref_slice %arg10[%arg0, %select_n3A, %dma_wait3A_87] : memref<2x10016x16xf32, #tpu.memory_space<hbm>> -> memref<1x632x16xf32, #tpu.memory_space<hbm>>
        %dma_wait3A_89 = tpu.memref_squeeze %dma_wait3A_88 : memref<1x632x16xf32, #tpu.memory_space<hbm>> -> memref<632x16xf32, #tpu.memory_space<hbm>>
        %dma_wait3A_90 = arith.constant 0 : i32
        %dma_wait3A_91 = tpu.memref_slice %arg22[%select_n3A, %dma_wait3A_90] : memref<10016x16xf32, #tpu.memory_space<vmem_shared>> -> memref<632x16xf32, #tpu.memory_space<vmem_shared>>
        tpu.wait_dma2 semaphore(%run_scoped3A : memref<!tpu.dma_semaphore, #tpu.memory_space<semaphore_mem>>) src(%dma_wait3A_91 : memref<632x16xf32, #tpu.memory_space<vmem_shared>>) dst(%dma_wait3A_89 : memref<632x16xf32, #tpu.memory_space<hbm>>)
        tpu.yield
      }) : () -> ()
    } else {
    }
    %ge3A_77 = arith.constant 4 : i32
    %ge3A_78 = arith.cmpi sge, %arg1, %ge3A_77 : i32
    %convert_element_type3A_79 = arith.extui %ge3A_78 : i1 to i32
    %cond3A_80 = arith.constant 0 : i32
    %cond3A_81 = arith.cmpi ne, %convert_element_type3A_79, %cond3A_80 : i32
    scf.if %cond3A_81 {
      "tpu.region"() ({
        %run_scoped3A = tpu.sem_alloc : memref<!tpu.dma_semaphore, #tpu.memory_space<semaphore_mem>>
        %dma_start3A_82 = arith.constant 0 : i32
        %dma_start3A_83 = tpu.memref_slice %arg9[%arg0, %select_n3A, %dma_start3A_82] : memref<2x10016x128xf32, #tpu.memory_space<hbm>> -> memref<1x624x128xf32, #tpu.memory_space<hbm>>
        %dma_start3A_84 = tpu.memref_squeeze %dma_start3A_83 : memref<1x624x128xf32, #tpu.memory_space<hbm>> -> memref<624x128xf32, #tpu.memory_space<hbm>>
        %dma_start3A_85 = arith.constant 0 : i32
        %dma_start3A_86 = tpu.memref_slice %arg21[%select_n3A, %dma_start3A_85] : memref<10016x128xf32, #tpu.memory_space<vmem_shared>> -> memref<624x128xf32, #tpu.memory_space<vmem_shared>>
        tpu.enqueue_dma source(%dma_start3A_86 : memref<624x128xf32, #tpu.memory_space<vmem_shared>>) target(%dma_start3A_84 : memref<624x128xf32, #tpu.memory_space<hbm>>) target_semaphore(%run_scoped3A : memref<!tpu.dma_semaphore, #tpu.memory_space<semaphore_mem>>)
        %dma_wait3A_87 = arith.constant 0 : i32
        %dma_wait3A_88 = tpu.memref_slice %arg9[%arg0, %select_n3A, %dma_wait3A_87] : memref<2x10016x128xf32, #tpu.memory_space<hbm>> -> memref<1x624x128xf32, #tpu.memory_space<hbm>>
        %dma_wait3A_89 = tpu.memref_squeeze %dma_wait3A_88 : memref<1x624x128xf32, #tpu.memory_space<hbm>> -> memref<624x128xf32, #tpu.memory_space<hbm>>
        %dma_wait3A_90 = arith.constant 0 : i32
        %dma_wait3A_91 = tpu.memref_slice %arg21[%select_n3A, %dma_wait3A_90] : memref<10016x128xf32, #tpu.memory_space<vmem_shared>> -> memref<624x128xf32, #tpu.memory_space<vmem_shared>>
        tpu.wait_dma2 semaphore(%run_scoped3A : memref<!tpu.dma_semaphore, #tpu.memory_space<semaphore_mem>>) src(%dma_wait3A_91 : memref<624x128xf32, #tpu.memory_space<vmem_shared>>) dst(%dma_wait3A_89 : memref<624x128xf32, #tpu.memory_space<hbm>>)
        tpu.yield
      }) : () -> ()
      "tpu.region"() ({
        %run_scoped3A = tpu.sem_alloc : memref<!tpu.dma_semaphore, #tpu.memory_space<semaphore_mem>>
        %dma_start3A_82 = arith.constant 0 : i32
        %dma_start3A_83 = tpu.memref_slice %arg10[%arg0, %select_n3A, %dma_start3A_82] : memref<2x10016x16xf32, #tpu.memory_space<hbm>> -> memref<1x624x16xf32, #tpu.memory_space<hbm>>
        %dma_start3A_84 = tpu.memref_squeeze %dma_start3A_83 : memref<1x624x16xf32, #tpu.memory_space<hbm>> -> memref<624x16xf32, #tpu.memory_space<hbm>>
        %dma_start3A_85 = arith.constant 0 : i32
        %dma_start3A_86 = tpu.memref_slice %arg22[%select_n3A, %dma_start3A_85] : memref<10016x16xf32, #tpu.memory_space<vmem_shared>> -> memref<624x16xf32, #tpu.memory_space<vmem_shared>>
        tpu.enqueue_dma source(%dma_start3A_86 : memref<624x16xf32, #tpu.memory_space<vmem_shared>>) target(%dma_start3A_84 : memref<624x16xf32, #tpu.memory_space<hbm>>) target_semaphore(%run_scoped3A : memref<!tpu.dma_semaphore, #tpu.memory_space<semaphore_mem>>)
        %dma_wait3A_87 = arith.constant 0 : i32
        %dma_wait3A_88 = tpu.memref_slice %arg10[%arg0, %select_n3A, %dma_wait3A_87] : memref<2x10016x16xf32, #tpu.memory_space<hbm>> -> memref<1x624x16xf32, #tpu.memory_space<hbm>>
        %dma_wait3A_89 = tpu.memref_squeeze %dma_wait3A_88 : memref<1x624x16xf32, #tpu.memory_space<hbm>> -> memref<624x16xf32, #tpu.memory_space<hbm>>
        %dma_wait3A_90 = arith.constant 0 : i32
        %dma_wait3A_91 = tpu.memref_slice %arg22[%select_n3A, %dma_wait3A_90] : memref<10016x16xf32, #tpu.memory_space<vmem_shared>> -> memref<624x16xf32, #tpu.memory_space<vmem_shared>>
        tpu.wait_dma2 semaphore(%run_scoped3A : memref<!tpu.dma_semaphore, #tpu.memory_space<semaphore_mem>>) src(%dma_wait3A_91 : memref<624x16xf32, #tpu.memory_space<vmem_shared>>) dst(%dma_wait3A_89 : memref<624x16xf32, #tpu.memory_space<hbm>>)
        tpu.yield
      }) : () -> ()
    } else {
    }
    return
  }
}

module attributes {stable_mosaic.version = 14 : i64} {
  func.func @_proj_body(%arg0: i32, %arg1: memref<1000x128xf32, #tpu.memory_space<vmem>>, %arg2: memref<128x128xf32, #tpu.memory_space<vmem>>, %arg3: memref<128x128xf32, #tpu.memory_space<vmem>>, %arg4: memref<1000x128xf32, #tpu.memory_space<vmem>>, %arg5: memref<1000x128xf32, #tpu.memory_space<vmem>>) attributes {dimension_semantics = [#tpu.dimension_semantics<arbitrary>], iteration_bounds = array<i64: 10>, scalar_prefetch = 0 : i64, scratch_operands = 0 : i64, tpu.core_type = #tpu.core_type<tc>, window_params = [{transform_indices = @transform_0, window_bounds = array<i64: 1000, 128>}, {pipeline_mode = #tpu.pipeline_mode<synchronous>, transform_indices = @transform_1, window_bounds = array<i64: 128, 128>}, {pipeline_mode = #tpu.pipeline_mode<synchronous>, transform_indices = @transform_2, window_bounds = array<i64: 128, 128>}, {transform_indices = @transform_3, window_bounds = array<i64: 1000, 128>}, {transform_indices = @transform_4, window_bounds = array<i64: 1000, 128>}]} {
    %get3A = arith.constant 0 : index
    %get3A_0 = arith.constant 0 : index
    %get3A_1 = vector.load %arg1[%get3A, %get3A_0] : memref<1000x128xf32, #tpu.memory_space<vmem>>, vector<1000x128xf32>
    %get3A_2 = arith.constant 0 : index
    %get3A_3 = arith.constant 0 : index
    %get3A_4 = vector.load %arg2[%get3A_2, %get3A_3] : memref<128x128xf32, #tpu.memory_space<vmem>>, vector<128x128xf32>
    %dot_general3A = arith.constant dense<0.000000e+00> : vector<1000x128xf32>
    %dot_general3A_5 = tpu.matmul %get3A_1, %get3A_4, %dot_general3A {dimension_numbers = #tpu.dot_dimension_numbers<[1], [0], [0], [1], [0, 0, 1, 1], [], []>, transpose_lhs_hint = false} : vector<1000x128xf32>, vector<128x128xf32>, vector<1000x128xf32> -> vector<1000x128xf32>
    %swap3A = arith.constant 0 : index
    %swap3A_6 = arith.constant 0 : index
    %swap3A_7 = vector.load %arg4[%swap3A, %swap3A_6] : memref<1000x128xf32, #tpu.memory_space<vmem>>, vector<1000x128xf32>
    tpu.vector_store %arg4[%swap3A, %swap3A_6], %dot_general3A_5 {strides = array<i32>} : memref<1000x128xf32, #tpu.memory_space<vmem>>, vector<1000x128xf32>,
    %get3A_8 = arith.constant 0 : index
    %get3A_9 = arith.constant 0 : index
    %get3A_10 = vector.load %arg3[%get3A_8, %get3A_9] : memref<128x128xf32, #tpu.memory_space<vmem>>, vector<128x128xf32>
    %dot_general3A_11 = arith.constant dense<0.000000e+00> : vector<1000x128xf32>
    %dot_general3A_12 = tpu.matmul %get3A_1, %get3A_10, %dot_general3A_11 {dimension_numbers = #tpu.dot_dimension_numbers<[1], [0], [0], [1], [0, 0, 1, 1], [], []>, transpose_lhs_hint = false} : vector<1000x128xf32>, vector<128x128xf32>, vector<1000x128xf32> -> vector<1000x128xf32>
    %swap3A_13 = arith.constant 0 : index
    %swap3A_14 = arith.constant 0 : index
    %swap3A_15 = vector.load %arg5[%swap3A_13, %swap3A_14] : memref<1000x128xf32, #tpu.memory_space<vmem>>, vector<1000x128xf32>
    tpu.vector_store %arg5[%swap3A_13, %swap3A_14], %dot_general3A_12 {strides = array<i32>} : memref<1000x128xf32, #tpu.memory_space<vmem>>, vector<1000x128xf32>,
    return
  }
  func.func @transform_0(%arg0: i32) -> (i32, i32) {
    %c0_i32 = arith.constant 0 : i32
    %c0_i32_0 = arith.constant 0 : i32
    return %arg0, %c0_i32 : i32, i32
  }
  func.func @transform_1(%arg0: i32) -> (i32, i32) {
    %c0_i32 = arith.constant 0 : i32
    %c0_i32_0 = arith.constant 0 : i32
    %c0_i32_1 = arith.constant 0 : i32
    return %c0_i32, %c0_i32_0 : i32, i32
  }
  func.func @transform_2(%arg0: i32) -> (i32, i32) {
    %c0_i32 = arith.constant 0 : i32
    %c0_i32_0 = arith.constant 0 : i32
    %c0_i32_1 = arith.constant 0 : i32
    return %c0_i32, %c0_i32_0 : i32, i32
  }
  func.func @transform_3(%arg0: i32) -> (i32, i32) {
    %c0_i32 = arith.constant 0 : i32
    %c0_i32_0 = arith.constant 0 : i32
    return %arg0, %c0_i32 : i32, i32
  }
  func.func @transform_4(%arg0: i32) -> (i32, i32) {
    %c0_i32 = arith.constant 0 : i32
    %c0_i32_0 = arith.constant 0 : i32
    return %arg0, %c0_i32 : i32, i32
  }
}

module attributes {stable_mosaic.version = 14 : i64} {
  func.func @_finalize_body(%arg0: i32, %arg1: memref<1000x128xf32, #tpu.memory_space<vmem>>, %arg2: memref<1000x128xf32, #tpu.memory_space<vmem>>, %arg3: memref<1x1000x128xf32, #tpu.memory_space<vmem>>, %arg4: memref<1x1000x128xf32, #tpu.memory_space<vmem>>, %arg5: memref<1x1000x16xf32, #tpu.memory_space<vmem>>, %arg6: memref<1x1000x16xf32, #tpu.memory_space<vmem>>, %arg7: memref<1x128xf32, #tpu.memory_space<vmem>>, %arg8: memref<128x128xf32, #tpu.memory_space<vmem>>, %arg9: memref<16x128xf32, #tpu.memory_space<vmem>>, %arg10: memref<1x128xf32, #tpu.memory_space<vmem>>, %arg11: memref<1000x128xf32, #tpu.memory_space<vmem>>) attributes {dimension_semantics = [#tpu.dimension_semantics<arbitrary>], iteration_bounds = array<i64: 10>, scalar_prefetch = 0 : i64, scratch_operands = 0 : i64, tpu.core_type = #tpu.core_type<tc>, window_params = [{transform_indices = @transform_0, window_bounds = array<i64: 1000, 128>}, {transform_indices = @transform_1, window_bounds = array<i64: 1000, 128>}, {transform_indices = @transform_2, window_bounds = array<i64: 1, 1000, 128>}, {transform_indices = @transform_3, window_bounds = array<i64: 1, 1000, 128>}, {transform_indices = @transform_4, window_bounds = array<i64: 1, 1000, 16>}, {transform_indices = @transform_5, window_bounds = array<i64: 1, 1000, 16>}, {pipeline_mode = #tpu.pipeline_mode<synchronous>, transform_indices = @transform_6, window_bounds = array<i64: 1, 128>}, {pipeline_mode = #tpu.pipeline_mode<synchronous>, transform_indices = @transform_7, window_bounds = array<i64: 128, 128>}, {pipeline_mode = #tpu.pipeline_mode<synchronous>, transform_indices = @transform_8, window_bounds = array<i64: 16, 128>}, {pipeline_mode = #tpu.pipeline_mode<synchronous>, transform_indices = @transform_9, window_bounds = array<i64: 1, 128>}, {transform_indices = @transform_10, window_bounds = array<i64: 1000, 128>}]} {
    %get3A = arith.constant 0 : index
    %get3A_0 = arith.constant 0 : index
    %get3A_1 = vector.load %arg1[%get3A, %get3A_0] : memref<1000x128xf32, #tpu.memory_space<vmem>>, vector<1000x128xf32>
    %get3A_2 = arith.constant 0 : index
    %get3A_3 = arith.constant 0 : index
    %get3A_4 = vector.load %arg2[%get3A_2, %get3A_3] : memref<1000x128xf32, #tpu.memory_space<vmem>>, vector<1000x128xf32>
    %add3A = arith.addf %get3A_1, %get3A_4 : vector<1000x128xf32>
    %mul3A = arith.constant 2.000000e-01 : f32
    %mul3A_5 = vector.broadcast %mul3A : f32 to vector<1000x128xf32>
    %mul3A_6 = arith.mulf %mul3A_5, %add3A : vector<1000x128xf32>
    %max3A = arith.maximumf %add3A, %mul3A_6 : vector<1000x128xf32>
    %get3A_7 = arith.constant 0 : index
    %get3A_8 = arith.constant 0 : index
    %get3A_9 = vector.load %arg7[%get3A_7, %get3A_8] : memref<1x128xf32, #tpu.memory_space<vmem>>, vector<1x128xf32>
    %mul3A_10 = vector.broadcast %get3A_9 : vector<1x128xf32> to vector<1000x128xf32>
    %mul3A_11 = arith.mulf %max3A, %mul3A_10 : vector<1000x128xf32>
    %get3A_12 = arith.constant 0 : index
    %get3A_13 = arith.constant 0 : index
    %get3A_14 = vector.load %arg8[%get3A_12, %get3A_13] : memref<128x128xf32, #tpu.memory_space<vmem>>, vector<128x128xf32>
    %dot_general3A = arith.constant dense<0.000000e+00> : vector<1000x128xf32>
    %dot_general3A_15 = tpu.matmul %mul3A_11, %get3A_14, %dot_general3A {dimension_numbers = #tpu.dot_dimension_numbers<[1], [0], [0], [1], [0, 0, 1, 1], [], []>, transpose_lhs_hint = false} : vector<1000x128xf32>, vector<128x128xf32>, vector<1000x128xf32> -> vector<1000x128xf32>
    %exp3A = math.exp %dot_general3A_15 : vector<1000x128xf32>
    %get3A_16 = arith.constant 0 : index
    %get3A_17 = arith.constant 0 : index
    %get3A_18 = arith.constant 0 : index
    %get3A_19 = vector.load %arg5[%get3A_16, %get3A_17, %get3A_18] : memref<1x1000x16xf32, #tpu.memory_space<vmem>>, vector<1x1000x16xf32>
    %get3A_20 = arith.constant 0 : index
    %get3A_21 = arith.constant 0 : index
    %get3A_22 = arith.constant 0 : index
    %get3A_23 = vector.load %arg6[%get3A_20, %get3A_21, %get3A_22] : memref<1x1000x16xf32, #tpu.memory_space<vmem>>, vector<1x1000x16xf32>
    %add3A_24 = arith.addf %get3A_19, %get3A_23 : vector<1x1000x16xf32>
    %reshape3A = vector.shape_cast %add3A_24 : vector<1x1000x16xf32> to vector<1000x16xf32>
    %get3A_25 = arith.constant 0 : index
    %get3A_26 = arith.constant 0 : index
    %get3A_27 = vector.load %arg9[%get3A_25, %get3A_26] : memref<16x128xf32, #tpu.memory_space<vmem>>, vector<16x128xf32>
    %dot_general3A_28 = arith.constant dense<0.000000e+00> : vector<1000x128xf32>
    %dot_general3A_29 = tpu.matmul %reshape3A, %get3A_27, %dot_general3A_28 {dimension_numbers = #tpu.dot_dimension_numbers<[1], [0], [0], [1], [0, 0, 1, 1], [], []>, transpose_lhs_hint = false} : vector<1000x16xf32>, vector<16x128xf32>, vector<1000x128xf32> -> vector<1000x128xf32>
    %get3A_30 = arith.constant 0 : index
    %get3A_31 = arith.constant 0 : index
    %get3A_32 = arith.constant 0 : index
    %get3A_33 = vector.load %arg3[%get3A_30, %get3A_31, %get3A_32] : memref<1x1000x128xf32, #tpu.memory_space<vmem>>, vector<1x1000x128xf32>
    %get3A_34 = arith.constant 0 : index
    %get3A_35 = arith.constant 0 : index
    %get3A_36 = arith.constant 0 : index
    %get3A_37 = vector.load %arg4[%get3A_34, %get3A_35, %get3A_36] : memref<1x1000x128xf32, #tpu.memory_space<vmem>>, vector<1x1000x128xf32>
    %add3A_38 = arith.addf %get3A_33, %get3A_37 : vector<1x1000x128xf32>
    %reshape3A_39 = vector.shape_cast %add3A_38 : vector<1x1000x128xf32> to vector<1000x128xf32>
    %mul3A_40 = arith.mulf %exp3A, %get3A_1 : vector<1000x128xf32>
    %add3A_41 = arith.addf %reshape3A_39, %mul3A_40 : vector<1000x128xf32>
    %add3A_42 = arith.addf %dot_general3A_29, %exp3A : vector<1000x128xf32>
    %add3A_43 = arith.constant 1.000000e-16 : f32
    %add3A_44 = vector.broadcast %add3A_43 : f32 to vector<1000x128xf32>
    %add3A_45 = arith.addf %add3A_42, %add3A_44 : vector<1000x128xf32>
    %div3A = arith.divf %add3A_41, %add3A_45 : vector<1000x128xf32>
    %get3A_46 = arith.constant 0 : index
    %get3A_47 = arith.constant 0 : index
    %get3A_48 = vector.load %arg10[%get3A_46, %get3A_47] : memref<1x128xf32, #tpu.memory_space<vmem>>, vector<1x128xf32>
    %add3A_49 = vector.broadcast %get3A_48 : vector<1x128xf32> to vector<1000x128xf32>
    %add3A_50 = arith.addf %div3A, %add3A_49 : vector<1000x128xf32>
    %mul3A_51 = arith.constant 0.00999999977 : f32
    %mul3A_52 = vector.broadcast %mul3A_51 : f32 to vector<1000x128xf32>
    %mul3A_53 = arith.mulf %mul3A_52, %add3A_50 : vector<1000x128xf32>
    %max3A_54 = arith.maximumf %add3A_50, %mul3A_53 : vector<1000x128xf32>
    %swap3A = arith.constant 0 : index
    %swap3A_55 = arith.constant 0 : index
    %swap3A_56 = vector.load %arg11[%swap3A, %swap3A_55] : memref<1000x128xf32, #tpu.memory_space<vmem>>, vector<1000x128xf32>
    tpu.vector_store %arg11[%swap3A, %swap3A_55], %max3A_54 {strides = array<i32>} : memref<1000x128xf32, #tpu.memory_space<vmem>>, vector<1000x128xf32>,
    return
  }
  func.func @transform_0(%arg0: i32) -> (i32, i32) {
    %c0_i32 = arith.constant 0 : i32
    %c0_i32_0 = arith.constant 0 : i32
    return %arg0, %c0_i32 : i32, i32
  }
  func.func @transform_1(%arg0: i32) -> (i32, i32) {
    %c0_i32 = arith.constant 0 : i32
    %c0_i32_0 = arith.constant 0 : i32
    return %arg0, %c0_i32 : i32, i32
  }
  func.func @transform_2(%arg0: i32) -> (i32, i32, i32) {
    %c0_i32 = arith.constant 0 : i32
    %c0_i32_0 = arith.constant 0 : i32
    %c0_i32_1 = arith.constant 0 : i32
    return %c0_i32, %arg0, %c0_i32_0 : i32, i32, i32
  }
  func.func @transform_3(%arg0: i32) -> (i32, i32, i32) {
    %c1_i32 = arith.constant 1 : i32
    %c0_i32 = arith.constant 0 : i32
    %c0_i32_0 = arith.constant 0 : i32
    return %c1_i32, %arg0, %c0_i32 : i32, i32, i32
  }
  func.func @transform_4(%arg0: i32) -> (i32, i32, i32) {
    %c0_i32 = arith.constant 0 : i32
    %c0_i32_0 = arith.constant 0 : i32
    %c0_i32_1 = arith.constant 0 : i32
    return %c0_i32, %arg0, %c0_i32_0 : i32, i32, i32
  }
  func.func @transform_5(%arg0: i32) -> (i32, i32, i32) {
    %c1_i32 = arith.constant 1 : i32
    %c0_i32 = arith.constant 0 : i32
    %c0_i32_0 = arith.constant 0 : i32
    return %c1_i32, %arg0, %c0_i32 : i32, i32, i32
  }
  func.func @transform_6(%arg0: i32) -> (i32, i32) {
    %c0_i32 = arith.constant 0 : i32
    %c0_i32_0 = arith.constant 0 : i32
    %c0_i32_1 = arith.constant 0 : i32
    return %c0_i32, %c0_i32_0 : i32, i32
  }
  func.func @transform_7(%arg0: i32) -> (i32, i32) {
    %c0_i32 = arith.constant 0 : i32
    %c0_i32_0 = arith.constant 0 : i32
    %c0_i32_1 = arith.constant 0 : i32
    return %c0_i32, %c0_i32_0 : i32, i32
  }
  func.func @transform_8(%arg0: i32) -> (i32, i32) {
    %c0_i32 = arith.constant 0 : i32
    %c0_i32_0 = arith.constant 0 : i32
    %c0_i32_1 = arith.constant 0 : i32
    return %c0_i32, %c0_i32_0 : i32, i32
  }
  func.func @transform_9(%arg0: i32) -> (i32, i32) {
    %c0_i32 = arith.constant 0 : i32
    %c0_i32_0 = arith.constant 0 : i32
    %c0_i32_1 = arith.constant 0 : i32
    return %c0_i32, %c0_i32_0 : i32, i32
  }
  func.func @transform_10(%arg0: i32) -> (i32, i32) {
    %c0_i32 = arith.constant 0 : i32
    %c0_i32_0 = arith.constant 0 : i32
    return %arg0, %c0_i32 : i32, i32
  }
}

module attributes {stable_mosaic.version = 14 : i64} {
  func.func @_mlp_pool_body(%arg0: i32, %arg1: memref<1000x128xf32, #tpu.memory_space<vmem>>, %arg2: memref<1x1000x128xf32, #tpu.memory_space<vmem>>, %arg3: memref<1x1000x128xf32, #tpu.memory_space<vmem>>, %arg4: memref<1x1x1000xi32, #tpu.memory_space<vmem>>, %arg5: memref<128x128xf32, #tpu.memory_space<vmem>>, %arg6: memref<1x128xf32, #tpu.memory_space<vmem>>, %arg7: memref<128x128xf32, #tpu.memory_space<vmem>>, %arg8: memref<1x128xf32, #tpu.memory_space<vmem>>, %arg9: memref<64x128xf32, #tpu.memory_space<vmem>>) attributes {dimension_semantics = [#tpu.dimension_semantics<arbitrary>], iteration_bounds = array<i64: 10>, scalar_prefetch = 0 : i64, scratch_operands = 0 : i64, tpu.core_type = #tpu.core_type<tc>, window_params = [{transform_indices = @transform_0, window_bounds = array<i64: 1000, 128>}, {transform_indices = @transform_1, window_bounds = array<i64: 1, 1000, 128>}, {transform_indices = @transform_2, window_bounds = array<i64: 1, 1000, 128>}, {transform_indices = @transform_3, window_bounds = array<i64: 1, 1, 1000>}, {pipeline_mode = #tpu.pipeline_mode<synchronous>, transform_indices = @transform_4, window_bounds = array<i64: 128, 128>}, {pipeline_mode = #tpu.pipeline_mode<synchronous>, transform_indices = @transform_5, window_bounds = array<i64: 1, 128>}, {pipeline_mode = #tpu.pipeline_mode<synchronous>, transform_indices = @transform_6, window_bounds = array<i64: 128, 128>}, {pipeline_mode = #tpu.pipeline_mode<synchronous>, transform_indices = @transform_7, window_bounds = array<i64: 1, 128>}, {pipeline_mode = #tpu.pipeline_mode<synchronous>, transform_indices = @transform_8, window_bounds = array<i64: 64, 128>}]} {
    %get3A = arith.constant 0 : index
    %get3A_0 = arith.constant 0 : index
    %get3A_1 = vector.load %arg1[%get3A, %get3A_0] : memref<1000x128xf32, #tpu.memory_space<vmem>>, vector<1000x128xf32>
    %get3A_2 = arith.constant 0 : index
    %get3A_3 = arith.constant 0 : index
    %get3A_4 = arith.constant 0 : index
    %get3A_5 = vector.load %arg2[%get3A_2, %get3A_3, %get3A_4] : memref<1x1000x128xf32, #tpu.memory_space<vmem>>, vector<1x1000x128xf32>
    %get3A_6 = arith.constant 0 : index
    %get3A_7 = arith.constant 0 : index
    %get3A_8 = arith.constant 0 : index
    %get3A_9 = vector.load %arg3[%get3A_6, %get3A_7, %get3A_8] : memref<1x1000x128xf32, #tpu.memory_space<vmem>>, vector<1x1000x128xf32>
    %add3A = arith.addf %get3A_5, %get3A_9 : vector<1x1000x128xf32>
    %reshape3A = vector.shape_cast %add3A : vector<1x1000x128xf32> to vector<1000x128xf32>
    %add3A_10 = arith.addf %get3A_1, %reshape3A : vector<1000x128xf32>
    %get3A_11 = arith.constant 0 : index
    %get3A_12 = arith.constant 0 : index
    %get3A_13 = vector.load %arg5[%get3A_11, %get3A_12] : memref<128x128xf32, #tpu.memory_space<vmem>>, vector<128x128xf32>
    %dot_general3A = arith.constant dense<0.000000e+00> : vector<1000x128xf32>
    %dot_general3A_14 = tpu.matmul %add3A_10, %get3A_13, %dot_general3A {dimension_numbers = #tpu.dot_dimension_numbers<[1], [0], [0], [1], [0, 0, 1, 1], [], []>, transpose_lhs_hint = false} : vector<1000x128xf32>, vector<128x128xf32>, vector<1000x128xf32> -> vector<1000x128xf32>
    %get3A_15 = arith.constant 0 : index
    %get3A_16 = arith.constant 0 : index
    %get3A_17 = vector.load %arg6[%get3A_15, %get3A_16] : memref<1x128xf32, #tpu.memory_space<vmem>>, vector<1x128xf32>
    %add3A_18 = vector.broadcast %get3A_17 : vector<1x128xf32> to vector<1000x128xf32>
    %add3A_19 = arith.addf %dot_general3A_14, %add3A_18 : vector<1000x128xf32>
    %max3A = arith.constant 0.000000e+00 : f32
    %max3A_20 = vector.broadcast %max3A : f32 to vector<1000x128xf32>
    %max3A_21 = arith.maximumf %add3A_19, %max3A_20 : vector<1000x128xf32>
    %get3A_22 = arith.constant 0 : index
    %get3A_23 = arith.constant 0 : index
    %get3A_24 = vector.load %arg7[%get3A_22, %get3A_23] : memref<128x128xf32, #tpu.memory_space<vmem>>, vector<128x128xf32>
    %dot_general3A_25 = arith.constant dense<0.000000e+00> : vector<1000x128xf32>
    %dot_general3A_26 = tpu.matmul %max3A_21, %get3A_24, %dot_general3A_25 {dimension_numbers = #tpu.dot_dimension_numbers<[1], [0], [0], [1], [0, 0, 1, 1], [], []>, transpose_lhs_hint = false} : vector<1000x128xf32>, vector<128x128xf32>, vector<1000x128xf32> -> vector<1000x128xf32>
    %get3A_27 = arith.constant 0 : index
    %get3A_28 = arith.constant 0 : index
    %get3A_29 = vector.load %arg8[%get3A_27, %get3A_28] : memref<1x128xf32, #tpu.memory_space<vmem>>, vector<1x128xf32>
    %add3A_30 = vector.broadcast %get3A_29 : vector<1x128xf32> to vector<1000x128xf32>
    %add3A_31 = arith.addf %dot_general3A_26, %add3A_30 : vector<1000x128xf32>
    %max3A_32 = arith.constant 0.000000e+00 : f32
    %max3A_33 = vector.broadcast %max3A_32 : f32 to vector<1000x128xf32>
    %max3A_34 = arith.maximumf %add3A_31, %max3A_33 : vector<1000x128xf32>
    %iota3A = tpu.iota {dimensions = array<i32: 0>} : vector<64x1000xi32>
    %get3A_35 = arith.constant 0 : index
    %get3A_36 = arith.constant 0 : index
    %get3A_37 = arith.constant 0 : index
    %get3A_38 = vector.load %arg4[%get3A_35, %get3A_36, %get3A_37] : memref<1x1x1000xi32, #tpu.memory_space<vmem>>, vector<1x1x1000xi32>
    %reshape3A_39 = vector.shape_cast %get3A_38 : vector<1x1x1000xi32> to vector<1x1000xi32>
    %broadcast_in_dim3A = vector.shape_cast %reshape3A_39 : vector<1x1000xi32> to vector<1x1000xi32>
    %broadcast_in_dim3A_40 = vector.broadcast %broadcast_in_dim3A : vector<1x1000xi32> to vector<64x1000xi32>
    %eq3A = arith.cmpi eq, %iota3A, %broadcast_in_dim3A_40 : vector<64x1000xi32>
    %jit3A = arith.constant 1.000000e+00 : f32
    %jit3A_41 = arith.constant 0.000000e+00 : f32
    %broadcast_in_dim3A_42 = vector.broadcast %jit3A : f32 to vector<64x1000xf32>
    %broadcast_in_dim3A_43 = vector.broadcast %jit3A_41 : f32 to vector<64x1000xf32>
    %select_n3A = arith.select %eq3A, %broadcast_in_dim3A_42, %broadcast_in_dim3A_43 : vector<64x1000xi1>, vector<64x1000xf32>
    %dot_general3A_44 = arith.constant dense<0.000000e+00> : vector<64x128xf32>
    %dot_general3A_45 = tpu.matmul %select_n3A, %max3A_34, %dot_general3A_44 {dimension_numbers = #tpu.dot_dimension_numbers<[1], [0], [0], [1], [0, 0, 1, 1], [], []>, transpose_lhs_hint = false} : vector<64x1000xf32>, vector<1000x128xf32>, vector<64x128xf32> -> vector<64x128xf32>
    %eq3A_46 = arith.constant 0 : i32
    %eq3A_47 = arith.cmpi eq, %arg0, %eq3A_46 : i32
    %convert_element_type3A = arith.extui %eq3A_47 : i1 to i32
    %cond3A = arith.constant 0 : i32
    %cond3A_48 = arith.cmpi ne, %convert_element_type3A, %cond3A : i32
    scf.if %cond3A_48 {
      %broadcast_in_dim3A_55 = arith.constant 0.000000e+00 : f32
      %broadcast_in_dim3A_56 = vector.broadcast %broadcast_in_dim3A_55 : f32 to vector<64x128xf32>
      %swap3A_57 = arith.constant 0 : index
      %swap3A_58 = arith.constant 0 : index
      %swap3A_59 = vector.load %arg9[%swap3A_57, %swap3A_58] : memref<64x128xf32, #tpu.memory_space<vmem>>, vector<64x128xf32>
      tpu.vector_store %arg9[%swap3A_57, %swap3A_58], %broadcast_in_dim3A_56 {strides = array<i32>} : memref<64x128xf32, #tpu.memory_space<vmem>>, vector<64x128xf32>,
    } else {
    }
    %get3A_49 = arith.constant 0 : index
    %get3A_50 = arith.constant 0 : index
    %get3A_51 = vector.load %arg9[%get3A_49, %get3A_50] : memref<64x128xf32, #tpu.memory_space<vmem>>, vector<64x128xf32>
    %add3A_52 = arith.addf %get3A_51, %dot_general3A_45 : vector<64x128xf32>
    %swap3A = arith.constant 0 : index
    %swap3A_53 = arith.constant 0 : index
    %swap3A_54 = vector.load %arg9[%swap3A, %swap3A_53] : memref<64x128xf32, #tpu.memory_space<vmem>>, vector<64x128xf32>
    tpu.vector_store %arg9[%swap3A, %swap3A_53], %add3A_52 {strides = array<i32>} : memref<64x128xf32, #tpu.memory_space<vmem>>, vector<64x128xf32>,
    return
  }
  func.func @transform_0(%arg0: i32) -> (i32, i32) {
    %c0_i32 = arith.constant 0 : i32
    %c0_i32_0 = arith.constant 0 : i32
    return %arg0, %c0_i32 : i32, i32
  }
  func.func @transform_1(%arg0: i32) -> (i32, i32, i32) {
    %c0_i32 = arith.constant 0 : i32
    %c0_i32_0 = arith.constant 0 : i32
    %c0_i32_1 = arith.constant 0 : i32
    return %c0_i32, %arg0, %c0_i32_0 : i32, i32, i32
  }
  func.func @transform_2(%arg0: i32) -> (i32, i32, i32) {
    %c1_i32 = arith.constant 1 : i32
    %c0_i32 = arith.constant 0 : i32
    %c0_i32_0 = arith.constant 0 : i32
    return %c1_i32, %arg0, %c0_i32 : i32, i32, i32
  }
  func.func @transform_3(%arg0: i32) -> (i32, i32, i32) {
    %c0_i32 = arith.constant 0 : i32
    %c0_i32_0 = arith.constant 0 : i32
    %c0_i32_1 = arith.constant 0 : i32
    return %arg0, %c0_i32, %c0_i32_0 : i32, i32, i32
  }
  func.func @transform_4(%arg0: i32) -> (i32, i32) {
    %c0_i32 = arith.constant 0 : i32
    %c0_i32_0 = arith.constant 0 : i32
    %c0_i32_1 = arith.constant 0 : i32
    return %c0_i32, %c0_i32_0 : i32, i32
  }
  func.func @transform_5(%arg0: i32) -> (i32, i32) {
    %c0_i32 = arith.constant 0 : i32
    %c0_i32_0 = arith.constant 0 : i32
    %c0_i32_1 = arith.constant 0 : i32
    return %c0_i32, %c0_i32_0 : i32, i32
  }
  func.func @transform_6(%arg0: i32) -> (i32, i32) {
    %c0_i32 = arith.constant 0 : i32
    %c0_i32_0 = arith.constant 0 : i32
    %c0_i32_1 = arith.constant 0 : i32
    return %c0_i32, %c0_i32_0 : i32, i32
  }
  func.func @transform_7(%arg0: i32) -> (i32, i32) {
    %c0_i32 = arith.constant 0 : i32
    %c0_i32_0 = arith.constant 0 : i32
    %c0_i32_1 = arith.constant 0 : i32
    return %c0_i32, %c0_i32_0 : i32, i32
  }
  func.func @transform_8(%arg0: i32) -> (i32, i32) {
    %c0_i32 = arith.constant 0 : i32
    %c0_i32_0 = arith.constant 0 : i32
    %c0_i32_1 = arith.constant 0 : i32
    return %c0_i32, %c0_i32_0 : i32, i32
  }
}

</mosaic_0001>

<sc_bundles>
// kernel: _run.10.cloned.1.call-start
scs
__scs_entry_jumppad:
0x0: {  	(pc) =	sbr.rel $0x88, $3  }
0x1: {  	(tag) =	ssettag $0x0;
	lr =	simm.s32 $0x1  }
0x2: {  	[smem:$0x3F94] =	sst lr;
	_ =	strace $0xD0000000  }
0x3: {  	_ = 	snop  }
0x4: {  	_ = 	snop  }
0x5: {  	_ = 	snop  }
0x6: {  	_ = 	snop  }
0x7: {  	_ = 	snop  }
__scs_overlays_trampoline_lowered:
0x8: {  	[smem:$0x3FA3] =	sst s0  }
0x9: {  	[smem:$0x3FA4] =	sst s1  }
0xa: {  	[smem:$0x3FA5] =	sst s2  }
0xb: {  	[smem:$0x3FA6] =	sst s3  }
0xc: {  	[smem:$0x3FA7] =	sst s4  }
0xd: {  	[smem:$0x3FA8] =	sst s5  }
0xe: {  	[smem:$0x3FA9] =	sst s6  }
0xf: {  	[smem:$0x3FAA] =	sst s7  }
0x10: {  	[smem:$0x3FAB] =	sst s8  }
0x11: {  	[smem:$0x3FAC] =	sst s9;
	s0 =	simm.s32 @!p0 $0x0  }
0x12: {  	s1 =	sld [smem:$0x3F92];
	s0 =	simm.s32 @p0 $0x1  }
0x13: {  	[smem:$0x3FAD] =	sst s0;
	s0 =	simm.s32 @!p1 $0x0  }
0x14: {  	s2 =	sld [smem:$0x3F91];
	s0 =	simm.s32 @p1 $0x1  }
0x15: {  	[smem:$0x3FAE] =	sst s0;
	s0 =	simm.s32 @!p2 $0x0  }
0x16: {  	s3 =	sld [smem:$0x3FDB];
	s0 =	simm.s32 @p2 $0x1  }
0x17: {  	s4 =	simm.s32 $0x1BF5;
	[smem:$0x3FB0] =	sst s0  }
0x18: {  	s0 =	sld [smem:$0x3F93];
	_ =	swait.ge [sflag:s4], $0x0  }
0x19: {  	s7 =	sld [smem:$0x3F94]  }
0x1a: {  	s8 =	sadd.s32 $0xFFFFE003, lr  }
0x1b: {  	s9 =	sadd.s32 $0xFFFFFEF7, lr;
	s5 =	simm.s32 $0xFFFFFFFF;
	p2 =	slt.u32 s8, $0xFFFFF086  }
0x1c: {  	p1 =	slt.u32 s9, $0xF7A;
	s5 =	simm.s32 @!p2 $0x0  }
0x1d: {  	s5 =	simm.s32 @p1 $0x1;
	p0 =	seq.s32 s7, s2  }
0x1e: {  	s7 =	smul.u32 @!p0 $0xF7A, s2;
	p2 =	seq.s32 @!p0 s5, $0x0  }
0x1f: {  	s9 =	smul.u32 $0xF7A, s1;
	s8 =	simm.s32 @!p0 $0x1BF5;
	p2 =	por !p2, p0  }
0x20: {  	[sflag:s8] =	ssyncset.s32 @!p0 $0xFFFFF086;
	s6 =	sadd.s32 @!p0 s3, s7;
	s7 =	simm.s32 @!p0 $0x108  }
0x21: {  	s3 =	sadd.s32 s3, s9;
	s6 =	sadd.s32 @!p0 $0x88, s6;
	s7 =	simm.s32 @p2 $0x1082  }
0x22: {  	[simem:s7], [sflag:s8] =	dma.local @!p0 [hbm:s6], $0xF7A  }
0x23: {  	s9 =	sor.u32 $0xD0000000, s2;
	s6 =	simm.s32 $0x108;
	_ =	swait.ge @!p0 [sflag:s8], $0x0  }
0x24: {  	s3 =	sadd.s32 $0x88, s3;
	s6 =	simm.s32 @!p1 $0x1082;
	[sflag:s4] =	ssyncset.s32 $0xFFFFF086  }
0x25: {  	[simem:s6], [sflag:s4] =	dma.local [hbm:s3], $0xF7A  }
0x26: {  	[smem:$0x3F94] =	sst s1;
	(tag) =	ssettag s2;
	_ =	strace s9  }
0x27: {  	s1 =	sld [smem:$0x3FA4]  }
0x28: {  	s2 =	sld [smem:$0x3FA5]  }
0x29: {  	s4 =	sld [smem:$0x3FA7]  }
0x2a: {  	p0 =	seq.s32 s5, $0x0;
	s5 =	sld [smem:$0x3FA8]  }
0x2b: {  	s6 =	sld [smem:$0x3FA9]  }
0x2c: {  	s7 =	sld [smem:$0x3FAA]  }
0x2d: {  	s3 =	simm.s32 $0x108;
	s8 =	sld [smem:$0x3FAB]  }
0x2e: {  	s3 =	simm.s32 @!p0 $0x1082;
	s9 =	sld [smem:$0x3FAC]  }
0x2f: {  	lr =	sadd.s32 s0, s3;
	s0 =	sld [smem:$0x3FA3]  }
0x30: {  	s3 =	sld [smem:$0x3FA6]  }
0x31: {  	[smem:$0x3FAF] =	sst s10  }
0x32: {  	s10 =	sld [smem:$0x3FAD];
	_ =	sdelay $0x3  }
0x33: {  	p0 =	seq.s32 s10, $0x1;
	s10 =	sld [smem:$0x3FAF];
	_ =	sdelay $0x3  }
0x34: {  	[smem:$0x3FAF] =	sst s10  }
0x35: {  	s10 =	sld [smem:$0x3FAE];
	_ =	sdelay $0x3  }
0x36: {  	p1 =	seq.s32 s10, $0x1;
	s10 =	sld [smem:$0x3FAF];
	_ =	sdelay $0x3  }
0x37: {  	[smem:$0x3FAF] =	sst s10  }
0x38: {  	s10 =	sld [smem:$0x3FB0]  }
0x39: {  	_ = 	snop;
	(pc) =	sbr.ind lr, $3  }
0x3a: {  	_ = 	snop  }
0x3b: {  	_ = 	snop  }
0x3c: {  	p2 =	seq.s32 s10, $0x1;
	s10 =	sld [smem:$0x3FAF]  }
0x3d: {  	_ =	shalt  }
0x3e: {  	_ =	shalt  }
0x3f: {  	_ =	shalt  }
0x40: {  	_ =	shalt  }
0x41: {  	_ =	shalt  }
0x42: {  	_ =	shalt  }
0x43: {  	_ =	shalt  }
0x44: {  	_ =	shalt  }
0x45: {  	_ =	shalt  }
0x46: {  	_ =	shalt  }
0x47: {  	_ =	shalt  }
0x48: {  	_ =	shalt  }
0x49: {  	_ =	shalt  }
0x4a: {  	_ =	shalt  }
0x4b: {  	_ =	shalt  }
0x4c: {  	_ =	shalt  }
0x4d: {  	_ =	shalt  }
0x4e: {  	_ =	shalt  }
0x4f: {  	_ =	shalt  }
0x50: {  	_ =	shalt  }
0x51: {  	_ =	shalt  }
0x52: {  	_ =	shalt  }
0x53: {  	_ =	shalt  }
0x54: {  	_ =	shalt  }
0x55: {  	_ =	shalt  }
0x56: {  	_ =	shalt  }
0x57: {  	_ =	shalt  }
0x58: {  	_ =	shalt  }
0x59: {  	_ =	shalt  }
0x5a: {  	_ =	shalt  }
0x5b: {  	_ =	shalt  }
0x5c: {  	_ =	shalt  }
0x5d: {  	_ =	shalt  }
0x5e: {  	_ =	shalt  }
0x5f: {  	_ =	shalt  }
0x60: {  	_ =	shalt  }
0x61: {  	_ =	shalt  }
0x62: {  	_ =	shalt  }
0x63: {  	_ =	shalt  }
0x64: {  	_ =	shalt  }
0x65: {  	_ =	shalt  }
0x66: {  	_ =	shalt  }
0x67: {  	_ =	shalt  }
0x68: {  	_ =	shalt  }
0x69: {  	_ =	shalt  }
0x6a: {  	_ =	shalt  }
0x6b: {  	_ =	shalt  }
0x6c: {  	_ =	shalt  }
0x6d: {  	_ =	shalt  }
0x6e: {  	_ =	shalt  }
0x6f: {  	_ =	shalt  }
0x70: {  	_ =	shalt  }
0x71: {  	_ =	shalt  }
0x72: {  	_ =	shalt  }
0x73: {  	_ =	shalt  }
0x74: {  	_ =	shalt  }
0x75: {  	_ =	shalt  }
0x76: {  	_ =	shalt  }
0x77: {  	_ =	shalt  }
0x78: {  	_ =	shalt  }
0x79: {  	_ =	shalt  }
0x7a: {  	_ =	shalt  }
0x7b: {  	_ =	shalt  }
0x7c: {  	_ =	shalt  }
0x7d: {  	_ =	shalt  }
0x7e: {  	_ =	shalt  }
0x7f: {  	_ =	shalt  }
0x80: {  	_ =	shalt  }
0x81: {  	_ =	shalt  }
0x82: {  	_ =	shalt  }
0x83: {  	_ =	shalt  }
0x84: {  	_ =	shalt  }
0x85: {  	_ =	shalt  }
0x86: {  	_ =	shalt  }
0x87: {  	_ =	shalt  }
.Lfunc_end0:
.L_simem_size_0:
called_computation.1_lowered:
.L_overlay_start_0:
0x88: {  	s2 =	sld [smem:$0x3FD9]  }
0x89: {  	s3 =	sld [smem:$0x3FFE];
	_ =	sdelay $0x1  }
0x8a: {  	s1 =	srdreg.scid  }
0x8b: {  	s0 =	sand.u32 $0x1, s1  }
0x8c: {  	s16 =	sshll.u32 s0, $0xA;
	s2 =	sadd.s32 s3, s2  }
0x8d: {  	s2 =	sadd.s32 s2, s16  }
0x8e: {  	[smem:$0x3FBB] =	sst s2  }
0x8f: {  	_ = 	snop  }
0x90: {  	(tm) =	ssettm $0x1  }
0x91: {  	s17 =	sld [smem:$0x3FFB];
	_ =	sdelay $0x3  }
0x92: {  	_ =	strace s17  }
0x93: {  	s2 =	sld [smem:$0x3FFC];
	_ =	sdelay $0x3  }
0x94: {  	_ =	strace s2  }
0x95: {  	s2 =	sld [smem:$0x3FFD];
	_ =	sdelay $0x3  }
0x96: {  	_ =	strace s2  }
0x97: {  	_ =	strace $0x8FFFFFFF  }
0x98: {  	s18 =	sld [smem:$0x3FDB];
	_ =	sdelay $0x1  }
0x99: {  	s19 =	simm.s32 $_scs_section_size  }
0x9a: {  	s4 =	simm.s32 $_size__tile_overlayer_lowered;
	s5 =	simm.s32 $_tile_overlayer_lowered  }
0x9b: {  	s22 =	simm.s32 $0x1BFF;
	s21 =	sshll.u32 s5, $0x1;
	s2 =	sadd.s32 s19, s18  }
0x9c: {  	s6 =	simm.s32 $0x0;
	s20 =	sshll.u32 s4, $0x1;
	s4 =	sadd.s32 s21, s2  }
0x9d: {  	[timem:s6], [sflag:s22] =	dma.local [hbm:s4], s20  }
0x9e: {  	_ =	swait.ge [sflag:s22], s20  }
0x9f: {  	s3 =	ssub.s32 $0x0, s20;
	[sflag:s22] =	ssyncset.done $0x0  }
0xa0: {  	[sflag:s22] =	ssyncadd.s32 s3;
	_ =	sdelay $0x1  }
0xa1: {  	s23 =	simm.s32 $0x1B8B  }
0xa2: {  	_ =	swait.ge [sflag:s23], $0x1  }
0xa3: {  	[sflag:s23] =	ssyncset.done $0x0  }
0xa4: {  	s25 =	simm.s32 $0x1B8E;
	s24 =	sld [smem:$0x3FFE];
	[sflag:s23] =	ssyncadd.s32 $0xFFFFFFFF  }
0xa5: {  	s26 =	simm.s32 $execute0_lowered;
	[smem:$0x3FD2] =	sst s25  }
0xa6: {  	s4 =	sshll.u32 s26, $0x1;
	_ =	strace $0x80000049;
	[dreg:$0x1] =	wrdreg $0xFFFFFFFF  }
0xa7: {  	s28 =	simm.s32 $_size_execute0_lowered;
	s2 =	sadd.s32 s2, s4;
	[dreg:$0x0] =	wrdreg $0x0  }
0xa8: {  	s4 =	sshll.u32 s28, $0x1;
	[dreg:$0x2] =	wrdreg s2  }
0xa9: {  	[dreg:$0x3] =	wrdreg s4  }
0xaa: {  	[dreg:$0x4] =	wrdreg $0xC0  }
0xab: {  	_ =	task [dreg:s6], $0x5FFFF  }
0xac: {  	[dreg:$0x1] =	wrdreg $0xFFFFFFFF  }
0xad: {  	[dreg:$0x0] =	wrdreg $0x60  }
0xae: {  	[dreg:$0x2] =	wrdreg s24  }
0xaf: {  	[dreg:$0x3] =	wrdreg $0xA6000  }
0xb0: {  	[dreg:$0x4] =	wrdreg $0x9  }
0xb1: {  	_ =	task.clear_ibuf [dreg:s6], $0x5FFFF;
	_ =	strace $0x90000049  }
0xb2: {  	s29 =	simm.s32 $0x9;
	_ =	strace $0x8000004B  }
0xb3: {  	_ =	swait.ge [sflag:s29], $0x1  }
0xb4: {  	[sflag:s29] =	ssyncadd.s32 $0xFFFFFFFF  }
0xb5: {  	_ =	strace $0x9000004B  }
0xb6: {  	_ =	sfence  }
0xb7: {  	s30 =	sld [smem:$0x0];
	_ =	sdelay $0x2  }
0xb8: {  	s31 =	sshll.u32 s1, $0xD;
	s1 =	sshrl.u32 s1, $0x2  }
0xb9: {  	s3 =	sand.u32 $0x4000, s31;
	s1 =	sadd.s32 s1, s30  }
0xba: {  	s0 =	sor.u32 s3, s0;
	s1 =	sshll.u32 s1, $0x11  }
0xbb: {  	s0 =	sor.u32 s1, s0  }
0xbc: {  	s0 =	sadd.s32 $0x8F2B, s0  }
0xbd: {  	[sflag:s0] =	ssyncadd.remote.s32 $0x1  }
0xbe: {  	_ =	sfence.sel $0xFFFF  }
0xbf: {  	[dreg:$0x0] =	wrdreg $0xFFFFFFFF;
	(pc) =	sbr.abs _section_cstart, $3  }
0xc0: {  	[dreg:$0x1] =	wrdreg $0xFFFFFFFF  }
0xc1: {  	_ =	task.clear_ibuf [dreg:s6], $0x2FFFF;
	_ =	strace $0x9FFFFFFF  }
0xc2: {  	(tm) =	ssettm $0x7FFFFFFF  }
0xc3: {  	_ =	shalt  }
tec
execute0_lowered:
.L_overlay_start_1:
0x0: {  	(tag) =	ssettag $0x1  }
0x1: {  	s0 =	srdreg.scid  }
0x2: {  	s13 =	stileid.u32;
	s1 =	rddreg [dreg:$0x0]  }
0x3: {  	s2 =	rddreg [dreg:$0x1];
	s18 =	simm.s32 $0x2800;
	s19 =	simm.s32 $0x7D  }
0x4: {  	s20 =	simm.s32 $0x2900;
	s21 =	simm.s32 $0x2880;
	s28 =	simm.s32 $0x1  }
0x5: {  	s30 =	simm.s32 $0x6;
	s0 =	sand.u32 $0x1, s0;
	s5 =	smul.u32 $0x14000, s13  }
0x6: {  	s3 =	sshll.u32 s13, $0x1;
	s23 =	sshll.u32 s13, $0x6;
	s13 =	smul.u32 $0x5000, s13  }
0x7: {  	s31 =	simm.s32 $0x0;
	s4 =	sor.u32 s0, s3;
	s6 =	smul.u32 $0x140000, s0  }
0x8: {  	s3 =	simm.s32 $0x0;
	s9 =	ssub.s32 $0x2, s0;
	s0 =	smul.u32 $0x2800, s0  }
0x9: {  	s15 =	sadd.s32 $0xF4800, s1;
	s10 =	smul.u32 $0x2800, s4;
	[smem:$0x7FF] =	sst s3  }
0xa: {  	s4 =	sadd.s32 $0x4400, s1;
	s11 =	sshrl.u32 s5, $0x3;
	s12 =	sshrl.u32 s9, $0x1  }
0xb: {  	s16 =	sadd.s32 s5, s2;
	_ =	strace $0x8000004A;
	s6 =	sadd.s32 s5, s6  }
0xc: {  	s11 =	sadd.s32 s11, s1;
	s12 =	ssub.s32 s9, s12;
	s0 =	sadd.s32 s0, s13  }
0xd: {  	s16 =	sshrl.u32 s16, $0x3;
	s7 =	sshrl.u32 s10, $0x3;
	s6 =	sshrl.u32 s6, $0x3  }
0xe: {  	s22 =	sadd.s32 $0x2B600, s11;
	s14 =	sor.u32 $0x100, s10;
	s17 =	sor.u32 $0x180, s10  }
0xf: {  	s11 =	smax.u32 s12, $0x1;
	s26 =	sor.u32 $0x280, s0;
	s0 =	sor.u32 $0x200, s0  }
0x10: {  	s8 =	sadd.s32 s7, s1;
	s1 =	sadd.s32 s6, s1;
	[dreg:$0x3] =	wrdreg s22  }
0x11: {  	s6 =	sor.u32 $0x1C07, s23;
	s7 =	sadd.s32 s15, s7;
	s25 =	sshrl.u32 s14, $0x3  }
0x12: {  	s29 =	sshrl.u32 s17, $0x3;
	s0 =	sshrl.u32 s0, $0x3;
	s17 =	simm.s32 $0x7  }
.Ltmp0:
0x13: {  	s22 =	simm.s32 $0x3;
	s23 =	simm.s32 $0x2;
	(pc) =	sbr.rel .LBB2_1-.Ltmp0, $4  }
0x14: {  	s24 =	sadd.s32 $0xEA800, s8;
	s9 =	sadd.s32 $0x10, s7;
	s10 =	sadd.s32 $0x53600, s1  }
0x15: {  	s12 =	sadd.s32 s15, s25;
	s1 =	sshrl.u32 s26, $0x3;
	s13 =	sadd.s32 s15, s29  }
0x16: {  	s25 =	simm.s32 $0x4;
	s26 =	simm.s32 $0x5;
	[dreg:$0x4] =	wrdreg s24  }
0x17: {  	s14 =	sadd.s32 s1, s15;
	s15 =	sadd.s32 s0, s15;
	s24 =	simm.s32 $0x6780  }
.LBB2_4:
0x18: {  	[spmem:s2] =	stream.indirect.scatter.add.f32 [tilespmem:s24], [sflag:$0x6], $0x80, s1, s19, $0xb8;
	[tilespmem:$0x1E600] =	vst v63  }
0x19: {  	_ =	swait.ge [sflag:s26], $0x3E80  }
0x1a: {  	[sflag:s26] =	ssyncset.done $0x0  }
0x1b: {  	[sflag:s26] =	ssyncadd.s32 $0xFFFFC180  }
0x1c: {  	_ =	swait.ge [sflag:s30], $0x3E80  }
0x1d: {  	s31 =	sadd.s32 $0x1, s31;
	[sflag:s30] =	ssyncset.done $0x0  }
0x1e: {  	p0 =	sne.s32 s31, s11;
	[sflag:s30] =	ssyncadd.s32 $0xFFFFC180  }
.Ltmp1:
0x1f: {  	[bflag:$0x0] =	sbarrier.arrive $0xFFFF;
	(pc) =	sbr.rel @!p0 .LBB2_5-.Ltmp1, $4  }
0x20: {  	[hbm:s10], [sflag:s6] =	dma.local [spmem:s16], $0x2800  }
0x21: {  	_ =	swait.ge [sflag:s17], $0x2800  }
0x22: {  	[sflag:s17] =	ssyncset.done $0x0  }
0x23: {  	[sflag:s17] =	ssyncadd.s32 $0xFFFFD800  }
.LBB2_1:
0x24: {  	s0 =	rddreg [dreg:$0x3]  }
0x25: {  	[spmem:s16], [sflag:s6] =	dma.local [hbm:s0], $0x2800  }
0x26: {  	_ =	swait.ge [sflag:s17], $0x2800  }
0x27: {  	[sflag:s17] =	ssyncset.done $0x0  }
0x28: {  	[sflag:s17] =	ssyncadd.s32 $0xFFFFD800  }
0x29: {  	[bflag:$0x0] =	sbarrier.arrive $0xFFFF  }
0x2a: {  	s8 =	rddreg [dreg:$0x4]  }
0x2b: {  	[tilespmem:s3], [sflag:$0x7] =	stream.linear.gather [hbm4b:s8+s3], $0x2800, $0x38;
	[tilespmem:$0x1E600] =	vst v63  }
0x2c: {  	_ =	swait.ge [sflag:s17], $0x2800  }
0x2d: {  	[sflag:s17] =	ssyncset.done $0x0  }
0x2e: {  	[sflag:s17] =	ssyncadd.s32 $0xFFFFD800  }
0x2f: {  	[tilespmem:s18], [sflag:$0x7] =	stream.linear.gather [hbm4b:s7+s3], $0x80, $0x38;
	[tilespmem:$0x1E600] =	vst v63  }
0x30: {  	_ =	swait.ge [sflag:s17], $0x80  }
0x31: {  	[sflag:s17] =	ssyncset.done $0x0  }
0x32: {  	[sflag:s17] =	ssyncadd.s32 $0xFFFFFF80  }
0x33: {  	[tilespmem:s20], [sflag:$0x3] =	stream.indirect.gather [hbm4b:s4+s19], $0x80, s18, s19, $0xb8;
	[tilespmem:$0x1E600] =	vst v63  }
0x34: {  	_ = 	snop  }
0x35: {  	[tilespmem:s21], [sflag:$0x2] =	stream.linear.gather [hbm4b:s9+s3], $0x80, $0x38;
	[tilespmem:$0x1E600] =	vst v63  }
0x36: {  	_ =	swait.ge [sflag:s22], $0x3E80  }
0x37: {  	[sflag:s22] =	ssyncset.done $0x0  }
0x38: {  	[sflag:s22] =	ssyncadd.s32 $0xFFFFC180  }
0x39: {  	[tilespmem:s18], [sflag:$0x1] =	stream.linear.gather [hbm4b:s12+s3], $0x80, $0x38;
	[tilespmem:$0x1E600] =	vst v63  }
0x3a: {  	_ =	swait.ge [sflag:s23], $0x80  }
0x3b: {  	[sflag:s23] =	ssyncset.done $0x0  }
0x3c: {  	[sflag:s23] =	ssyncadd.s32 $0xFFFFFF80  }
0x3d: {  	[tilespmem:s24], [sflag:$0x4] =	stream.indirect.gather [hbm4b:s4+s19], $0x80, s21, s19, $0xb8;
	[tilespmem:$0x1E600] =	vst v63  }
0x3e: {  	_ = 	snop  }
0x3f: {  	[spmem:s2] =	stream.indirect.scatter.add.f32 [tilespmem:s20], [sflag:$0x5], $0x80, s3, s19, $0xb8;
	[tilespmem:$0x1E600] =	vst v63  }
0x40: {  	_ =	swait.ge [sflag:s25], $0x3E80  }
0x41: {  	[sflag:s25] =	ssyncset.done $0x0  }
0x42: {  	[sflag:s25] =	ssyncadd.s32 $0xFFFFC180  }
0x43: {  	[tilespmem:s21], [sflag:$0x2] =	stream.linear.gather [hbm4b:s13+s3], $0x80, $0x38;
	[tilespmem:$0x1E600] =	vst v63  }
0x44: {  	_ =	swait.ge [sflag:s26], $0x3E80  }
0x45: {  	[sflag:s26] =	ssyncset.done $0x0  }
0x46: {  	[sflag:s26] =	ssyncadd.s32 $0xFFFFC180  }
0x47: {  	_ =	swait.ge [sflag:s28], $0x80  }
0x48: {  	[sflag:s28] =	ssyncset.done $0x0  }
0x49: {  	[sflag:s28] =	ssyncadd.s32 $0xFFFFFF80  }
0x4a: {  	[tilespmem:s20], [sflag:$0x3] =	stream.indirect.gather [hbm4b:s4+s19], $0x80, s18, s19, $0xb8;
	[tilespmem:$0x1E600] =	vst v63  }
0x4b: {  	s29 =	simm.s32 $0x80;
	s1 =	simm.s32 $0x180;
	s0 =	simm.s32 $0x0  }
0x4c: {  	[spmem:s2] =	stream.indirect.scatter.add.f32 [tilespmem:s24], [sflag:$0x6], $0x80, s29, s19, $0xb8;
	[tilespmem:$0x1E600] =	vst v63  }
.LBB2_2:
0x4d: {  	_ =	swait.ge [sflag:s22], $0x3E80;
	p0 =	seq.s32 s0, $0x4C0  }
0x4e: {  	[sflag:s22] =	ssyncset.done $0x0;
	s29 =	sadd.s32 @!p0 s0, s15  }
0x4f: {  	s5 =	simm.s32 @!p0 $0x0;
	s8 =	simm.s32 @!p0 $0x2800;
	[sflag:s22] =	ssyncadd.s32 $0xFFFFC180  }
0x50: {  	[tilespmem:s8], [sflag:$0x1] =	stream.linear.gather @!p0 [hbm4b:s29+s5], $0x80, $0x38;
	[tilespmem:$0x1E600] =	vst v63  }
0x51: {  	_ =	swait.ge [sflag:s30], $0x3E80  }
0x52: {  	[sflag:s30] =	ssyncset.done $0x0  }
0x53: {  	[sflag:s30] =	ssyncadd.s32 $0xFFFFC180  }
0x54: {  	_ =	swait.ge [sflag:s23], $0x80  }
0x55: {  	[sflag:s23] =	ssyncset.done $0x0  }
0x56: {  	[sflag:s23] =	ssyncadd.s32 $0xFFFFFF80  }
0x57: {  	[tilespmem:s24], [sflag:$0x4] =	stream.indirect.gather [hbm4b:s4+s19], $0x80, s21, s19, $0xb8;
	[tilespmem:$0x1E600] =	vst v63  }
.Ltmp2:
0x58: {  	s29 =	sadd.s32 $0xFFFFFF80, s1;
	(pc) =	sbr.rel @p0 .LBB2_4-.Ltmp2, $4  }
0x59: {  	[spmem:s2] =	stream.indirect.scatter.add.f32 [tilespmem:s20], [sflag:$0x5], $0x80, s29, s19, $0xb8;
	[tilespmem:$0x1E600] =	vst v63  }
0x5a: {  	_ =	swait.ge [sflag:s25], $0x3E80  }
0x5b: {  	[sflag:s25] =	ssyncset.done $0x0  }
0x5c: {  	[sflag:s25] =	ssyncadd.s32 $0xFFFFC180  }
0x5d: {  	s5 =	sadd.s32 s0, s14  }
0x5e: {  	[tilespmem:s21], [sflag:$0x2] =	stream.linear.gather [hbm4b:s5+s3], $0x80, $0x38;
	[tilespmem:$0x1E600] =	vst v63  }
0x5f: {  	_ =	swait.ge [sflag:s26], $0x3E80  }
0x60: {  	[sflag:s26] =	ssyncset.done $0x0  }
0x61: {  	[sflag:s26] =	ssyncadd.s32 $0xFFFFC180  }
0x62: {  	_ =	swait.ge [sflag:s28], $0x80  }
0x63: {  	[sflag:s28] =	ssyncset.done $0x0  }
.Ltmp3:
0x64: {  	[sflag:s28] =	ssyncadd.s32 $0xFFFFFF80;
	(pc) =	sbr.rel .LBB2_2-.Ltmp3, $4  }
0x65: {  	[tilespmem:s20], [sflag:$0x3] =	stream.indirect.gather [hbm4b:s4+s19], $0x80, s18, s19, $0xb8;
	[tilespmem:$0x1E600] =	vst v63  }
0x66: {  	_ = 	snop  }
0x67: {  	[spmem:s2] =	stream.indirect.scatter.add.f32 [tilespmem:s24], [sflag:$0x6], $0x80, s1, s19, $0xb8;
	[tilespmem:$0x1E600] =	vst v63  }
0x68: {  	s0 =	sadd.s32 $0x20, s0;
	s1 =	sadd.s32 $0x100, s1  }
.LBB2_5:
0x69: {  	_ =	sfence.sel $0x180000  }
0x6a: {  	[bflag:$0x0] =	sbarrier.arrive $0xFFFF  }
0x6b: {  	_ =	strace $0x9000004A  }
0x6c: {  	s0 =	stileid.u32;
	[bflag:$0x2] =	sbarrier.arrive $0xFFFF  }
0x6d: {  	p0 =	sne.s32 s0, $0x0;
	s0 =	rddreg [dreg:$0x2]  }
0x6e: {  	s0 =	sadd.s32 @!p0 $0x100000, s0  }
0x6f: {  	[sflag:s0] =	ssyncadd.tile.s32 @!p0 $0x1;
	_ =	shalt  }
.Lfunc_end2:
_tile_overlayer_lowered:
.L_overlay_start_2:
0x70: {  	(tag) =	ssettag $0x2  }
0x71: {  	s0 =	rddreg [dreg:$0x0];
	s2 =	stileid.u32  }
0x72: {  	s1 =	rddreg [dreg:$0x1];
	p0 =	sne.s32 s2, $0x0  }
0x73: {  	s3 =	rddreg [dreg:$0x2];
	[bflag:$0x3] =	sbarrier.arrive $0xFFFF;
	s2 =	simm.s32 @!p0 $0x1C07  }
0x74: {  	[timem:s3], [sflag:s2] =	dma.local @!p0 [hbm:s0], s1  }
0x75: {  	s0 =	simm.s32 @!p0 $0x7  }
0x76: {  	_ =	swait.ge @!p0 [sflag:s0], s1  }
0x77: {  	s1 =	ssub.s32 @!p0 $0x0, s1;
	[sflag:s0] =	ssyncset.done @!p0 $0x0  }
0x78: {  	[sflag:s0] =	ssyncadd.s32 @!p0 s1  }
0x79: {  	[bflag:$0x3] =	sbarrier.arrive $0xFFFF  }
0x7a: {  	_ =	shalt  }

// kernel: _run.7.cloned.1.call-start
scs
__scs_entry_jumppad:
0x0: {  	(pc) =	sbr.rel $0x88, $3  }
0x1: {  	(tag) =	ssettag $0x0;
	lr =	simm.s32 $0x1  }
0x2: {  	[smem:$0x3F94] =	sst lr;
	_ =	strace $0xD0000000  }
0x3: {  	_ = 	snop  }
0x4: {  	_ = 	snop  }
0x5: {  	_ = 	snop  }
0x6: {  	_ = 	snop  }
0x7: {  	_ = 	snop  }
__scs_overlays_trampoline_lowered:
0x8: {  	[smem:$0x3FA3] =	sst s0  }
0x9: {  	[smem:$0x3FA4] =	sst s1  }
0xa: {  	[smem:$0x3FA5] =	sst s2  }
0xb: {  	[smem:$0x3FA6] =	sst s3  }
0xc: {  	[smem:$0x3FA7] =	sst s4  }
0xd: {  	[smem:$0x3FA8] =	sst s5  }
0xe: {  	[smem:$0x3FA9] =	sst s6  }
0xf: {  	[smem:$0x3FAA] =	sst s7  }
0x10: {  	[smem:$0x3FAB] =	sst s8  }
0x11: {  	[smem:$0x3FAC] =	sst s9;
	s0 =	simm.s32 @!p0 $0x0  }
0x12: {  	s1 =	sld [smem:$0x3F92];
	s0 =	simm.s32 @p0 $0x1  }
0x13: {  	[smem:$0x3FAD] =	sst s0;
	s0 =	simm.s32 @!p1 $0x0  }
0x14: {  	s2 =	sld [smem:$0x3F91];
	s0 =	simm.s32 @p1 $0x1  }
0x15: {  	[smem:$0x3FAE] =	sst s0;
	s0 =	simm.s32 @!p2 $0x0  }
0x16: {  	s3 =	sld [smem:$0x3FDB];
	s0 =	simm.s32 @p2 $0x1  }
0x17: {  	s4 =	simm.s32 $0x1BF5;
	[smem:$0x3FB0] =	sst s0  }
0x18: {  	s0 =	sld [smem:$0x3F93];
	_ =	swait.ge [sflag:s4], $0x0  }
0x19: {  	s7 =	sld [smem:$0x3F94]  }
0x1a: {  	s8 =	sadd.s32 $0xFFFFE003, lr  }
0x1b: {  	s9 =	sadd.s32 $0xFFFFFEF7, lr;
	s5 =	simm.s32 $0xFFFFFFFF;
	p2 =	slt.u32 s8, $0xFFFFF086  }
0x1c: {  	p1 =	slt.u32 s9, $0xF7A;
	s5 =	simm.s32 @!p2 $0x0  }
0x1d: {  	s5 =	simm.s32 @p1 $0x1;
	p0 =	seq.s32 s7, s2  }
0x1e: {  	s7 =	smul.u32 @!p0 $0xF7A, s2;
	p2 =	seq.s32 @!p0 s5, $0x0  }
0x1f: {  	s9 =	smul.u32 $0xF7A, s1;
	s8 =	simm.s32 @!p0 $0x1BF5;
	p2 =	por !p2, p0  }
0x20: {  	[sflag:s8] =	ssyncset.s32 @!p0 $0xFFFFF086;
	s6 =	sadd.s32 @!p0 s3, s7;
	s7 =	simm.s32 @!p0 $0x108  }
0x21: {  	s3 =	sadd.s32 s3, s9;
	s6 =	sadd.s32 @!p0 $0x88, s6;
	s7 =	simm.s32 @p2 $0x1082  }
0x22: {  	[simem:s7], [sflag:s8] =	dma.local @!p0 [hbm:s6], $0xF7A  }
0x23: {  	s9 =	sor.u32 $0xD0000000, s2;
	s6 =	simm.s32 $0x108;
	_ =	swait.ge @!p0 [sflag:s8], $0x0  }
0x24: {  	s3 =	sadd.s32 $0x88, s3;
	s6 =	simm.s32 @!p1 $0x1082;
	[sflag:s4] =	ssyncset.s32 $0xFFFFF086  }
0x25: {  	[simem:s6], [sflag:s4] =	dma.local [hbm:s3], $0xF7A  }
0x26: {  	[smem:$0x3F94] =	sst s1;
	(tag) =	ssettag s2;
	_ =	strace s9  }
0x27: {  	s1 =	sld [smem:$0x3FA4]  }
0x28: {  	s2 =	sld [smem:$0x3FA5]  }
0x29: {  	s4 =	sld [smem:$0x3FA7]  }
0x2a: {  	p0 =	seq.s32 s5, $0x0;
	s5 =	sld [smem:$0x3FA8]  }
0x2b: {  	s6 =	sld [smem:$0x3FA9]  }
0x2c: {  	s7 =	sld [smem:$0x3FAA]  }
0x2d: {  	s3 =	simm.s32 $0x108;
	s8 =	sld [smem:$0x3FAB]  }
0x2e: {  	s3 =	simm.s32 @!p0 $0x1082;
	s9 =	sld [smem:$0x3FAC]  }
0x2f: {  	lr =	sadd.s32 s0, s3;
	s0 =	sld [smem:$0x3FA3]  }
0x30: {  	s3 =	sld [smem:$0x3FA6]  }
0x31: {  	[smem:$0x3FAF] =	sst s10  }
0x32: {  	s10 =	sld [smem:$0x3FAD];
	_ =	sdelay $0x3  }
0x33: {  	p0 =	seq.s32 s10, $0x1;
	s10 =	sld [smem:$0x3FAF];
	_ =	sdelay $0x3  }
0x34: {  	[smem:$0x3FAF] =	sst s10  }
0x35: {  	s10 =	sld [smem:$0x3FAE];
	_ =	sdelay $0x3  }
0x36: {  	p1 =	seq.s32 s10, $0x1;
	s10 =	sld [smem:$0x3FAF];
	_ =	sdelay $0x3  }
0x37: {  	[smem:$0x3FAF] =	sst s10  }
0x38: {  	s10 =	sld [smem:$0x3FB0]  }
0x39: {  	_ = 	snop;
	(pc) =	sbr.ind lr, $3  }
0x3a: {  	_ = 	snop  }
0x3b: {  	_ = 	snop  }
0x3c: {  	p2 =	seq.s32 s10, $0x1;
	s10 =	sld [smem:$0x3FAF]  }
0x3d: {  	_ =	shalt  }
0x3e: {  	_ =	shalt  }
0x3f: {  	_ =	shalt  }
0x40: {  	_ =	shalt  }
0x41: {  	_ =	shalt  }
0x42: {  	_ =	shalt  }
0x43: {  	_ =	shalt  }
0x44: {  	_ =	shalt  }
0x45: {  	_ =	shalt  }
0x46: {  	_ =	shalt  }
0x47: {  	_ =	shalt  }
0x48: {  	_ =	shalt  }
0x49: {  	_ =	shalt  }
0x4a: {  	_ =	shalt  }
0x4b: {  	_ =	shalt  }
0x4c: {  	_ =	shalt  }
0x4d: {  	_ =	shalt  }
0x4e: {  	_ =	shalt  }
0x4f: {  	_ =	shalt  }
0x50: {  	_ =	shalt  }
0x51: {  	_ =	shalt  }
0x52: {  	_ =	shalt  }
0x53: {  	_ =	shalt  }
0x54: {  	_ =	shalt  }
0x55: {  	_ =	shalt  }
0x56: {  	_ =	shalt  }
0x57: {  	_ =	shalt  }
0x58: {  	_ =	shalt  }
0x59: {  	_ =	shalt  }
0x5a: {  	_ =	shalt  }
0x5b: {  	_ =	shalt  }
0x5c: {  	_ =	shalt  }
0x5d: {  	_ =	shalt  }
0x5e: {  	_ =	shalt  }
0x5f: {  	_ =	shalt  }
0x60: {  	_ =	shalt  }
0x61: {  	_ =	shalt  }
0x62: {  	_ =	shalt  }
0x63: {  	_ =	shalt  }
0x64: {  	_ =	shalt  }
0x65: {  	_ =	shalt  }
0x66: {  	_ =	shalt  }
0x67: {  	_ =	shalt  }
0x68: {  	_ =	shalt  }
0x69: {  	_ =	shalt  }
0x6a: {  	_ =	shalt  }
0x6b: {  	_ =	shalt  }
0x6c: {  	_ =	shalt  }
0x6d: {  	_ =	shalt  }
0x6e: {  	_ =	shalt  }
0x6f: {  	_ =	shalt  }
0x70: {  	_ =	shalt  }
0x71: {  	_ =	shalt  }
0x72: {  	_ =	shalt  }
0x73: {  	_ =	shalt  }
0x74: {  	_ =	shalt  }
0x75: {  	_ =	shalt  }
0x76: {  	_ =	shalt  }
0x77: {  	_ =	shalt  }
0x78: {  	_ =	shalt  }
0x79: {  	_ =	shalt  }
0x7a: {  	_ =	shalt  }
0x7b: {  	_ =	shalt  }
0x7c: {  	_ =	shalt  }
0x7d: {  	_ =	shalt  }
0x7e: {  	_ =	shalt  }
0x7f: {  	_ =	shalt  }
0x80: {  	_ =	shalt  }
0x81: {  	_ =	shalt  }
0x82: {  	_ =	shalt  }
0x83: {  	_ =	shalt  }
0x84: {  	_ =	shalt  }
0x85: {  	_ =	shalt  }
0x86: {  	_ =	shalt  }
0x87: {  	_ =	shalt  }
.Lfunc_end0:
.L_simem_size_0:
called_computation_lowered:
.L_overlay_start_0:
0x88: {  	s2 =	sld [smem:$0x3FD9]  }
0x89: {  	s3 =	sld [smem:$0x3FFE];
	_ =	sdelay $0x1  }
0x8a: {  	s1 =	srdreg.scid  }
0x8b: {  	s0 =	sand.u32 $0x1, s1  }
0x8c: {  	s17 =	sshll.u32 s0, $0xA;
	s2 =	sadd.s32 s3, s2  }
0x8d: {  	s2 =	sadd.s32 s2, s17  }
0x8e: {  	[smem:$0x3FBB] =	sst s2  }
0x8f: {  	_ = 	snop  }
0x90: {  	s2 =	sld [smem:$0x3FD0];
	(tm) =	ssettm $0x1  }
0x91: {  	s18 =	sld [smem:$0x3FFB];
	_ =	sdelay $0x3  }
0x92: {  	_ =	strace s18  }
0x93: {  	s3 =	sld [smem:$0x3FFC];
	_ =	sdelay $0x3  }
0x94: {  	_ =	strace s3  }
0x95: {  	s3 =	sld [smem:$0x3FFD];
	_ =	sdelay $0x3  }
0x96: {  	_ =	strace s3  }
0x97: {  	_ =	strace $0x8FFFFFFF  }
0x98: {  	s19 =	sld [smem:$0x3FDB];
	_ =	sdelay $0x1  }
0x99: {  	s4 =	simm.s32 $_scs_section_size  }
0x9a: {  	s5 =	simm.s32 $_size__tile_overlayer_lowered;
	s6 =	simm.s32 $_tile_overlayer_lowered  }
0x9b: {  	s22 =	simm.s32 $0x1BFF;
	s21 =	sshll.u32 s6, $0x1;
	s3 =	sadd.s32 s4, s19  }
0x9c: {  	s7 =	simm.s32 $0x0;
	s20 =	sshll.u32 s5, $0x1;
	s5 =	sadd.s32 s21, s3  }
0x9d: {  	[timem:s7], [sflag:s22] =	dma.local [hbm:s5], s20  }
0x9e: {  	_ =	swait.ge [sflag:s22], s20  }
0x9f: {  	s4 =	ssub.s32 $0x0, s20;
	[sflag:s22] =	ssyncset.done $0x0  }
0xa0: {  	[sflag:s22] =	ssyncadd.s32 s4;
	_ =	sdelay $0x1  }
0xa1: {  	s23 =	simm.s32 $0x1B8B  }
0xa2: {  	_ =	swait.ge [sflag:s23], $0x1  }
0xa3: {  	[sflag:s23] =	ssyncset.done $0x0  }
0xa4: {  	s25 =	simm.s32 $0x1B8E;
	s24 =	sld [smem:$0x3FFE];
	[sflag:s23] =	ssyncadd.s32 $0xFFFFFFFF  }
0xa5: {  	s26 =	simm.s32 $execute0_lowered;
	[smem:$0x3FD2] =	sst s25  }
0xa6: {  	s5 =	sshll.u32 s26, $0x1;
	_ =	strace $0x80000046;
	[dreg:$0x1] =	wrdreg $0xFFFFFFFF  }
0xa7: {  	s28 =	simm.s32 $_size_execute0_lowered;
	s3 =	sadd.s32 s3, s5;
	[dreg:$0x0] =	wrdreg $0x0  }
0xa8: {  	s5 =	sshll.u32 s28, $0x1;
	[dreg:$0x2] =	wrdreg s3  }
0xa9: {  	[dreg:$0x3] =	wrdreg s5  }
0xaa: {  	[dreg:$0x4] =	wrdreg $0xC0  }
0xab: {  	_ =	task [dreg:s7], $0x5FFFF  }
0xac: {  	[dreg:$0x1] =	wrdreg $0xFFFFFFFF  }
0xad: {  	[dreg:$0x0] =	wrdreg $0x60  }
0xae: {  	[dreg:$0x2] =	wrdreg s24  }
0xaf: {  	[dreg:$0x3] =	wrdreg s2  }
0xb0: {  	[dreg:$0x4] =	wrdreg $0x8E600  }
0xb1: {  	[dreg:$0x5] =	wrdreg $0x1C7600  }
0xb2: {  	[dreg:$0x6] =	wrdreg $0x9  }
0xb3: {  	_ =	task.clear_ibuf [dreg:s7], $0x7FFFF;
	_ =	strace $0x90000046  }
0xb4: {  	s29 =	simm.s32 $0x9;
	_ =	strace $0x80000048  }
0xb5: {  	_ =	swait.ge [sflag:s29], $0x1  }
0xb6: {  	[sflag:s29] =	ssyncadd.s32 $0xFFFFFFFF  }
0xb7: {  	_ =	strace $0x90000048  }
0xb8: {  	_ =	sfence  }
0xb9: {  	s30 =	sld [smem:$0x0];
	_ =	sdelay $0x2  }
0xba: {  	s31 =	sshll.u32 s1, $0xD;
	s1 =	sshrl.u32 s1, $0x2  }
0xbb: {  	s3 =	sand.u32 $0x4000, s31;
	s1 =	sadd.s32 s1, s30  }
0xbc: {  	s0 =	sor.u32 s3, s0;
	s1 =	sshll.u32 s1, $0x11  }
0xbd: {  	s0 =	sor.u32 s1, s0  }
0xbe: {  	s0 =	sadd.s32 $0x8F2B, s0  }
0xbf: {  	[sflag:s0] =	ssyncadd.remote.s32 $0x1  }
0xc0: {  	_ =	sfence.sel $0xFFFF  }
0xc1: {  	[dreg:$0x0] =	wrdreg $0xFFFFFFFF;
	(pc) =	sbr.abs _section_cstart, $3  }
0xc2: {  	[dreg:$0x1] =	wrdreg $0xFFFFFFFF  }
0xc3: {  	_ =	task.clear_ibuf [dreg:s7], $0x2FFFF;
	_ =	strace $0x9FFFFFFF  }
0xc4: {  	(tm) =	ssettm $0x7FFFFFFF  }
0xc5: {  	_ =	shalt  }
tec
execute0_lowered:
.L_overlay_start_1:
0x0: {  	(tag) =	ssettag $0x1  }
0x1: {  	s0 =	rddreg [dreg:$0x0];
	s20 =	stileid.u32  }
0x2: {  	s3 =	rddreg [dreg:$0x2];
	s9 =	smul.u32 $0x270, s20  }
0x3: {  	s1 =	srdreg.scid;
	s12 =	smul.u32 $0x4F000, s20  }
0x4: {  	s4 =	rddreg [dreg:$0x3];
	s15 =	smul.u32 $0x4F0, s20  }
0x5: {  	s5 =	simm.s32 $0x0;
	s1 =	sand.u32 $0x1, s1;
	s17 =	smul.u32 $0x13C00, s20  }
0x6: {  	s2 =	sshll.u32 s20, $0x1;
	[smem:$0x7FF] =	sst s5;
	s18 =	smul.u32 $0x2780, s20  }
0x7: {  	s7 =	sadd.s32 $0x3F200, s0;
	s8 =	sadd.s32 $0x18000, s0;
	s21 =	smul.u32 $0x9E00, s20  }
0x8: {  	s10 =	sadd.s32 $0x8D600, s0;
	s13 =	sadd.s32 $0x9C400, s0;
	s29 =	smul.u32 $0x139000, s1  }
0x9: {  	s2 =	sor.u32 s1, s2;
	s11 =	ssub.s32 $0x2, s1;
	s1 =	smul.u32 $0x27200, s1  }
0xa: {  	s16 =	sadd.s32 $0x92600, s0;
	p0 =	sgt.u32 s20, $0x3;
	s6 =	smul.u32 $0x2710, s2  }
0xb: {  	_ =	strace $0x80000047;
	s2 =	smul.u32 $0x278, s20;
	s14 =	sshrl.u32 s11, $0x1  }
0xc: {  	s9 =	sadd.s32 $0x20, s9;
	s15 =	sadd.s32 s10, s15;
	s12 =	sshrl.u32 s12, $0x2  }
0xd: {  	s20 =	simm.s32 $0x4;
	s11 =	ssub.s32 s11, s14;
	s19 =	sshll.u32 s9, $0x1  }
0xe: {  	[dreg:$0x5] =	wrdreg s15;
	s30 =	sadd.s32 s17, s29;
	s15 =	sadd.s32 s18, s1  }
0xf: {  	s24 =	sshll.u32 s9, $0x7;
	s12 =	sadd.s32 s12, s3;
	s5 =	sshrl.u32 s6, $0x3  }
0x10: {  	s2 =	smov.u32 @p0 s9;
	s10 =	sadd.s32 s10, s19;
	s9 =	sshll.u32 s9, $0x4  }
0x11: {  	s26 =	sadd.s32 $0x28, s6;
	s11 =	smax.u32 s11, $0x1;
	s31 =	sadd.s32 $0x78, s6  }
0x12: {  	[dreg:$0x6] =	wrdreg s10;
	s10 =	sshrl.u32 s30, $0x3;
	s19 =	sshll.u32 s2, $0x7  }
0x13: {  	s2 =	sshll.u32 s2, $0x4;
	s23 =	sadd.s32 s5, s0;
	s28 =	sshrl.u32 s26, $0x3  }
0x14: {  	[dreg:$0x10] =	wrdreg s11;
	s10 =	sadd.s32 s13, s10;
	s14 =	sadd.s32 s29, s19  }
0x15: {  	s1 =	sadd.s32 s1, s2;
	s2 =	sadd.s32 s2, s4;
	[dreg:$0x7] =	wrdreg s10  }
0x16: {  	s10 =	sshrl.u32 s14, $0x3;
	s14 =	sshrl.u32 s15, $0x3;
	s1 =	sshrl.u32 s1, $0x3  }
0x17: {  	s15 =	sadd.s32 $0xE200, s0;
	s0 =	sadd.s32 $0x66400, s0;
	s10 =	sadd.s32 s13, s10  }
0x18: {  	s22 =	sadd.s32 s16, s14;
	s1 =	sadd.s32 s16, s1;
	[dreg:$0x8] =	wrdreg s10  }
0x19: {  	s13 =	sadd.s32 s24, s3;
	s25 =	sadd.s32 s0, s18;
	[dreg:$0x9] =	wrdreg s22  }
0x1a: {  	s0 =	sadd.s32 s0, s9;
	s29 =	sadd.s32 s15, s5;
	[dreg:$0xa] =	wrdreg s1  }
0x1b: {  	s30 =	sadd.s32 s15, s28;
	s5 =	sadd.s32 s18, s4;
	[dreg:$0xb] =	wrdreg s25  }
0x1c: {  	v0 =	vimm.s32 $0xFEDCBA98;
	s14 =	simm.s32 $0x2;
	s16 =	simm.s32 $0x3BE0;
	[dreg:$0xc] =	wrdreg s0  }
0x1d: {  	v1 =	vimm.s32 $0x76543210;
	v2 =	vimm.s32 $0xBA98FEDC;
	s18 =	simm.s32 $0x77E0;
	s10 =	sshrl.u32 s21, $0x2;
	[dreg:$0xe] =	wrdreg s29  }
0x1e: {  	v3 =	vimm.s32 $0x32107654;
	v4 =	vimm.s32 $0xDCFE98BA;
	s0 =	sadd.s32 s9, s4;
	s1 =	sadd.s32 $0x4400, s23;
	[dreg:$0xf] =	wrdreg s30  }
0x1f: {  	v5 =	vimm.s32 $0x54761032;
	v6 =	vimm.s32 $0xEFCDAB89;
	v7 =	vimm.s32 $0x67452301;
	s9 =	sadd.s32 s19, s3;
	s11 =	sshrl.u32 @p0 s13, $0x3;
	s13 =	simm.s32 $0x5  }
0x20: {  	v0 =	vunpack.c.l.s4.s8 v0;
	v1 =	vunpack.c.l.s4.s8 v1;
	v2 =	vunpack.c.l.s4.s8 v2;
	s19 =	simm.s32 $0x8BE0;
	s21 =	simm.s32 $0x8;
	[dreg:$0xd] =	wrdreg s1  }
0x21: {  	v3 =	vunpack.c.l.s4.s8 v3;
	v4 =	vunpack.c.l.s4.s8 v4;
	v5 =	vunpack.c.l.s4.s8 v5;
	s10 =	sadd.s32 s10, s4;
	[dreg:$0x11] =	wrdreg s11;
	s0 =	sshrl.u32 @p0 s0, $0x3  }
0x22: {  	v6 =	vunpack.c.l.s4.s8 v6;
	v7 =	vunpack.c.l.s4.s8 v7;
	v0 =	vunpack.c.0.s8.s32 v0;
	s1 =	sadd.s32 s17, s3;
	[dreg:$0x12] =	wrdreg s0;
	s0 =	sshrl.u32 @!p0 s12, $0x3  }
0x23: {  	v2 =	vunpack.c.0.s8.s32 v2;
	v3 =	vunpack.c.0.s8.s32 v3;
	v4 =	vunpack.c.0.s8.s32 v4;
	s11 =	simm.s32 $0x27B8;
	[dreg:$0x13] =	wrdreg s0;
	s0 =	sshrl.u32 @!p0 s10, $0x3  }
0x24: {  	v5 =	vunpack.c.0.s8.s32 v5;
	v6 =	vunpack.c.0.s8.s32 v6;
	v7 =	vunpack.c.0.s8.s32 v7;
	s17 =	simm.s32 $0x63E0;
	[dreg:$0x14] =	wrdreg s0;
	s0 =	sshrl.u32 @p0 s9, $0x3  }
0x25: {  	vm0 =	vcmask $0x3F0C;
	v1 =	vunpack.c.0.s8.s32 v1;
	v2 =	vcombine.low v3, v2;
	s12 =	simm.s32 $0x3;
	[dreg:$0x15] =	wrdreg s0;
	s0 =	sshrl.u32 @p0 s2, $0x3  }
0x26: {  	v3 =	vcombine.low v5, v4;
	v4 =	vcombine.low v7, v6;
	v0 =	vand.u32 $0xF, v0;
	s10 =	simm.s32 $0x28;
	[dreg:$0x16] =	wrdreg s0;
	s0 =	sshrl.u32 @!p0 s1, $0x3  }
0x27: {  	vm1 =	vcmask $0x3F08;
	vm2 =	vmmov $0x1;
	v0 =	vcombine.low v0, v1;
	s9 =	simm.s32 $0x7;
	[dreg:$0x17] =	wrdreg s0;
	s0 =	sshrl.u32 @!p0 s5, $0x3  }
0x28: {  	v1 =	vand.u32 $0xF, v2;
	v2 =	vand.u32 $0xF, v3;
	v3 =	vand.u32 $0xF, v4;
	s1 =	simm.s32 $0x6;
	s5 =	simm.s32 $0x0;
	[dreg:$0x18] =	wrdreg s0  }
.LBB2_1:
0x29: {  	[dreg:$0x19] =	wrdreg s5  }
0x2a: {  	s0 =	rddreg [dreg:$0x1]  }
0x2b: {  	s5 =	simm.s32 $0x0;
	s24 =	simm.s32 $0x9;
	s2 =	stileid.u32  }
0x2c: {  	[tilespmem:s5], [sflag:$0x9] =	stream.linear.gather [hbm4b:s0+s5], $0x80, $0x38;
	[tilespmem:$0x1EE80] =	vst v63  }
0x2d: {  	s0 =	sshll.u32 @p0 s2, $0x6;
	_ =	swait.ge [sflag:s24], $0x80  }
0x2e: {  	s25 =	sor.u32 @p0 $0x1C09, s0;
	[sflag:s24] =	ssyncset.done $0x0;
	s0 =	rddreg [dreg:$0xc]  }
0x2f: {  	s22 =	rddreg [dreg:$0x11];
	[sflag:s24] =	ssyncadd.s32 $0xFFFFFF80  }
0x30: {  	[spmem:s22], [sflag:s25] =	dma.local @p0 [hbm:s0], $0x2700  }
0x31: {  	s0 =	simm.s32 @p0 $0x9  }
0x32: {  	_ =	swait.ge @p0 [sflag:s0], $0x2700;
	[dreg:$0x1a] =	wrdreg s25  }
0x33: {  	[sflag:s0] =	ssyncset.done @p0 $0x0;
	s22 =	rddreg [dreg:$0x6]  }
0x34: {  	s23 =	rddreg [dreg:$0x12];
	[sflag:s0] =	ssyncadd.s32 @p0 $0xFFFFD900  }
0x35: {  	[spmem:s23], [sflag:s25] =	dma.local @p0 [hbm:s22], $0x4E0  }
0x36: {  	s2 =	sshll.u32 @!p0 s2, $0x6;
	_ =	swait.ge @p0 [sflag:s0], $0x4E0  }
0x37: {  	s23 =	sor.u32 @!p0 $0x1C09, s2;
	[sflag:s0] =	ssyncset.done @p0 $0x0;
	s2 =	rddreg [dreg:$0x13]  }
0x38: {  	[sflag:s0] =	ssyncadd.s32 @p0 $0xFFFFFB20;
	s0 =	rddreg [dreg:$0xb]  }
0x39: {  	[spmem:s2], [sflag:s23] =	dma.local @!p0 [hbm:s0], $0x2780  }
0x3a: {  	s0 =	simm.s32 @!p0 $0x9  }
0x3b: {  	_ =	swait.ge @!p0 [sflag:s0], $0x2780;
	[dreg:$0x1b] =	wrdreg s23  }
0x3c: {  	[sflag:s0] =	ssyncset.done @!p0 $0x0;
	s2 =	rddreg [dreg:$0x5]  }
0x3d: {  	s22 =	rddreg [dreg:$0x14];
	[sflag:s0] =	ssyncadd.s32 @!p0 $0xFFFFD880  }
0x3e: {  	[spmem:s22], [sflag:s23] =	dma.local @!p0 [hbm:s2], $0x4F0  }
0x3f: {  	_ =	swait.ge @!p0 [sflag:s0], $0x4F0  }
0x40: {  	[sflag:s0] =	ssyncset.done @!p0 $0x0  }
0x41: {  	[sflag:s0] =	ssyncadd.s32 @!p0 $0xFFFFFB10  }
0x42: {  	[bflag:$0x0] =	sbarrier.arrive $0xFFFF  }
0x43: {  	v4 =	vld [tilespmem:$0x0]  }
0x44: {  	v5 =	vld [tilespmem:$0x10]  }
0x45: {  	v6 =	vld [tilespmem:$0x20]  }
0x46: {  	v7 =	vld [tilespmem:$0x30]  }
0x47: {  	v8 =	vld [tilespmem:$0x40]  }
0x48: {  	v9 =	vld [tilespmem:$0x50]  }
0x49: {  	s23 =	simm.s32 $0x80;
	v10 =	vld [tilespmem:$0x60];
	s22 =	rddreg [dreg:$0xd]  }
0x4a: {  	v11 =	vld [tilespmem:$0x70];
	[tilespmem:s23], [sflag:$0x9] =	stream.linear.gather [hbm4b:s22+s5], $0x2710, $0x38  }
0x4b: {  	_ =	swait.ge [sflag:s24], $0x2710  }
0x4c: {  	[sflag:s24] =	ssyncset.done $0x0  }
0x4d: {  	s26 =	simm.s32 $0x2790;
	s25 =	rddreg [dreg:$0xe];
	[sflag:s24] =	ssyncadd.s32 $0xFFFFD8F0  }
0x4e: {  	[tilespmem:s26], [sflag:$0x9] =	stream.linear.gather [hbm4b:s25+s5], $0x28, $0x38;
	[tilespmem:$0x1EE80] =	vst v63  }
0x4f: {  	_ =	swait.ge [sflag:s24], $0x28  }
0x50: {  	[sflag:s24] =	ssyncset.done $0x0  }
0x51: {  	s28 =	simm.s32 $0x27E0;
	[sflag:s24] =	ssyncadd.s32 $0xFFFFFFD8  }
0x52: {  	[tilespmem:s28], [sflag:$0x3] =	stream.indirect.gather [hbm4b:s7+s10], $0x80, s26, s10, $0xb8;
	[tilespmem:$0x1EE80] =	vst v63  }
0x53: {  	s29 =	simm.s32 $0x4FE0  }
0x54: {  	[tilespmem:s29], [sflag:$0x5] =	stream.indirect.gather [hbm4b:s8+s10], $0x80, s23, s10, $0xb8;
	[tilespmem:$0x1EE80] =	vst v63  }
0x55: {  	s25 =	simm.s32 $0x0;
	s30 =	rddreg [dreg:$0xf]  }
0x56: {  	[tilespmem:s11], [sflag:$0x2] =	stream.linear.gather [hbm4b:s30+s5], $0x28, $0x38;
	[tilespmem:$0x1EE80] =	vst v63  }
.LBB2_2:
0x57: {  	s0 =	sshll.u32 s25, $0x1  }
0x58: {  	_ =	swait.ge [sflag:s12], $0x1400;
	p1 =	seq.s32 s25, $0x7C;
	s28 =	sadd.s32 $0x2, s0  }
0x59: {  	[sflag:s12] =	ssyncset.done $0x0;
	s0 =	smul.u32 @!p1 $0x28, s28  }
0x5a: {  	[sflag:s12] =	ssyncadd.s32 $0xFFFFEC00  }
0x5b: {  	_ =	swait.ge [sflag:s13], $0x1400;
	s0 =	sadd.s32 @!p1 s6, s0  }
0x5c: {  	s2 =	simm.s32 @!p1 $0x0;
	[sflag:s13] =	ssyncset.done $0x0;
	s0 =	sshrl.u32 @!p1 s0, $0x3  }
0x5d: {  	s5 =	simm.s32 @!p1 $0x2790;
	[sflag:s13] =	ssyncadd.s32 $0xFFFFEC00;
	s0 =	sadd.s32 @!p1 s15, s0  }
0x5e: {  	[tilespmem:s5], [sflag:$0x1] =	stream.linear.gather @!p1 [hbm4b:s0+s2], $0x28, $0x38;
	[tilespmem:$0x1EE80] =	vst v63  }
0x5f: {  	s5 =	smul.u32 $0x140, s25;
	_ =	swait.ge [sflag:s14], $0x28  }
0x60: {  	[sflag:s14] =	ssyncset.done $0x0  }
0x61: {  	p2 =	seq.s32 s25, $0x0;
	s5 =	sshra.s32 s5, $0x2;
	[sflag:s14] =	ssyncadd.s32 $0xFFFFFFD8  }
0x62: {  	[tilespmem:s16], [sflag:$0x4] =	stream.indirect.gather [hbm4b:s7+s10], $0x80, s11, s10, $0xb8;
	[tilespmem:$0x1EE80] =	vst v63  }
0x63: {  	s0 =	simm.s32 @!p2 $0x7;
	s26 =	sadd.s32 $0xA8, s5  }
0x64: {  	[tilespmem:s17], [sflag:$0x6] =	stream.indirect.gather [hbm4b:s8+s10], $0x80, s26, s10, $0xb8;
	[tilespmem:$0x1EE80] =	vst v63  }
0x65: {  	_ =	swait.ge @!p2 [sflag:s0], $0x1400  }
0x66: {  	[sflag:s0] =	ssyncset.done @!p2 $0x0  }
0x67: {  	[sflag:s0] =	ssyncadd.s32 @!p2 $0xFFFFEC00;
	s0 =	simm.s32 @!p2 $0x8  }
0x68: {  	_ =	swait.ge @!p2 [sflag:s0], $0x280  }
0x69: {  	[sflag:s0] =	ssyncset.done @!p2 $0x0  }
0x6a: {  	s22 =	simm.s32 $0x2860;
	[sflag:s0] =	ssyncadd.s32 @!p2 $0xFFFFFD80  }
0x6b: {  	v27 =	vld [tilespmem:s22+$0x0]  }
0x6c: {  	v26 =	vld [tilespmem:s22+$0x10]  }
0x6d: {  	v25 =	vld [tilespmem:s22+$0x20]  }
0x6e: {  	s23 =	simm.s32 $0x5060;
	v23 =	vld [tilespmem:s22+$0x30]  }
0x6f: {  	v12 =	vld [tilespmem:s23+$0x0]  }
0x70: {  	v13 =	vld [tilespmem:s23+$0x10]  }
0x71: {  	v14 =	vld [tilespmem:s23+$0x20]  }
0x72: {  	v15 =	vld [tilespmem:s23+$0x30]  }
0x73: {  	v24 =	vld [tilespmem:s22+$0x40]  }
0x74: {  	v22 =	vld [tilespmem:s22+$0x50]  }
0x75: {  	v21 =	vld [tilespmem:s22+$0x60]  }
0x76: {  	v20 =	vld [tilespmem:s22+$0x70]  }
0x77: {  	v16 =	vld [tilespmem:s23+$0x40]  }
0x78: {  	v17 =	vld [tilespmem:s23+$0x50]  }
0x79: {  	v18 =	vld [tilespmem:s23+$0x60]  }
0x7a: {  	v19 =	vld [tilespmem:s23+$0x70]  }
0x7b: {  	v28 =	vadd.f32 v12, v27;
	v29 =	vadd.f32 v13, v26  }
0x7c: {  	v30 =	vadd.f32 v14, v25;
	v31 =	vadd.f32 v15, v23  }
0x7d: {  	v16 =	vadd.f32 v16, v24;
	v17 =	vadd.f32 v17, v22;
	v15 =	vmul.f32 $2.000000030e-01, v28  }
0x7e: {  	v18 =	vadd.f32 v18, v21;
	v32 =	vmul.f32 $2.000000030e-01, v29;
	v33 =	vmul.f32 $2.000000030e-01, v30  }
0x7f: {  	v44 =	vld [tilespmem:s23+$0xFFFFFFC0];
	v19 =	vadd.f32 v19, v20;
	v34 =	vmul.f32 $2.000000030e-01, v31;
	v35 =	vmul.f32 $2.000000030e-01, v16  }
0x80: {  	v46 =	vld [tilespmem:s23+$0xFFFFFFE0];
	v36 =	vmul.f32 $2.000000030e-01, v17;
	v37 =	vmul.f32 $2.000000030e-01, v18;
	v15 =	vmax.f32 v28, v15  }
0x81: {  	v14 =	vld [tilespmem:s22+$0xFFFFFFE0];
	v28 =	vmax.f32 v29, v32;
	v29 =	vmul.f32 $2.000000030e-01, v19;
	v30 =	vmax.f32 v30, v33  }
0x82: {  	v47 =	vld [tilespmem:s23+$0xFFFFFFF0];
	v31 =	vmax.f32 v31, v34;
	v16 =	vmax.f32 v16, v35;
	v38 =	vmul.f32 v15, v4  }
0x83: {  	v12 =	vld [tilespmem:s22+$0xFFFFFFC0];
	v17 =	vmax.f32 v17, v36;
	v28 =	vmul.f32 v28, v5;
	v30 =	vmul.f32 v30, v6  }
0x84: {  	v48 =	vld [tilespmem:s23+$0xFFFFFF90];
	v18 =	vmax.f32 v18, v37;
	v31 =	vmul.f32 v31, v7;
	v35 =	vmul.f32 v16, v8  }
0x85: {  	v15 =	vld [tilespmem:s22+$0xFFFFFFF0];
	v17 =	vmul.f32 v17, v9;
	v18 =	vmul.f32 v18, v10  }
0x86: {  	v16 =	vld [tilespmem:s22+$0xFFFFFF90];
	v34 =	vadd.f32 v46, v14;
	v19 =	vmax.f32 v19, v29;
	v28 =	vadd.f32 v28, v38  }
0x87: {  	v45 =	vld [tilespmem:s23+$0xFFFFFFD0];
	v29 =	vadd.f32 v31, v30;
	v19 =	vmul.f32 v19, v11;
	v17 =	vadd.f32 v17, v35  }
0x88: {  	v50 =	vld [tilespmem:s23+$0xFFFFFF80];
	v31 =	vadd.f32 v44, v12;
	v57 =	vmul.f32 $2.000000030e-01, v34;
	v30 =	vperm.xlane v28, v0  }
0x89: {  	v13 =	vld [tilespmem:s22+$0xFFFFFFD0];
	v49 =	vperm.xlane v29, v0;
	v51 =	vadd.f32 v19, v18;
	v52 =	vperm.xlane v17, v0  }
0x8a: {  	v39 =	vld [tilespmem:s23+$0xFFFFFFA0];
	v42 =	vmul.f32 $2.000000030e-01, v31;
	v34 =	vmax.f32 v34, v57;
	v36 =	vadd.f32 v47, v15  }
0x8b: {  	v19 =	vld [tilespmem:s22+$0xFFFFFF80];
	v32 =	vadd.f32 v48, v16;
	v34 =	vmul.f32 v34, v10;
	v28 =	vadd.f32 v30, v28  }
0x8c: {  	v18 =	vld [tilespmem:s22+$0xFFFFFFA0];
	v29 =	vadd.f32 v49, v29;
	v40 =	vperm.xlane v51, v0;
	v37 =	vadd.f32 v52, v17  }
0x8d: {  	v31 =	vmax.f32 v31, v42;
	v60 =	vmul.f32 $2.000000030e-01, v36;
	v62 =	vmul.f32 $2.000000030e-01, v32  }
0x8e: {  	v30 =	vadd.f32 v45, v13;
	v31 =	vmul.f32 v31, v8;
	v53 =	vperm.xlane v28, v1  }
0x8f: {  	v41 =	vperm.xlane v29, v1;
	v33 =	vadd.f32 v40, v51;
	v55 =	vperm.xlane v37, v1  }
0x90: {  	v54 =	vld [tilespmem:s23+$0xFFFFFFB0];
	v56 =	vmul.f32 $2.000000030e-01, v30;
	v35 =	vadd.f32 v50, v19;
	v28 =	vadd.f32 v53, v28  }
0x91: {  	v17 =	vld [tilespmem:s22+$0xFFFFFFB0];
	v39 =	vadd.f32 v39, v18;
	v32 =	vmax.f32 v32, v62;
	v29 =	vadd.f32 v41, v29  }
0x92: {  	v50 =	vmax.f32 v36, v60;
	v44 =	vperm.xlane v33, v1;
	v43 =	vperm.xlane v28, v2  }
0x93: {  	v37 =	vadd.f32 v55, v37;
	v30 =	vmax.f32 v30, v56;
	v45 =	vperm.xlane v29, v2  }
0x94: {  	v32 =	vmul.f32 v32, v5;
	v33 =	vadd.f32 v44, v33;
	v28 =	vadd.f32 v43, v28  }
0x95: {  	v61 =	vmul.f32 $2.000000030e-01, v35;
	v58 =	vperm.xlane v37, v2;
	v29 =	vadd.f32 v45, v29  }
0x96: {  	v38 =	vadd.f32 v54, v17;
	v46 =	vperm.xlane v33, v2;
	v59 =	vperm.xlane v28, v3  }
0x97: {  	v48 =	vmul.f32 $2.000000030e-01, v39;
	v37 =	vadd.f32 v58, v37;
	v47 =	vperm.xlane v29, v3  }
0x98: {  	v30 =	vmul.f32 v30, v9;
	v33 =	vadd.f32 v46, v33;
	v28 =	vadd.f32 v59, v28  }
0x99: {  	v51 =	vmax.f32 v39, v48;
	v63 =	vperm.xlane v37, v3;
	v29 =	vadd.f32 v47, v29  }
0x9a: {  	v30 =	vadd.f32 v30, v31;
	v49 =	vperm.xlane v33, v3;
	v28 =	vmul.f32 $1.442695020e+00, v28  }
0x9b: {  	v31 =	vmul.f32 v51, v6;
	v37 =	vadd.f32 v63, v37;
	v29 =	vmul.f32 $1.442695020e+00, v29  }
0x9c: {  	v33 =	vadd.f32 v49, v33;
	(erf) = vpow2.f32 v28;
	v28 =	vmul.f32 $2.000000030e-01, v38  }
0x9d: {  	(erf) = vpow2.f32 v29;
	v29 =	vmax.f32 v35, v61;
	v35 =	vmul.f32 v50, v11  }
0x9e: {  	s29 =	simm.s32 $0x5160;
	v37 =	vmul.f32 $1.442695020e+00, v37;
	v29 =	vmul.f32 v29, v4;
	v28 =	vmax.f32 v38, v28  }
0x9f: {  	s24 =	simm.s32 $0x2960;
	v48 =	vld [tilespmem:s29+$0x30];
	v33 =	vmul.f32 $1.442695020e+00, v33;
	v28 =	vmul.f32 v28, v7;
	v52 =	vadd.f32 v35, v34  }
0xa0: {  	v53 =	vperm.xlane v30, v0;
	(erf) = vpow2.f32 v37;
	v35 =	vld [tilespmem:s24+$0x30];
	v29 =	vadd.f32 v32, v29  }
0xa1: {  	(erf) = vpow2.f32 v33;
	v28 =	vadd.f32 v28, v31;
	v31 =	vperm.xlane v52, v0  }
0xa2: {  	v54 =	vperm.xlane v29, v0  }
0xa3: {  	v30 =	vadd.f32 v53, v30;
	v56 =	vadd.f32 v31, v52  }
0xa4: {  	v55 =	vperm.xlane v28, v0;
	v29 =	vadd.f32 v54, v29  }
0xa5: {  	v36 =	vld [tilespmem:s24+$0x20];
	v57 =	vperm.xlane v30, v1;
	v45 =	vadd.f32 v48, v35;
	v44 =	vpop (erf);
	v59 =	vperm.xlane v56, v1  }
0xa6: {  	v60 =	vld [tilespmem:s29+$0x0];
	v28 =	vadd.f32 v55, v28;
	v58 =	vperm.xlane v29, v1;
	v31 =	vmul.f32 v44, v27  }
0xa7: {  	v39 =	vld [tilespmem:s24+$0x40];
	v27 =	vadd.f32 v57, v30;
	v32 =	vmul.f32 v44, v26;
	v63 =	vpop (erf);
	v54 =	vmul.f32 $2.000000030e-01, v45  }
0xa8: {  	v37 =	vld [tilespmem:s24+$0x10];
	v26 =	vperm.xlane v28, v1;
	v61 =	vadd.f32 v59, v56;
	v33 =	vmul.f32 v63, v25  }
0xa9: {  	v52 =	vld [tilespmem:s29+$0x40];
	v40 =	vmul.f32 v63, v23;
	v23 =	vpop (erf);
	v29 =	vadd.f32 v58, v29;
	v55 =	vperm.xlane v27, v2  }
0xaa: {  	v30 =	vld [tilespmem:s29+$0x10];
	v34 =	vmul.f32 v23, v24;
	v42 =	vmul.f32 v23, v22;
	v22 =	vpop (erf);
	v45 =	vmax.f32 v45, v54  }
0xab: {  	v24 =	vld [tilespmem:s24+$0x70];
	v28 =	vadd.f32 v26, v28;
	v25 =	vperm.xlane v61, v2;
	v43 =	vmul.f32 v22, v21  }
0xac: {  	v41 =	vmul.f32 v22, v20;
	v22 =	vsel vm0, v22, v23;
	v23 =	vld [tilespmem:s29+$0x70];
	v56 =	vperm.xlane v29, v2  }
0xad: {  	v59 =	vld [tilespmem:s29+$0x60];
	v45 =	vmul.f32 v45, v7;
	v27 =	vadd.f32 v55, v27  }
0xae: {  	v57 =	vperm.xlane v28, v2;
	v49 =	vadd.f32 v25, v61;
	v25 =	vld [tilespmem:s24+$0x60];
	v29 =	vadd.f32 v56, v29  }
0xaf: {  	v38 =	vld [tilespmem:s24+$0x0];
	v30 =	vadd.f32 v30, v37;
	v61 =	vadd.f32 v52, v39;
	v58 =	vperm.xlane v27, v3  }
0xb0: {  	v62 =	vld [tilespmem:s29+$0x20];
	v28 =	vadd.f32 v57, v28;
	v51 =	vperm.xlane v49, v3;
	v50 =	vperm.xlane v29, v3  }
0xb1: {  	v47 =	vsel vm1, v22, v63;
	v21 =	vadd.f32 v58, v27;
	v56 =	vadd.f32 v23, v24  }
0xb2: {  	v55 =	vmul.f32 $2.000000030e-01, v61;
	v20 =	vadd.f32 v51, v49;
	v27 =	vadd.f32 v50, v29  }
0xb3: {  	v26 =	vld [tilespmem:s24+$0x50];
	v50 =	vperm.xlane v28, v3;
	v21 =	vmul.f32 $1.442695020e+00, v21;
	v49 =	vadd.f32 v59, v25  }
0xb4: {  	v29 =	vld [tilespmem:s29+$0x50];
	v51 =	vmul.f32 $1.442695020e+00, v20;
	v20 =	vadd.f32 v60, v38;
	v27 =	vmul.f32 $1.442695020e+00, v27  }
0xb5: {  	(erf) = vpow2.f32 v21;
	v21 =	vadd.f32 v62, v36;
	v62 =	vmul.f32 $2.000000030e-01, v30  }
0xb6: {  	v48 =	vmax.f32 v61, v55;
	v57 =	vmul.f32 $2.000000030e-01, v49;
	v60 =	vmul.f32 $2.000000030e-01, v20  }
0xb7: {  	v52 =	vld [tilespmem:s29+$0xFFFFFFD0];
	(erf) = vpow2.f32 v51;
	v53 =	vmul.f32 $2.000000030e-01, v21;
	v22 =	vmax.f32 v30, v62  }
0xb8: {  	v30 =	vmul.f32 $2.000000030e-01, v56;
	v49 =	vmax.f32 v49, v57;
	v62 =	vld [tilespmem:s29+$0xFFFFFFE0];
	(erf) = vpow2.f32 v27  }
0xb9: {  	v27 =	vld [tilespmem:s24+$0xFFFFFFA0];
	v29 =	vadd.f32 v29, v26;
	v20 =	vmax.f32 v20, v60;
	v63 =	vmul.f32 v22, v5  }
0xba: {  	v22 =	vld [tilespmem:s24+$0xFFFFFFC0];
	v49 =	vmul.f32 v49, v10;
	v20 =	vmul.f32 v20, v4;
	v30 =	vmax.f32 v56, v30  }
0xbb: {  	v60 =	vld [tilespmem:s29+$0xFFFFFFC0];
	v21 =	vmax.f32 v21, v53;
	v23 =	vmul.f32 $2.000000030e-01, v29;
	v30 =	vmul.f32 v30, v11  }
0xbc: {  	v48 =	vmul.f32 v48, v8;
	v53 =	vld [tilespmem:s29+$0xFFFFFF80];
	v58 =	vmul.f32 v21, v6;
	v46 =	vadd.f32 v63, v20  }
0xbd: {  	v28 =	vadd.f32 v50, v28;
	v56 =	vld [tilespmem:s29+$0xFFFFFFA0];
	v29 =	vmax.f32 v29, v23;
	v30 =	vadd.f32 v30, v49  }
0xbe: {  	v20 =	vld [tilespmem:s24+$0xFFFFFFE0];
	v45 =	vadd.f32 v45, v58;
	v29 =	vmul.f32 v29, v9;
	v59 =	vperm.xlane v46, v0  }
0xbf: {  	v28 =	vmul.f32 $1.442695020e+00, v28;
	v21 =	vld [tilespmem:s24+$0xFFFFFFF0];
	v58 =	vperm.xlane v30, v0  }
0xc0: {  	v23 =	vld [tilespmem:s24+$0xFFFFFFD0];
	v61 =	vperm.xlane v45, v0;
	v46 =	vadd.f32 v59, v46;
	v48 =	vadd.f32 v29, v48  }
0xc1: {  	(erf) = vpow2.f32 v28;
	v49 =	vld [tilespmem:s29+$0xFFFFFFF0];
	v50 =	vadd.f32 v60, v22;
	v28 =	vadd.f32 v58, v30  }
0xc2: {  	v45 =	vadd.f32 v61, v45;
	v30 =	vld [tilespmem:s24+$0xFFFFFF80];
	v63 =	vperm.xlane v46, v1;
	v57 =	vperm.xlane v48, v0  }
0xc3: {  	v56 =	vadd.f32 v56, v27;
	v51 =	vadd.f32 v62, v20;
	v62 =	vperm.xlane v28, v1  }
0xc4: {  	v59 =	vperm.xlane v45, v1;
	v46 =	vadd.f32 v63, v46;
	v48 =	vadd.f32 v57, v48  }
0xc5: {  	v44 =	vsel vm2, v44, v47;
	v52 =	vadd.f32 v52, v23;
	v57 =	vadd.f32 v62, v28;
	v28 =	vld [tilespmem:s24+$0xFFFFFFB0]  }
0xc6: {  	v45 =	vadd.f32 v59, v45;
	v59 =	vld [tilespmem:s29+$0xFFFFFFB0];
	v60 =	vperm.xlane v46, v2;
	v61 =	vperm.xlane v48, v1  }
0xc7: {  	v49 =	vadd.f32 v49, v21;
	v53 =	vadd.f32 v53, v30;
	v62 =	vperm.xlane v57, v2  }
0xc8: {  	v63 =	vperm.xlane v45, v2;
	v46 =	vadd.f32 v60, v46;
	v48 =	vadd.f32 v61, v48  }
0xc9: {  	v60 =	vmul.f32 $2.000000030e-01, v50;
	v54 =	vadd.f32 v62, v57;
	v62 =	vmul.f32 $2.000000030e-01, v51  }
0xca: {  	v47 =	vld [tilespmem:s29+$0xFFFFFF90];
	v45 =	vadd.f32 v63, v45;
	v58 =	vperm.xlane v46, v3;
	v61 =	vperm.xlane v48, v2  }
0xcb: {  	v29 =	vld [tilespmem:s24+$0xFFFFFF90];
	v50 =	vmax.f32 v50, v60;
	v60 =	vmul.f32 $2.000000030e-01, v52;
	v59 =	vadd.f32 v59, v28  }
0xcc: {  	v63 =	vperm.xlane v45, v3;
	v51 =	vmax.f32 v51, v62;
	v46 =	vadd.f32 v58, v46  }
0xcd: {  	v62 =	vperm.xlane v54, v3;
	v50 =	vmul.f32 v50, v8;
	v48 =	vadd.f32 v61, v48  }
0xce: {  	v52 =	vmax.f32 v52, v60;
	v60 =	vmul.f32 $2.000000030e-01, v53;
	v46 =	vmul.f32 $1.442695020e+00, v46  }
0xcf: {  	v58 =	vmul.f32 $2.000000030e-01, v59;
	v45 =	vadd.f32 v63, v45;
	v61 =	vperm.xlane v48, v3  }
0xd0: {  	v47 =	vadd.f32 v47, v29;
	v63 =	vmul.f32 $2.000000030e-01, v49;
	(erf) = vpow2.f32 v46  }
0xd1: {  	v54 =	vadd.f32 v62, v54;
	v45 =	vmul.f32 $1.442695020e+00, v45;
	v48 =	vadd.f32 v61, v48  }
0xd2: {  	v52 =	vmul.f32 v52, v9;
	v49 =	vmax.f32 v49, v63;
	v63 =	vmul.f32 $2.000000030e-01, v56  }
0xd3: {  	s30 =	simm.s32 $0x7860;
	v53 =	vmax.f32 v53, v60;
	(erf) = vpow2.f32 v45;
	v48 =	vmul.f32 $1.442695020e+00, v48  }
0xd4: {  	[tilespmem:s30+$0x0] =	vst v31;
	v60 =	vmul.f32 $1.442695020e+00, v54;
	v62 =	vmul.f32 v53, v4  }
0xd5: {  	[tilespmem:s30+$0x10] =	vst v32;
	v32 =	vpop (erf);
	v61 =	vmul.f32 $2.000000030e-01, v47;
	(erf) = vpow2.f32 v48  }
0xd6: {  	[tilespmem:s30+$0x20] =	vst v33;
	v31 =	vpop (erf);
	v54 =	vadd.f32 v52, v50;
	v49 =	vmul.f32 v49, v11;
	v45 =	vmax.f32 v56, v63  }
0xd7: {  	[tilespmem:s30+$0x30] =	vst v40;
	v33 =	vpop (erf);
	v46 =	vmax.f32 v47, v61;
	v61 =	vmul.f32 v51, v10;
	(erf) = vpow2.f32 v60  }
0xd8: {  	[tilespmem:s30+$0x40] =	vst v34;
	v34 =	vpop (erf);
	v63 =	vmax.f32 v59, v58;
	v56 =	vsel vm0, v31, v32;
	v46 =	vmul.f32 v46, v5  }
0xd9: {  	[tilespmem:s30+$0x50] =	vst v42;
	v45 =	vmul.f32 v45, v6;
	v55 =	vmul.f32 v63, v7;
	v48 =	vadd.f32 v49, v61;
	v42 =	vpop (erf)  }
0xda: {  	[tilespmem:s30+$0x60] =	vst v43;
	v57 =	vperm.xlane v54, v0;
	v46 =	vadd.f32 v46, v62;
	v38 =	vmul.f32 v42, v38  }
0xdb: {  	s2 =	simm.s32 $0x8BF0;
	[tilespmem:s30+$0x70] =	vst v41;
	v40 =	vsel vm1, v56, v34;
	v58 =	vadd.f32 v55, v45;
	v59 =	vperm.xlane v48, v0  }
0xdc: {  	s0 =	simm.s32 $0x7960;
	[tilespmem:s2+$0x0] =	vst v44;
	v43 =	vadd.f32 v57, v54;
	v60 =	vperm.xlane v46, v0;
	v61 =	vmul.f32 v42, v37;
	v41 =	vpop (erf)  }
0xdd: {  	v62 =	vperm.xlane v58, v0;
	v44 =	vadd.f32 v59, v48;
	v63 =	vmul.f32 v41, v36;
	[tilespmem:s0+$0x0] =	vst v38  }
0xde: {  	s5 =	sadd.s32 $0x80, s5;
	v45 =	vadd.f32 v60, v46;
	v37 =	vperm.xlane v43, v1;
	v36 =	vmul.f32 v41, v35;
	[tilespmem:s0+$0x10] =	vst v61;
	v38 =	vpop (erf)  }
0xdf: {  	s23 =	simm.s32 $0x8BF0;
	s22 =	simm.s32 $0x2A60;
	s24 =	simm.s32 $0x2;
	v46 =	vadd.f32 v62, v58;
	v47 =	vperm.xlane v44, v1;
	[tilespmem:s0+$0x20] =	vst v63;
	v39 =	vmul.f32 v38, v39  }
.LBB2_3:
0xe0: {  	v35 =	vld [tilespmem:s22+$0x0];
	v48 =	vperm.xlane v45, v1;
	v43 =	vadd.f32 v37, v43;
	[tilespmem:s0+$0x30] =	vst v36;
	v26 =	vmul.f32 v38, v26;
	v49 =	vpop (erf)  }
0xe1: {  	v37 =	vld [tilespmem:s22+$0x10];
	v50 =	vperm.xlane v46, v1;
	v44 =	vadd.f32 v47, v44;
	[tilespmem:s0+$0x40] =	vst v39;
	v25 =	vmul.f32 v49, v25  }
0xe2: {  	v24 =	vmul.f32 v49, v24;
	v36 =	vld [tilespmem:s22+$0x20];
	v39 =	vadd.f32 v48, v45;
	[tilespmem:s0+$0x50] =	vst v26;
	v26 =	vsel vm0, v49, v38  }
0xe3: {  	s29 =	sadd.s32 $0x100, s29;
	v38 =	vld [tilespmem:s22+$0x30];
	v45 =	vadd.f32 v50, v46;
	v46 =	vperm.xlane v43, v2;
	[tilespmem:s0+$0x60] =	vst v25;
	v25 =	vsel vm1, v26, v41  }
0xe4: {  	s2 =	sadd.s32 $0x20, s2;
	v47 =	vperm.xlane v44, v2;
	v41 =	vld [tilespmem:s29+$0x0];
	v26 =	vperm.xlane v39, v2;
	[tilespmem:s0+$0x70] =	vst v24;
	v24 =	vsel vm2, v42, v25  }
0xe5: {  	v19 =	vmul.f32 v33, v19;
	v42 =	vld [tilespmem:s29+$0x10];
	v25 =	vperm.xlane v45, v2;
	v43 =	vadd.f32 v46, v43;
	[tilespmem:s2+$0x0] =	vst v24  }
0xe6: {  	v44 =	vadd.f32 v47, v44;
	v46 =	vld [tilespmem:s29+$0x20];
	v24 =	vadd.f32 v26, v39;
	v26 =	vmul.f32 v33, v16;
	v16 =	vmovc v29  }
0xe7: {  	v18 =	vmul.f32 v34, v18;
	v29 =	vld [tilespmem:s29+$0x30];
	v45 =	vadd.f32 v25, v45;
	v25 =	vperm.xlane v43, v3;
	[tilespmem:s30+$0xFFFFFF80] =	vst v19  }
0xe8: {  	v33 =	vsel vm2, v33, v40;
	v47 =	vperm.xlane v44, v3;
	v39 =	vld [tilespmem:s22+$0x40];
	v19 =	vperm.xlane v24, v3;
	[tilespmem:s30+$0xFFFFFF90] =	vst v26  }
0xe9: {  	v49 =	vmul.f32 v34, v17;
	v26 =	vld [tilespmem:s22+$0x50];
	v40 =	vperm.xlane v45, v3;
	v43 =	vadd.f32 v25, v43;
	[tilespmem:s30+$0xFFFFFFA0] =	vst v18  }
0xea: {  	v34 =	vmul.f32 v32, v12;
	v12 =	vmovc v22;
	v47 =	vadd.f32 v47, v44;
	v25 =	vld [tilespmem:s22+$0x60];
	v48 =	vadd.f32 v19, v24  }
0xeb: {  	v32 =	vmul.f32 v32, v13;
	v13 =	vmovc v23;
	v24 =	vld [tilespmem:s22+$0x70];
	v22 =	vadd.f32 v40, v45;
	v40 =	vmul.f32 $1.442695020e+00, v43;
	[tilespmem:s30+$0xFFFFFFB0] =	vst v49  }
0xec: {  	v17 =	vmovc v28;
	v18 =	vmovc v27;
	v44 =	vmul.f32 $1.442695020e+00, v47;
	v43 =	vld [tilespmem:s29+$0x40];
	v23 =	vmul.f32 $1.442695020e+00, v48;
	[tilespmem:s30+$0xFFFFFFC0] =	vst v34;
	v19 =	vmov v30  }
0xed: {  	v27 =	vld [tilespmem:s29+$0x50];
	v28 =	vmul.f32 $1.442695020e+00, v22;
	(erf) = vpow2.f32 v40;
	[tilespmem:s30+$0xFFFFFFD0] =	vst v32  }
0xee: {  	v32 =	vmul.f32 v31, v14;
	v14 =	vmov v20;
	v30 =	vld [tilespmem:s29+$0x60];
	(erf) = vpow2.f32 v44  }
0xef: {  	v20 =	vmul.f32 v31, v15;
	v15 =	vmov v21;
	v34 =	vld [tilespmem:s29+$0x70];
	(erf) = vpow2.f32 v23  }
0xf0: {  	v31 =	vadd.f32 v41, v35;
	v40 =	vadd.f32 v42, v37;
	v22 =	vld [tilespmem:s22+$0xFFFFFFC0];
	(erf) = vpow2.f32 v28;
	[tilespmem:s30+$0xFFFFFFE0] =	vst v32  }
0xf1: {  	v41 =	vadd.f32 v29, v38;
	v28 =	vadd.f32 v46, v36;
	v23 =	vld [tilespmem:s22+$0xFFFFFFD0];
	[tilespmem:s30+$0xFFFFFFF0] =	vst v20;
	s30 =	smov.u32 s0  }
0xf2: {  	v29 =	vmul.f32 $2.000000030e-01, v31;
	v42 =	vadd.f32 v43, v39;
	v20 =	vld [tilespmem:s22+$0xFFFFFFE0];
	v27 =	vadd.f32 v27, v26;
	[tilespmem:s23+$0xFFFFFFF0] =	vst v33;
	s23 =	smov.u32 s2  }
0xf3: {  	v50 =	vmul.f32 $2.000000030e-01, v40;
	v33 =	vmul.f32 $2.000000030e-01, v28;
	v21 =	vld [tilespmem:s22+$0xFFFFFFF0];
	v30 =	vadd.f32 v30, v25  }
0xf4: {  	s24 =	sadd.s32 $0x2, s24;
	v44 =	vmul.f32 $2.000000030e-01, v41;
	v45 =	vmul.f32 $2.000000030e-01, v42;
	v43 =	vld [tilespmem:s29+$0xFFFFFFC0];
	v46 =	vadd.f32 v34, v24  }
0xf5: {  	p2 =	slt.u32 s24, $0x26;
	v34 =	vmul.f32 $2.000000030e-01, v27;
	v47 =	vld [tilespmem:s29+$0xFFFFFFD0];
	v48 =	vmul.f32 $2.000000030e-01, v30  }
0xf6: {  	v29 =	vmax.f32 v31, v29;
	v53 =	vmax.f32 v40, v50;
	v49 =	vld [tilespmem:s29+$0xFFFFFFE0];
	v40 =	vmul.f32 $2.000000030e-01, v46;
	v32 =	vpop (erf)  }
0xf7: {  	v51 =	vmul.f32 v29, v4;
	v52 =	vmul.f32 v53, v5;
	v28 =	vmax.f32 v28, v33;
	v50 =	vld [tilespmem:s29+$0xFFFFFFF0];
	v31 =	vpop (erf)  }
0xf8: {  	v41 =	vmax.f32 v41, v44;
	v42 =	vmax.f32 v42, v45;
	v44 =	vmax.f32 v27, v34;
	v29 =	vld [tilespmem:s22+$0xFFFFFF90];
	v33 =	vpop (erf)  }
0xf9: {  	v41 =	vmul.f32 v41, v7;
	v51 =	vadd.f32 v52, v51;
	v45 =	vmul.f32 v28, v6;
	v27 =	vld [tilespmem:s22+$0xFFFFFFA0];
	v34 =	vpop (erf)  }
0xfa: {  	v42 =	vmul.f32 v42, v8;
	v30 =	vmax.f32 v30, v48;
	v40 =	vmax.f32 v46, v40;
	v28 =	vld [tilespmem:s22+$0xFFFFFFB0]  }
0xfb: {  	v44 =	vmul.f32 v44, v9;
	v48 =	vperm.xlane v51, v0;
	v41 =	vadd.f32 v41, v45;
	v46 =	vld [tilespmem:s29+$0xFFFFFF80]  }
0xfc: {  	v30 =	vmul.f32 v30, v10;
	v43 =	vadd.f32 v43, v22;
	v40 =	vmul.f32 v40, v11;
	v45 =	vld [tilespmem:s29+$0xFFFFFF90]  }
0xfd: {  	v48 =	vadd.f32 v48, v51;
	v51 =	vperm.xlane v41, v0;
	v42 =	vadd.f32 v44, v42;
	v52 =	vld [tilespmem:s29+$0xFFFFFFA0]  }
0xfe: {  	v47 =	vadd.f32 v47, v23;
	v53 =	vmul.f32 $2.000000030e-01, v43;
	v40 =	vadd.f32 v40, v30;
	v44 =	vld [tilespmem:s29+$0xFFFFFFB0]  }
0xff: {  	v54 =	vperm.xlane v48, v1;
	v41 =	vadd.f32 v51, v41;
	v51 =	vperm.xlane v42, v0;
	v30 =	vld [tilespmem:s22+$0xFFFFFF80]  }
0x100: {  	v49 =	vadd.f32 v49, v20;
	v50 =	vadd.f32 v50, v21;
	v55 =	vperm.xlane v40, v0  }
0x101: {  	v48 =	vadd.f32 v54, v48;
	v54 =	vperm.xlane v41, v1;
	v42 =	vadd.f32 v51, v42  }
0x102: {  	v51 =	vmul.f32 $2.000000030e-01, v47;
	v40 =	vadd.f32 v55, v40;
	v45 =	vadd.f32 v45, v29  }
0x103: {  	v55 =	vperm.xlane v48, v2;
	v41 =	vadd.f32 v54, v41;
	v54 =	vperm.xlane v42, v1  }
0x104: {  	v56 =	vperm.xlane v40, v1;
	v52 =	vadd.f32 v52, v27;
	v46 =	vadd.f32 v46, v30  }
0x105: {  	v48 =	vadd.f32 v55, v48;
	v55 =	vperm.xlane v41, v2;
	v42 =	vadd.f32 v54, v42  }
0x106: {  	v54 =	vmul.f32 $2.000000030e-01, v49;
	v44 =	vadd.f32 v44, v28;
	v40 =	vadd.f32 v56, v40  }
0x107: {  	v56 =	vperm.xlane v48, v3;
	v41 =	vadd.f32 v55, v41;
	v55 =	vperm.xlane v42, v2  }
0x108: {  	v43 =	vmax.f32 v43, v53;
	v53 =	vmul.f32 $2.000000030e-01, v50;
	v57 =	vperm.xlane v40, v2  }
0x109: {  	v48 =	vadd.f32 v56, v48;
	v56 =	vperm.xlane v41, v3;
	v42 =	vadd.f32 v55, v42  }
0x10a: {  	v58 =	vmul.f32 $2.000000030e-01, v45;
	v55 =	vmul.f32 $2.000000030e-01, v46;
	v40 =	vadd.f32 v57, v40  }
0x10b: {  	v48 =	vmul.f32 $1.442695020e+00, v48;
	v41 =	vadd.f32 v56, v41;
	v56 =	vperm.xlane v42, v3  }
0x10c: {  	v47 =	vmax.f32 v47, v51;
	v57 =	vmul.f32 $2.000000030e-01, v52;
	v51 =	vperm.xlane v40, v3  }
0x10d: {  	v41 =	vmul.f32 $1.442695020e+00, v41;
	v42 =	vadd.f32 v56, v42;
	(erf) = vpow2.f32 v48  }
0x10e: {  	v50 =	vmax.f32 v50, v53;
	v49 =	vmax.f32 v49, v54;
	v48 =	vmul.f32 $2.000000030e-01, v44  }
0x10f: {  	v42 =	vmul.f32 $1.442695020e+00, v42;
	v40 =	vadd.f32 v51, v40;
	(erf) = vpow2.f32 v41  }
0x110: {  	v43 =	vmul.f32 v43, v8;
	v41 =	vmax.f32 v46, v55;
	v46 =	vmul.f32 v47, v9  }
0x111: {  	v45 =	vmax.f32 v45, v58;
	v40 =	vmul.f32 $1.442695020e+00, v40;
	(erf) = vpow2.f32 v42  }
0x112: {  	v47 =	vmul.f32 v49, v10;
	v49 =	vmul.f32 v50, v11;
	v42 =	vmax.f32 v52, v57  }
0x113: {  	v44 =	vmax.f32 v44, v48;
	v41 =	vmul.f32 v41, v4;
	(erf) = vpow2.f32 v40  }
0x114: {  	v43 =	vadd.f32 v46, v43;
	v40 =	vmul.f32 v45, v5;
	v45 =	vmul.f32 v42, v6  }
0x115: {  	v44 =	vmul.f32 v44, v7;
	v46 =	vadd.f32 v49, v47;
	v47 =	vsel vm0, v31, v32  }
0x116: {  	v50 =	vperm.xlane v43, v0;
	v48 =	vadd.f32 v40, v41;
	v40 =	vsel vm1, v47, v34;
	v42 =	vpop (erf)  }
.Ltmp0:
0x117: {  	v47 =	vadd.f32 v44, v45;
	v44 =	vperm.xlane v46, v0;
	v35 =	vmul.f32 v42, v35;
	(pc) =	sbr.rel @p2 .LBB2_3-.Ltmp0, $4  }
0x118: {  	s0 =	sadd.s32 $0x100, s0;
	v43 =	vadd.f32 v50, v43;
	v45 =	vperm.xlane v48, v0;
	v49 =	vmul.f32 v42, v37;
	v41 =	vpop (erf)  }
0x119: {  	v50 =	vperm.xlane v47, v0;
	v44 =	vadd.f32 v44, v46;
	[tilespmem:s0+$0x0] =	vst v35;
	v35 =	vmul.f32 v41, v36  }
0x11a: {  	v37 =	vperm.xlane v43, v1;
	v45 =	vadd.f32 v45, v48;
	v36 =	vmul.f32 v41, v38;
	[tilespmem:s0+$0x10] =	vst v49;
	v38 =	vpop (erf)  }
0x11b: {  	s22 =	sadd.s32 $0x100, s22;
	v46 =	vadd.f32 v50, v47;
	v47 =	vperm.xlane v44, v1;
	[tilespmem:s0+$0x20] =	vst v35;
	v39 =	vmul.f32 v38, v39  }
0x11c: {  	v35 =	vperm.xlane v45, v1;
	v37 =	vadd.f32 v37, v43  }
0x11d: {  	v55 =	vadd.f32 v47, v44  }
0x11e: {  	v56 =	vperm.xlane v46, v1;
	v35 =	vadd.f32 v35, v45;
	v57 =	vperm.xlane v37, v2  }
0x11f: {  	v47 =	vperm.xlane v55, v2  }
0x120: {  	v44 =	vadd.f32 v56, v46;
	v58 =	vperm.xlane v35, v2;
	v37 =	vadd.f32 v57, v37  }
0x121: {  	v43 =	vadd.f32 v47, v55  }
0x122: {  	v59 =	vperm.xlane v44, v2;
	v35 =	vadd.f32 v58, v35;
	v60 =	vperm.xlane v37, v3  }
0x123: {  	v47 =	vperm.xlane v43, v3  }
0x124: {  	v44 =	vadd.f32 v59, v44;
	v61 =	vperm.xlane v35, v3;
	v37 =	vadd.f32 v60, v37  }
0x125: {  	v26 =	vmul.f32 v38, v26;
	v19 =	vmul.f32 v33, v19;
	v43 =	vadd.f32 v47, v43  }
0x126: {  	v62 =	vpop (erf);
	v63 =	vperm.xlane v44, v3;
	v35 =	vadd.f32 v61, v35;
	v37 =	vmul.f32 $1.442695020e+00, v37  }
0x127: {  	[tilespmem:s0+$0x30] =	vst v36;
	v25 =	vmul.f32 v62, v25;
	v43 =	vmul.f32 $1.442695020e+00, v43  }
0x128: {  	[tilespmem:s0+$0x40] =	vst v39;
	v45 =	vadd.f32 v63, v44;
	v35 =	vmul.f32 $1.442695020e+00, v35;
	(erf) = vpow2.f32 v37  }
0x129: {  	v16 =	vmul.f32 v33, v16;
	[tilespmem:s0+$0x50] =	vst v26;
	v26 =	vsel vm0, v62, v38;
	(erf) = vpow2.f32 v43  }
0x12a: {  	[tilespmem:s0+$0x60] =	vst v25;
	v25 =	vsel vm1, v26, v41;
	v26 =	vmul.f32 $1.442695020e+00, v45;
	(erf) = vpow2.f32 v35  }
0x12b: {  	v18 =	vmul.f32 v34, v18;
	[tilespmem:s30+$0xFFFFFF80] =	vst v19  }
0x12c: {  	v12 =	vmul.f32 v32, v12;
	[tilespmem:s30+$0xFFFFFF90] =	vst v16;
	(erf) = vpow2.f32 v26  }
0x12d: {  	v13 =	vmul.f32 v32, v13;
	[tilespmem:s30+$0xFFFFFFA0] =	vst v18  }
0x12e: {  	v24 =	vmul.f32 v62, v24;
	[tilespmem:s30+$0xFFFFFFC0] =	vst v12  }
0x12f: {  	v16 =	vmul.f32 v34, v17;
	v12 =	vmul.f32 v31, v14;
	[tilespmem:s30+$0xFFFFFFD0] =	vst v13  }
0x130: {  	[tilespmem:s0+$0x70] =	vst v24  }
0x131: {  	v13 =	vmul.f32 v31, v15;
	[tilespmem:s30+$0xFFFFFFB0] =	vst v16;
	v14 =	vpop (erf)  }
0x132: {  	[tilespmem:s30+$0xFFFFFFE0] =	vst v12;
	v16 =	vsel vm2, v33, v40;
	v15 =	vpop (erf)  }
0x133: {  	s2 =	sadd.s32 $0x20, s2;
	v24 =	vsel vm2, v42, v25;
	[tilespmem:s30+$0xFFFFFFF0] =	vst v13;
	v12 =	vpop (erf)  }
0x134: {  	[tilespmem:s2+$0x0] =	vst v24;
	v13 =	vmul.f32 v12, v30  }
0x135: {  	[tilespmem:s23+$0xFFFFFFF0] =	vst v16;
	v16 =	vpop (erf);
	v17 =	vmul.f32 v12, v29  }
0x136: {  	[tilespmem:s0+$0xFFFFFF80] =	vst v13;
	v13 =	vmul.f32 v16, v27  }
0x137: {  	[tilespmem:s0+$0xFFFFFF90] =	vst v17;
	v17 =	vmul.f32 v16, v28  }
0x138: {  	[tilespmem:s0+$0xFFFFFFA0] =	vst v13;
	v13 =	vmul.f32 v14, v22  }
0x139: {  	[tilespmem:s0+$0xFFFFFFB0] =	vst v17;
	v17 =	vmul.f32 v14, v23  }
0x13a: {  	[tilespmem:s0+$0xFFFFFFC0] =	vst v13;
	v13 =	vmul.f32 v15, v20  }
0x13b: {  	v14 =	vsel vm0, v15, v14;
	[tilespmem:s0+$0xFFFFFFD0] =	vst v17;
	v15 =	vmul.f32 v15, v21  }
0x13c: {  	v14 =	vsel vm1, v14, v16;
	[tilespmem:s0+$0xFFFFFFE0] =	vst v13  }
0x13d: {  	v12 =	vsel vm2, v12, v14;
	[tilespmem:s0+$0xFFFFFFF0] =	vst v15  }
0x13e: {  	[tilespmem:s2+$0xFFFFFFF0] =	vst v12  }
0x13f: {  	[spmem:s3] =	stream.indirect.scatter.add.f32 [tilespmem:s18], [sflag:$0x7], $0x80, s5, s10, $0xb8;
	[tilespmem:$0x1EE80] =	vst v63  }
0x140: {  	_ = 	snop  }
0x141: {  	[spmem:s4] =	stream.indirect.scatter.add.f32 [tilespmem:s19], [sflag:$0x8], $0x10, s5, s10, $0xb8;
	[tilespmem:$0x1EE80] =	vst v63  }
0x142: {  	_ =	swait.ge [sflag:s20], $0x1400  }
0x143: {  	s0 =	smul.u32 @!p1 $0x50, s25;
	[sflag:s20] =	ssyncset.done $0x0  }
0x144: {  	[sflag:s20] =	ssyncadd.s32 $0xFFFFEC00  }
0x145: {  	s0 =	sadd.s32 @!p1 s0, s31;
	_ =	swait.ge [sflag:s1], $0x1400  }
0x146: {  	s2 =	simm.s32 @!p1 $0x0;
	s0 =	sshrl.u32 @!p1 s0, $0x3;
	[sflag:s1] =	ssyncset.done $0x0  }
0x147: {  	s0 =	sadd.s32 @!p1 s15, s0;
	s5 =	simm.s32 @!p1 $0x27B8;
	[sflag:s1] =	ssyncadd.s32 $0xFFFFEC00  }
0x148: {  	[tilespmem:s5], [sflag:$0x2] =	stream.linear.gather @!p1 [hbm4b:s0+s2], $0x28, $0x38;
	[tilespmem:$0x1EE80] =	vst v63  }
0x149: {  	s0 =	simm.s32 @!p1 $0x1  }
0x14a: {  	_ =	swait.ge @!p1 [sflag:s0], $0x28  }
0x14b: {  	s22 =	smul.u32 @!p1 $0xA0, s28;
	s2 =	simm.s32 @!p1 $0x2790;
	[sflag:s0] =	ssyncset.done @!p1 $0x0  }
0x14c: {  	s5 =	simm.s32 @!p1 $0x27E0;
	[sflag:s0] =	ssyncadd.s32 @!p1 $0xFFFFFFD8;
	s0 =	simm.s32 @!p1 $0x28  }
0x14d: {  	[tilespmem:s5], [sflag:$0x3] =	stream.indirect.gather @!p1 [hbm4b:s7+s0], $0x80, s2, s0, $0xb8;
	[tilespmem:$0x1EE80] =	vst v63  }
0x14e: {  	s2 =	sshra.s32 @!p1 s22, $0x2  }
0x14f: {  	s5 =	simm.s32 @!p1 $0x4FE0;
	s2 =	sadd.s32 @!p1 $0x80, s2  }
0x150: {  	[tilespmem:s5], [sflag:$0x5] =	stream.indirect.gather @!p1 [hbm4b:s8+s0], $0x80, s2, s0, $0xb8;
	[tilespmem:$0x1EE80] =	vst v63  }
0x151: {  	_ =	swait.ge [sflag:s9], $0x1400  }
0x152: {  	[sflag:s9] =	ssyncset.done $0x0  }
0x153: {  	[sflag:s9] =	ssyncadd.s32 $0xFFFFEC00  }
0x154: {  	_ =	swait.ge [sflag:s21], $0x280  }
0x155: {  	[sflag:s21] =	ssyncset.done $0x0  }
0x156: {  	s23 =	simm.s32 $0x3C60;
	[sflag:s21] =	ssyncadd.s32 $0xFFFFFD80  }
0x157: {  	v27 =	vld [tilespmem:s23+$0x0]  }
0x158: {  	v26 =	vld [tilespmem:s23+$0x10]  }
0x159: {  	v25 =	vld [tilespmem:s23+$0x20]  }
0x15a: {  	s24 =	simm.s32 $0x6460;
	v23 =	vld [tilespmem:s23+$0x30]  }
0x15b: {  	v12 =	vld [tilespmem:s24+$0x0]  }
0x15c: {  	v13 =	vld [tilespmem:s24+$0x10]  }
0x15d: {  	v14 =	vld [tilespmem:s24+$0x20]  }
0x15e: {  	v15 =	vld [tilespmem:s24+$0x30]  }
0x15f: {  	v24 =	vld [tilespmem:s23+$0x40]  }
0x160: {  	v22 =	vld [tilespmem:s23+$0x50]  }
0x161: {  	v21 =	vld [tilespmem:s23+$0x60]  }
0x162: {  	v20 =	vld [tilespmem:s23+$0x70]  }
0x163: {  	v16 =	vld [tilespmem:s24+$0x40]  }
0x164: {  	v17 =	vld [tilespmem:s24+$0x50]  }
0x165: {  	v18 =	vld [tilespmem:s24+$0x60]  }
0x166: {  	v19 =	vld [tilespmem:s24+$0x70];
	v28 =	vadd.f32 v12, v27  }
0x167: {  	v29 =	vadd.f32 v13, v26;
	v30 =	vadd.f32 v14, v25  }
0x168: {  	v31 =	vadd.f32 v15, v23;
	v16 =	vadd.f32 v16, v24  }
0x169: {  	v52 =	vld [tilespmem:s24+$0xFFFFFFC0];
	v17 =	vadd.f32 v17, v22;
	v15 =	vmul.f32 $2.000000030e-01, v28;
	v46 =	vmul.f32 $2.000000030e-01, v29  }
0x16a: {  	v54 =	vld [tilespmem:s24+$0xFFFFFFD0];
	v18 =	vadd.f32 v18, v21;
	v47 =	vmul.f32 $2.000000030e-01, v30;
	v48 =	vmul.f32 $2.000000030e-01, v31  }
0x16b: {  	v55 =	vld [tilespmem:s24+$0xFFFFFFE0];
	v19 =	vadd.f32 v19, v20;
	v49 =	vmul.f32 $2.000000030e-01, v16;
	v50 =	vmul.f32 $2.000000030e-01, v17  }
0x16c: {  	v14 =	vld [tilespmem:s23+$0xFFFFFFE0];
	v51 =	vmul.f32 $2.000000030e-01, v18;
	v15 =	vmax.f32 v28, v15;
	v28 =	vmax.f32 v29, v46  }
0x16d: {  	v56 =	vld [tilespmem:s24+$0xFFFFFFF0];
	v29 =	vmul.f32 $2.000000030e-01, v19;
	v30 =	vmax.f32 v30, v47;
	v31 =	vmax.f32 v31, v48  }
0x16e: {  	v12 =	vld [tilespmem:s23+$0xFFFFFFC0];
	v16 =	vmax.f32 v16, v49;
	v53 =	vmul.f32 v15, v4;
	v28 =	vmul.f32 v28, v5  }
0x16f: {  	v57 =	vld [tilespmem:s24+$0xFFFFFF90];
	v17 =	vmax.f32 v17, v50;
	v30 =	vmul.f32 v30, v6;
	v31 =	vmul.f32 v31, v7  }
0x170: {  	v18 =	vmax.f32 v18, v51;
	v15 =	vld [tilespmem:s23+$0xFFFFFFF0];
	v35 =	vmul.f32 v16, v8;
	v17 =	vmul.f32 v17, v9  }
0x171: {  	v16 =	vld [tilespmem:s23+$0xFFFFFF90];
	v18 =	vmul.f32 v18, v10;
	v34 =	vadd.f32 v55, v14;
	v19 =	vmax.f32 v19, v29  }
0x172: {  	v13 =	vld [tilespmem:s23+$0xFFFFFFD0];
	v28 =	vadd.f32 v28, v53;
	v29 =	vadd.f32 v31, v30;
	v19 =	vmul.f32 v19, v11  }
0x173: {  	v59 =	vld [tilespmem:s24+$0xFFFFFF80];
	v31 =	vadd.f32 v52, v12;
	v17 =	vadd.f32 v17, v35  }
0x174: {  	v63 =	vld [tilespmem:s24+$0xFFFFFFA0];
	v30 =	vperm.xlane v28, v0;
	v58 =	vperm.xlane v29, v0;
	v60 =	vadd.f32 v19, v18  }
0x175: {  	v19 =	vld [tilespmem:s23+$0xFFFFFF80];
	v61 =	vperm.xlane v17, v0;
	v49 =	vmul.f32 $2.000000030e-01, v31;
	v36 =	vadd.f32 v56, v15  }
0x176: {  	v18 =	vld [tilespmem:s23+$0xFFFFFFA0];
	v32 =	vadd.f32 v57, v16;
	v56 =	vmul.f32 $2.000000030e-01, v34;
	v28 =	vadd.f32 v30, v28  }
0x177: {  	v30 =	vadd.f32 v54, v13;
	v29 =	vadd.f32 v58, v29;
	v31 =	vmax.f32 v31, v49  }
0x178: {  	v47 =	vperm.xlane v60, v0;
	v37 =	vadd.f32 v61, v17;
	v31 =	vmul.f32 v31, v8  }
0x179: {  	v34 =	vmax.f32 v34, v56;
	v62 =	vperm.xlane v28, v1;
	v48 =	vperm.xlane v29, v1  }
0x17a: {  	v33 =	vadd.f32 v47, v60;
	v51 =	vperm.xlane v37, v1;
	v52 =	vmul.f32 $2.000000030e-01, v30  }
0x17b: {  	v34 =	vmul.f32 v34, v10;
	v35 =	vadd.f32 v59, v19;
	v39 =	vadd.f32 v63, v18  }
0x17c: {  	v59 =	vmul.f32 $2.000000030e-01, v36;
	v63 =	vmul.f32 $2.000000030e-01, v32;
	v28 =	vadd.f32 v62, v28  }
0x17d: {  	v29 =	vadd.f32 v48, v29;
	v54 =	vperm.xlane v33, v1;
	v37 =	vadd.f32 v51, v37  }
0x17e: {  	v30 =	vmax.f32 v30, v52;
	v62 =	vmul.f32 $2.000000030e-01, v35;
	v49 =	vmul.f32 $2.000000030e-01, v39  }
0x17f: {  	v30 =	vmul.f32 v30, v9;
	v53 =	vperm.xlane v28, v2  }
0x180: {  	v55 =	vperm.xlane v29, v2;
	v57 =	vperm.xlane v37, v2  }
0x181: {  	v50 =	vld [tilespmem:s24+$0xFFFFFFB0];
	v32 =	vmax.f32 v32, v63;
	v33 =	vadd.f32 v54, v33;
	v28 =	vadd.f32 v53, v28  }
0x182: {  	v17 =	vld [tilespmem:s23+$0xFFFFFFB0];
	v32 =	vmul.f32 v32, v5;
	v29 =	vadd.f32 v55, v29;
	v37 =	vadd.f32 v57, v37  }
0x183: {  	v60 =	vperm.xlane v33, v2;
	v58 =	vperm.xlane v28, v3  }
0x184: {  	v30 =	vadd.f32 v30, v31;
	v61 =	vperm.xlane v29, v3;
	v48 =	vperm.xlane v37, v3  }
0x185: {  	v52 =	vmax.f32 v39, v49;
	v33 =	vadd.f32 v60, v33;
	v28 =	vadd.f32 v58, v28  }
0x186: {  	v31 =	vmul.f32 v52, v6;
	v29 =	vadd.f32 v61, v29;
	v37 =	vadd.f32 v48, v37  }
0x187: {  	v38 =	vadd.f32 v50, v17;
	v50 =	vperm.xlane v33, v3;
	v28 =	vmul.f32 $1.442695020e+00, v28  }
0x188: {  	v51 =	vmax.f32 v36, v59;
	v29 =	vmul.f32 $1.442695020e+00, v29;
	v37 =	vmul.f32 $1.442695020e+00, v37  }
0x189: {  	v33 =	vadd.f32 v50, v33;
	(erf) = vpow2.f32 v28;
	v28 =	vmul.f32 $2.000000030e-01, v38  }
0x18a: {  	(erf) = vpow2.f32 v29;
	v29 =	vmax.f32 v35, v62;
	v35 =	vmul.f32 v51, v11  }
0x18b: {  	v33 =	vmul.f32 $1.442695020e+00, v33;
	v29 =	vmul.f32 v29, v4;
	v28 =	vmax.f32 v38, v28  }
0x18c: {  	(erf) = vpow2.f32 v37;
	v28 =	vmul.f32 v28, v7;
	v53 =	vadd.f32 v35, v34  }
0x18d: {  	v54 =	vperm.xlane v30, v0;
	v29 =	vadd.f32 v32, v29  }
0x18e: {  	s28 =	simm.s32 $0x6560;
	(erf) = vpow2.f32 v33;
	v28 =	vadd.f32 v28, v31;
	v31 =	vperm.xlane v53, v0  }
0x18f: {  	s30 =	simm.s32 $0x3D60;
	v30 =	vadd.f32 v54, v30;
	v48 =	vld [tilespmem:s28+$0x30];
	v55 =	vperm.xlane v29, v0  }
0x190: {  	v35 =	vld [tilespmem:s30+$0x30];
	v56 =	vperm.xlane v28, v0;
	v57 =	vadd.f32 v31, v53  }
0x191: {  	v58 =	vperm.xlane v30, v1;
	v29 =	vadd.f32 v55, v29  }
0x192: {  	v36 =	vld [tilespmem:s30+$0x20];
	v44 =	vpop (erf);
	v28 =	vadd.f32 v56, v28;
	v60 =	vperm.xlane v57, v1  }
0x193: {  	v39 =	vld [tilespmem:s30+$0x40];
	v59 =	vperm.xlane v29, v1;
	v31 =	vmul.f32 v44, v27;
	v27 =	vadd.f32 v58, v30  }
0x194: {  	v37 =	vld [tilespmem:s30+$0x10];
	v32 =	vmul.f32 v44, v26;
	v47 =	vpop (erf);
	v26 =	vperm.xlane v28, v1;
	v62 =	vadd.f32 v60, v57  }
0x195: {  	v30 =	vld [tilespmem:s28+$0x10];
	v33 =	vmul.f32 v47, v25;
	v40 =	vmul.f32 v47, v23;
	v23 =	vpop (erf);
	v60 =	vadd.f32 v48, v35  }
0x196: {  	v52 =	vld [tilespmem:s28+$0x40];
	v29 =	vadd.f32 v59, v29;
	v55 =	vperm.xlane v27, v2;
	v34 =	vmul.f32 v23, v24  }
0x197: {  	v61 =	vld [tilespmem:s28+$0x0];
	v42 =	vmul.f32 v23, v22;
	v22 =	vpop (erf);
	v28 =	vadd.f32 v26, v28;
	v25 =	vperm.xlane v62, v2  }
0x198: {  	v24 =	vld [tilespmem:s30+$0x70];
	v43 =	vmul.f32 v22, v21;
	v41 =	vmul.f32 v22, v20;
	v22 =	vsel vm0, v22, v23  }
0x199: {  	v23 =	vld [tilespmem:s28+$0x70];
	v54 =	vmul.f32 $2.000000030e-01, v60;
	v56 =	vperm.xlane v29, v2;
	v27 =	vadd.f32 v55, v27  }
0x19a: {  	v59 =	vld [tilespmem:s28+$0x60];
	v47 =	vsel vm1, v22, v47;
	v49 =	vadd.f32 v25, v62;
	v30 =	vadd.f32 v30, v37  }
0x19b: {  	v57 =	vperm.xlane v28, v2;
	v25 =	vld [tilespmem:s30+$0x60];
	v62 =	vadd.f32 v52, v39;
	v29 =	vadd.f32 v56, v29  }
0x19c: {  	v38 =	vld [tilespmem:s30+$0x0];
	v45 =	vmax.f32 v60, v54;
	v44 =	vsel vm2, v44, v47;
	v58 =	vperm.xlane v27, v3  }
0x19d: {  	v63 =	vld [tilespmem:s28+$0x20];
	v28 =	vadd.f32 v57, v28;
	v51 =	vperm.xlane v49, v3;
	v50 =	vperm.xlane v29, v3  }
0x19e: {  	v45 =	vmul.f32 v45, v7;
	v21 =	vadd.f32 v58, v27;
	v56 =	vadd.f32 v23, v24  }
0x19f: {  	v55 =	vmul.f32 $2.000000030e-01, v62;
	v20 =	vadd.f32 v51, v49;
	v27 =	vadd.f32 v50, v29  }
0x1a0: {  	v26 =	vld [tilespmem:s30+$0x50];
	v50 =	vperm.xlane v28, v3;
	v21 =	vmul.f32 $1.442695020e+00, v21;
	v49 =	vadd.f32 v59, v25  }
0x1a1: {  	v29 =	vld [tilespmem:s28+$0x50];
	v51 =	vmul.f32 $1.442695020e+00, v20;
	v20 =	vadd.f32 v61, v38;
	v27 =	vmul.f32 $1.442695020e+00, v27  }
0x1a2: {  	(erf) = vpow2.f32 v21;
	v21 =	vadd.f32 v63, v36;
	v63 =	vmul.f32 $2.000000030e-01, v30  }
0x1a3: {  	v52 =	vld [tilespmem:s28+$0xFFFFFFD0];
	v48 =	vmax.f32 v62, v55;
	v57 =	vmul.f32 $2.000000030e-01, v49;
	v61 =	vmul.f32 $2.000000030e-01, v20  }
0x1a4: {  	v47 =	vld [tilespmem:s28+$0xFFFFFF90];
	(erf) = vpow2.f32 v51;
	v53 =	vmul.f32 $2.000000030e-01, v21;
	v22 =	vmax.f32 v30, v63  }
0x1a5: {  	v30 =	vmul.f32 $2.000000030e-01, v56;
	v63 =	vld [tilespmem:s28+$0xFFFFFFE0];
	(erf) = vpow2.f32 v27;
	v20 =	vmax.f32 v20, v61  }
0x1a6: {  	v27 =	vld [tilespmem:s30+$0xFFFFFFA0];
	v29 =	vadd.f32 v29, v26;
	v58 =	vmul.f32 v22, v5;
	v20 =	vmul.f32 v20, v4  }
0x1a7: {  	v49 =	vmax.f32 v49, v57;
	v22 =	vld [tilespmem:s30+$0xFFFFFFC0];
	v21 =	vmax.f32 v21, v53;
	v30 =	vmax.f32 v56, v30  }
0x1a8: {  	v61 =	vld [tilespmem:s28+$0xFFFFFFC0];
	v23 =	vmul.f32 $2.000000030e-01, v29;
	v59 =	vmul.f32 v21, v6;
	v46 =	vadd.f32 v58, v20  }
0x1a9: {  	v28 =	vadd.f32 v50, v28;
	v49 =	vmul.f32 v49, v10;
	v53 =	vld [tilespmem:s28+$0xFFFFFF80];
	v30 =	vmul.f32 v30, v11  }
0x1aa: {  	v56 =	vld [tilespmem:s28+$0xFFFFFFA0];
	v29 =	vmax.f32 v29, v23;
	v45 =	vadd.f32 v45, v59;
	v60 =	vperm.xlane v46, v0  }
0x1ab: {  	v48 =	vmul.f32 v48, v8;
	v21 =	vld [tilespmem:s30+$0xFFFFFFF0];
	v30 =	vadd.f32 v30, v49;
	v29 =	vmul.f32 v29, v9  }
0x1ac: {  	v28 =	vmul.f32 $1.442695020e+00, v28;
	v20 =	vld [tilespmem:s30+$0xFFFFFFE0];
	v62 =	vperm.xlane v45, v0;
	v46 =	vadd.f32 v60, v46  }
0x1ad: {  	v23 =	vld [tilespmem:s30+$0xFFFFFFD0];
	v59 =	vperm.xlane v30, v0;
	v48 =	vadd.f32 v29, v48  }
0x1ae: {  	(erf) = vpow2.f32 v28;
	v49 =	vld [tilespmem:s28+$0xFFFFFFF0];
	v45 =	vadd.f32 v62, v45;
	v57 =	vperm.xlane v46, v1  }
0x1af: {  	v50 =	vadd.f32 v61, v22;
	v29 =	vld [tilespmem:s30+$0xFFFFFF90];
	v28 =	vadd.f32 v59, v30;
	v58 =	vperm.xlane v48, v0  }
0x1b0: {  	v56 =	vadd.f32 v56, v27;
	v30 =	vld [tilespmem:s30+$0xFFFFFF80];
	v60 =	vperm.xlane v45, v1;
	v46 =	vadd.f32 v57, v46  }
0x1b1: {  	v51 =	vadd.f32 v63, v20;
	v63 =	vperm.xlane v28, v1;
	v48 =	vadd.f32 v58, v48  }
0x1b2: {  	v52 =	vadd.f32 v52, v23;
	v45 =	vadd.f32 v60, v45;
	v61 =	vperm.xlane v46, v2  }
0x1b3: {  	v49 =	vadd.f32 v49, v21;
	v57 =	vadd.f32 v63, v28;
	v62 =	vperm.xlane v48, v1  }
0x1b4: {  	v59 =	vld [tilespmem:s28+$0xFFFFFFB0];
	v47 =	vadd.f32 v47, v29;
	v60 =	vperm.xlane v45, v2;
	v46 =	vadd.f32 v61, v46  }
0x1b5: {  	v28 =	vld [tilespmem:s30+$0xFFFFFFB0];
	v53 =	vadd.f32 v53, v30;
	v63 =	vperm.xlane v57, v2;
	v48 =	vadd.f32 v62, v48  }
0x1b6: {  	v61 =	vmul.f32 $2.000000030e-01, v50;
	v45 =	vadd.f32 v60, v45;
	v58 =	vperm.xlane v46, v3  }
0x1b7: {  	v54 =	vadd.f32 v63, v57;
	v63 =	vmul.f32 $2.000000030e-01, v51;
	v62 =	vperm.xlane v48, v2  }
0x1b8: {  	v57 =	vmul.f32 $2.000000030e-01, v53;
	v50 =	vmax.f32 v50, v61;
	v46 =	vadd.f32 v58, v46  }
0x1b9: {  	v61 =	vmul.f32 $2.000000030e-01, v52;
	v60 =	vperm.xlane v45, v3;
	v48 =	vadd.f32 v62, v48  }
0x1ba: {  	v59 =	vadd.f32 v59, v28;
	v51 =	vmax.f32 v51, v63;
	v46 =	vmul.f32 $1.442695020e+00, v46  }
0x1bb: {  	v63 =	vmul.f32 $2.000000030e-01, v56;
	v45 =	vadd.f32 v60, v45;
	v62 =	vperm.xlane v48, v3  }
0x1bc: {  	v53 =	vmax.f32 v53, v57;
	v50 =	vmul.f32 v50, v8;
	(erf) = vpow2.f32 v46  }
0x1bd: {  	s29 =	simm.s32 $0x7860;
	v45 =	vmul.f32 $1.442695020e+00, v45;
	v48 =	vadd.f32 v62, v48;
	v62 =	vperm.xlane v54, v3  }
0x1be: {  	[tilespmem:s29+$0x10] =	vst v32;
	v32 =	vpop (erf);
	v52 =	vmax.f32 v52, v61;
	v61 =	vmul.f32 $2.000000030e-01, v47;
	v60 =	vmul.f32 $2.000000030e-01, v49  }
0x1bf: {  	[tilespmem:s29+$0x0] =	vst v31;
	v31 =	vpop (erf);
	(erf) = vpow2.f32 v45;
	v54 =	vadd.f32 v62, v54;
	v48 =	vmul.f32 $1.442695020e+00, v48  }
0x1c0: {  	v57 =	vsel vm0, v31, v32;
	v52 =	vmul.f32 v52, v9;
	v49 =	vmax.f32 v49, v60  }
0x1c1: {  	v46 =	vmax.f32 v47, v61;
	v61 =	vmul.f32 $1.442695020e+00, v54;
	(erf) = vpow2.f32 v48  }
0x1c2: {  	[tilespmem:s29+$0x20] =	vst v33;
	v60 =	vmul.f32 $2.000000030e-01, v59;
	v55 =	vadd.f32 v52, v50;
	v49 =	vmul.f32 v49, v11  }
0x1c3: {  	[tilespmem:s29+$0x30] =	vst v40;
	v33 =	vpop (erf);
	v45 =	vmax.f32 v56, v63;
	v62 =	vmul.f32 v51, v10;
	(erf) = vpow2.f32 v61  }
0x1c4: {  	[tilespmem:s29+$0x40] =	vst v34;
	v34 =	vpop (erf);
	v63 =	vmul.f32 v53, v4;
	v46 =	vmul.f32 v46, v5;
	v54 =	vmax.f32 v59, v60  }
0x1c5: {  	[tilespmem:s29+$0x50] =	vst v42;
	v45 =	vmul.f32 v45, v6;
	v48 =	vadd.f32 v49, v62;
	v56 =	vmul.f32 v54, v7;
	v42 =	vpop (erf)  }
0x1c6: {  	[tilespmem:s29+$0x60] =	vst v43;
	v58 =	vperm.xlane v55, v0;
	v46 =	vadd.f32 v46, v63;
	v38 =	vmul.f32 v42, v38  }
0x1c7: {  	s2 =	simm.s32 $0x8BF0;
	[tilespmem:s29+$0x70] =	vst v41;
	v40 =	vsel vm1, v57, v34;
	v60 =	vperm.xlane v48, v0;
	v59 =	vadd.f32 v56, v45  }
0x1c8: {  	s0 =	simm.s32 $0x7960;
	[tilespmem:s2+$0x0] =	vst v44;
	v43 =	vadd.f32 v58, v55;
	v61 =	vperm.xlane v46, v0;
	v62 =	vmul.f32 v42, v37;
	v41 =	vpop (erf)  }
0x1c9: {  	v45 =	vadd.f32 v60, v48;
	v50 =	vperm.xlane v59, v0;
	v63 =	vmul.f32 v41, v36;
	[tilespmem:s0+$0x0] =	vst v38  }
0x1ca: {  	v44 =	vadd.f32 v61, v46;
	v37 =	vperm.xlane v43, v1;
	v36 =	vmul.f32 v41, v35;
	[tilespmem:s0+$0x10] =	vst v62;
	v38 =	vpop (erf)  }
0x1cb: {  	s22 =	simm.s32 $0x3E60;
	s5 =	simm.s32 $0x8BF0;
	s23 =	simm.s32 $0x2;
	v47 =	vperm.xlane v45, v1;
	v46 =	vadd.f32 v50, v59;
	[tilespmem:s0+$0x20] =	vst v63;
	v39 =	vmul.f32 v38, v39  }
.LBB2_5:
0x1cc: {  	v35 =	vld [tilespmem:s22+$0x0];
	v48 =	vperm.xlane v44, v1;
	v43 =	vadd.f32 v37, v43;
	[tilespmem:s0+$0x30] =	vst v36;
	v26 =	vmul.f32 v38, v26;
	v49 =	vpop (erf)  }
0x1cd: {  	v37 =	vld [tilespmem:s22+$0x10];
	v50 =	vperm.xlane v46, v1;
	v45 =	vadd.f32 v47, v45;
	[tilespmem:s0+$0x40] =	vst v39;
	v25 =	vmul.f32 v49, v25  }
0x1ce: {  	v24 =	vmul.f32 v49, v24;
	v36 =	vld [tilespmem:s22+$0x20];
	v39 =	vadd.f32 v48, v44;
	[tilespmem:s0+$0x50] =	vst v26;
	v26 =	vsel vm0, v49, v38  }
0x1cf: {  	s28 =	sadd.s32 $0x100, s28;
	v38 =	vld [tilespmem:s22+$0x30];
	v44 =	vadd.f32 v50, v46;
	v46 =	vperm.xlane v43, v2;
	[tilespmem:s0+$0x60] =	vst v25;
	v25 =	vsel vm1, v26, v41  }
0x1d0: {  	s2 =	sadd.s32 $0x20, s2;
	v47 =	vperm.xlane v45, v2;
	v41 =	vld [tilespmem:s28+$0x0];
	v26 =	vperm.xlane v39, v2;
	[tilespmem:s0+$0x70] =	vst v24;
	v24 =	vsel vm2, v42, v25  }
0x1d1: {  	v19 =	vmul.f32 v33, v19;
	v42 =	vld [tilespmem:s28+$0x10];
	v25 =	vperm.xlane v44, v2;
	v43 =	vadd.f32 v46, v43;
	[tilespmem:s2+$0x0] =	vst v24  }
0x1d2: {  	v45 =	vadd.f32 v47, v45;
	v46 =	vld [tilespmem:s28+$0x20];
	v24 =	vadd.f32 v26, v39;
	v26 =	vmul.f32 v33, v16;
	v16 =	vmovc v29  }
0x1d3: {  	v18 =	vmul.f32 v34, v18;
	v29 =	vld [tilespmem:s28+$0x30];
	v44 =	vadd.f32 v25, v44;
	v25 =	vperm.xlane v43, v3;
	[tilespmem:s29+$0xFFFFFF80] =	vst v19  }
0x1d4: {  	v33 =	vsel vm2, v33, v40;
	v47 =	vperm.xlane v45, v3;
	v39 =	vld [tilespmem:s22+$0x40];
	v19 =	vperm.xlane v24, v3;
	[tilespmem:s29+$0xFFFFFF90] =	vst v26  }
0x1d5: {  	v49 =	vmul.f32 v34, v17;
	v26 =	vld [tilespmem:s22+$0x50];
	v40 =	vperm.xlane v44, v3;
	v43 =	vadd.f32 v25, v43;
	[tilespmem:s29+$0xFFFFFFA0] =	vst v18  }
0x1d6: {  	v34 =	vmul.f32 v32, v12;
	v12 =	vmovc v22;
	v45 =	vadd.f32 v47, v45;
	v25 =	vld [tilespmem:s22+$0x60];
	v48 =	vadd.f32 v19, v24  }
0x1d7: {  	v32 =	vmul.f32 v32, v13;
	v13 =	vmovc v23;
	v24 =	vld [tilespmem:s22+$0x70];
	v22 =	vadd.f32 v40, v44;
	v40 =	vmul.f32 $1.442695020e+00, v43;
	[tilespmem:s29+$0xFFFFFFB0] =	vst v49  }
0x1d8: {  	v17 =	vmovc v28;
	v18 =	vmovc v27;
	v44 =	vmul.f32 $1.442695020e+00, v45;
	v43 =	vld [tilespmem:s28+$0x40];
	v23 =	vmul.f32 $1.442695020e+00, v48;
	[tilespmem:s29+$0xFFFFFFC0] =	vst v34;
	v19 =	vmov v30  }
0x1d9: {  	v27 =	vld [tilespmem:s28+$0x50];
	v28 =	vmul.f32 $1.442695020e+00, v22;
	(erf) = vpow2.f32 v40;
	[tilespmem:s29+$0xFFFFFFD0] =	vst v32  }
0x1da: {  	v32 =	vmul.f32 v31, v14;
	v14 =	vmov v20;
	v30 =	vld [tilespmem:s28+$0x60];
	(erf) = vpow2.f32 v44  }
0x1db: {  	v20 =	vmul.f32 v31, v15;
	v15 =	vmov v21;
	v34 =	vld [tilespmem:s28+$0x70];
	(erf) = vpow2.f32 v23  }
0x1dc: {  	v31 =	vadd.f32 v41, v35;
	v40 =	vadd.f32 v42, v37;
	v22 =	vld [tilespmem:s22+$0xFFFFFFC0];
	(erf) = vpow2.f32 v28;
	[tilespmem:s29+$0xFFFFFFE0] =	vst v32  }
0x1dd: {  	v41 =	vadd.f32 v29, v38;
	v28 =	vadd.f32 v46, v36;
	v23 =	vld [tilespmem:s22+$0xFFFFFFD0];
	[tilespmem:s29+$0xFFFFFFF0] =	vst v20;
	s29 =	smov.u32 s0  }
0x1de: {  	v29 =	vmul.f32 $2.000000030e-01, v31;
	v42 =	vadd.f32 v43, v39;
	v20 =	vld [tilespmem:s22+$0xFFFFFFE0];
	v27 =	vadd.f32 v27, v26;
	[tilespmem:s5+$0xFFFFFFF0] =	vst v33;
	s5 =	smov.u32 s2  }
0x1df: {  	v50 =	vmul.f32 $2.000000030e-01, v40;
	v33 =	vmul.f32 $2.000000030e-01, v28;
	v21 =	vld [tilespmem:s22+$0xFFFFFFF0];
	v30 =	vadd.f32 v30, v25  }
0x1e0: {  	s23 =	sadd.s32 $0x2, s23;
	v44 =	vmul.f32 $2.000000030e-01, v41;
	v45 =	vmul.f32 $2.000000030e-01, v42;
	v43 =	vld [tilespmem:s28+$0xFFFFFFC0];
	v46 =	vadd.f32 v34, v24  }
0x1e1: {  	p1 =	slt.u32 s23, $0x26;
	v34 =	vmul.f32 $2.000000030e-01, v27;
	v47 =	vld [tilespmem:s28+$0xFFFFFFD0];
	v48 =	vmul.f32 $2.000000030e-01, v30  }
0x1e2: {  	v29 =	vmax.f32 v31, v29;
	v53 =	vmax.f32 v40, v50;
	v49 =	vld [tilespmem:s28+$0xFFFFFFE0];
	v40 =	vmul.f32 $2.000000030e-01, v46;
	v32 =	vpop (erf)  }
0x1e3: {  	v51 =	vmul.f32 v29, v4;
	v52 =	vmul.f32 v53, v5;
	v28 =	vmax.f32 v28, v33;
	v50 =	vld [tilespmem:s28+$0xFFFFFFF0];
	v31 =	vpop (erf)  }
0x1e4: {  	v41 =	vmax.f32 v41, v44;
	v42 =	vmax.f32 v42, v45;
	v44 =	vmax.f32 v27, v34;
	v29 =	vld [tilespmem:s22+$0xFFFFFF90];
	v33 =	vpop (erf)  }
0x1e5: {  	v41 =	vmul.f32 v41, v7;
	v51 =	vadd.f32 v52, v51;
	v45 =	vmul.f32 v28, v6;
	v27 =	vld [tilespmem:s22+$0xFFFFFFA0];
	v34 =	vpop (erf)  }
0x1e6: {  	v42 =	vmul.f32 v42, v8;
	v30 =	vmax.f32 v30, v48;
	v40 =	vmax.f32 v46, v40;
	v28 =	vld [tilespmem:s22+$0xFFFFFFB0]  }
0x1e7: {  	v44 =	vmul.f32 v44, v9;
	v48 =	vperm.xlane v51, v0;
	v41 =	vadd.f32 v41, v45;
	v46 =	vld [tilespmem:s28+$0xFFFFFF80]  }
0x1e8: {  	v30 =	vmul.f32 v30, v10;
	v43 =	vadd.f32 v43, v22;
	v40 =	vmul.f32 v40, v11;
	v45 =	vld [tilespmem:s28+$0xFFFFFF90]  }
0x1e9: {  	v48 =	vadd.f32 v48, v51;
	v51 =	vperm.xlane v41, v0;
	v42 =	vadd.f32 v44, v42;
	v52 =	vld [tilespmem:s28+$0xFFFFFFA0]  }
0x1ea: {  	v47 =	vadd.f32 v47, v23;
	v53 =	vmul.f32 $2.000000030e-01, v43;
	v40 =	vadd.f32 v40, v30;
	v44 =	vld [tilespmem:s28+$0xFFFFFFB0]  }
0x1eb: {  	v54 =	vperm.xlane v48, v1;
	v41 =	vadd.f32 v51, v41;
	v51 =	vperm.xlane v42, v0;
	v30 =	vld [tilespmem:s22+$0xFFFFFF80]  }
0x1ec: {  	v49 =	vadd.f32 v49, v20;
	v50 =	vadd.f32 v50, v21;
	v55 =	vperm.xlane v40, v0  }
0x1ed: {  	v48 =	vadd.f32 v54, v48;
	v54 =	vperm.xlane v41, v1;
	v42 =	vadd.f32 v51, v42  }
0x1ee: {  	v51 =	vmul.f32 $2.000000030e-01, v47;
	v40 =	vadd.f32 v55, v40;
	v45 =	vadd.f32 v45, v29  }
0x1ef: {  	v55 =	vperm.xlane v48, v2;
	v41 =	vadd.f32 v54, v41;
	v54 =	vperm.xlane v42, v1  }
0x1f0: {  	v56 =	vperm.xlane v40, v1;
	v52 =	vadd.f32 v52, v27;
	v46 =	vadd.f32 v46, v30  }
0x1f1: {  	v48 =	vadd.f32 v55, v48;
	v55 =	vperm.xlane v41, v2;
	v42 =	vadd.f32 v54, v42  }
0x1f2: {  	v54 =	vmul.f32 $2.000000030e-01, v49;
	v44 =	vadd.f32 v44, v28;
	v40 =	vadd.f32 v56, v40  }
0x1f3: {  	v56 =	vperm.xlane v48, v3;
	v41 =	vadd.f32 v55, v41;
	v55 =	vperm.xlane v42, v2  }
0x1f4: {  	v43 =	vmax.f32 v43, v53;
	v53 =	vmul.f32 $2.000000030e-01, v50;
	v57 =	vperm.xlane v40, v2  }
0x1f5: {  	v48 =	vadd.f32 v56, v48;
	v56 =	vperm.xlane v41, v3;
	v42 =	vadd.f32 v55, v42  }
0x1f6: {  	v58 =	vmul.f32 $2.000000030e-01, v45;
	v55 =	vmul.f32 $2.000000030e-01, v46;
	v40 =	vadd.f32 v57, v40  }
0x1f7: {  	v48 =	vmul.f32 $1.442695020e+00, v48;
	v41 =	vadd.f32 v56, v41;
	v56 =	vperm.xlane v42, v3  }
0x1f8: {  	v47 =	vmax.f32 v47, v51;
	v57 =	vmul.f32 $2.000000030e-01, v52;
	v51 =	vperm.xlane v40, v3  }
0x1f9: {  	v41 =	vmul.f32 $1.442695020e+00, v41;
	v42 =	vadd.f32 v56, v42;
	(erf) = vpow2.f32 v48  }
0x1fa: {  	v50 =	vmax.f32 v50, v53;
	v49 =	vmax.f32 v49, v54;
	v48 =	vmul.f32 $2.000000030e-01, v44  }
0x1fb: {  	v42 =	vmul.f32 $1.442695020e+00, v42;
	v40 =	vadd.f32 v51, v40;
	(erf) = vpow2.f32 v41  }
0x1fc: {  	v43 =	vmul.f32 v43, v8;
	v41 =	vmax.f32 v46, v55;
	v46 =	vmul.f32 v47, v9  }
0x1fd: {  	v45 =	vmax.f32 v45, v58;
	v40 =	vmul.f32 $1.442695020e+00, v40;
	(erf) = vpow2.f32 v42  }
0x1fe: {  	v47 =	vmul.f32 v49, v10;
	v49 =	vmul.f32 v50, v11;
	v42 =	vmax.f32 v52, v57  }
0x1ff: {  	v44 =	vmax.f32 v44, v48;
	v41 =	vmul.f32 v41, v4;
	(erf) = vpow2.f32 v40  }
0x200: {  	v43 =	vadd.f32 v46, v43;
	v40 =	vmul.f32 v45, v5;
	v45 =	vmul.f32 v42, v6  }
0x201: {  	v44 =	vmul.f32 v44, v7;
	v46 =	vadd.f32 v49, v47;
	v47 =	vsel vm0, v31, v32  }
0x202: {  	v51 =	vperm.xlane v43, v0;
	v48 =	vadd.f32 v40, v41;
	v40 =	vsel vm1, v47, v34;
	v42 =	vpop (erf)  }
.Ltmp1:
0x203: {  	v47 =	vadd.f32 v44, v45;
	v44 =	vperm.xlane v46, v0;
	v35 =	vmul.f32 v42, v35;
	(pc) =	sbr.rel @p1 .LBB2_5-.Ltmp1, $4  }
0x204: {  	s0 =	sadd.s32 $0x100, s0;
	v43 =	vadd.f32 v51, v43;
	v49 =	vperm.xlane v48, v0;
	v50 =	vmul.f32 v42, v37;
	v41 =	vpop (erf)  }
0x205: {  	v51 =	vperm.xlane v47, v0;
	v45 =	vadd.f32 v44, v46;
	[tilespmem:s0+$0x0] =	vst v35;
	v35 =	vmul.f32 v41, v36  }
0x206: {  	v37 =	vperm.xlane v43, v1;
	v44 =	vadd.f32 v49, v48;
	v36 =	vmul.f32 v41, v38;
	[tilespmem:s0+$0x10] =	vst v50;
	v38 =	vpop (erf)  }
0x207: {  	s22 =	sadd.s32 $0x100, s22;
	v46 =	vadd.f32 v51, v47;
	v47 =	vperm.xlane v45, v1;
	[tilespmem:s0+$0x20] =	vst v35;
	v39 =	vmul.f32 v38, v39  }
0x208: {  	v37 =	vadd.f32 v37, v43;
	_ =	sdelay $0x1  }
0x209: {  	v35 =	vperm.xlane v44, v1;
	v55 =	vadd.f32 v47, v45;
	v57 =	vperm.xlane v37, v2  }
0x20a: {  	v56 =	vperm.xlane v46, v1  }
0x20b: {  	v35 =	vadd.f32 v35, v44;
	v47 =	vperm.xlane v55, v2;
	v37 =	vadd.f32 v57, v37  }
0x20c: {  	v45 =	vadd.f32 v56, v46  }
0x20d: {  	v58 =	vperm.xlane v35, v2;
	v43 =	vadd.f32 v47, v55;
	v60 =	vperm.xlane v37, v3  }
0x20e: {  	v26 =	vmul.f32 v38, v26;
	v59 =	vperm.xlane v45, v2  }
0x20f: {  	v35 =	vadd.f32 v58, v35;
	v47 =	vperm.xlane v43, v3;
	v37 =	vadd.f32 v60, v37  }
0x210: {  	[tilespmem:s0+$0x30] =	vst v36;
	v19 =	vmul.f32 v33, v19;
	v16 =	vmul.f32 v33, v16;
	v44 =	vadd.f32 v59, v45  }
0x211: {  	[tilespmem:s0+$0x40] =	vst v39;
	v61 =	vperm.xlane v35, v3;
	v43 =	vadd.f32 v47, v43;
	v37 =	vmul.f32 $1.442695020e+00, v37  }
0x212: {  	v18 =	vmul.f32 v34, v18;
	[tilespmem:s0+$0x50] =	vst v26;
	v63 =	vperm.xlane v44, v3  }
0x213: {  	v62 =	vpop (erf);
	[tilespmem:s29+$0xFFFFFF80] =	vst v19;
	v35 =	vadd.f32 v61, v35;
	v43 =	vmul.f32 $1.442695020e+00, v43;
	(erf) = vpow2.f32 v37  }
0x214: {  	v49 =	vmul.f32 v34, v17;
	v12 =	vmul.f32 v32, v12;
	[tilespmem:s29+$0xFFFFFF90] =	vst v16  }
0x215: {  	[tilespmem:s29+$0xFFFFFFA0] =	vst v18;
	v44 =	vadd.f32 v63, v44;
	v35 =	vmul.f32 $1.442695020e+00, v35;
	(erf) = vpow2.f32 v43  }
0x216: {  	v13 =	vmul.f32 v32, v13;
	v50 =	vmul.f32 v31, v14;
	[tilespmem:s29+$0xFFFFFFB0] =	vst v49  }
0x217: {  	[tilespmem:s29+$0xFFFFFFC0] =	vst v12;
	v47 =	vmul.f32 $1.442695020e+00, v44;
	(erf) = vpow2.f32 v35  }
0x218: {  	v52 =	vmul.f32 v31, v15;
	[tilespmem:s29+$0xFFFFFFD0] =	vst v13  }
0x219: {  	v25 =	vmul.f32 v62, v25;
	[tilespmem:s29+$0xFFFFFFE0] =	vst v50;
	(erf) = vpow2.f32 v47  }
0x21a: {  	v24 =	vmul.f32 v62, v24;
	[tilespmem:s29+$0xFFFFFFF0] =	vst v52  }
0x21b: {  	[tilespmem:s0+$0x60] =	vst v25;
	v45 =	vsel vm0, v62, v38  }
0x21c: {  	[tilespmem:s0+$0x70] =	vst v24;
	v55 =	vsel vm2, v33, v40;
	v46 =	vsel vm1, v45, v41;
	v51 =	vpop (erf)  }
0x21d: {  	s2 =	sadd.s32 $0x20, s2;
	[tilespmem:s5+$0xFFFFFFF0] =	vst v55;
	v48 =	vsel vm2, v42, v46;
	v61 =	vmul.f32 v51, v22  }
0x21e: {  	[tilespmem:s2+$0x0] =	vst v48;
	v53 =	vpop (erf);
	v62 =	vmul.f32 v51, v23  }
0x21f: {  	v63 =	vmul.f32 v53, v20;
	[tilespmem:s0+$0xFFFFFFC0] =	vst v61  }
0x220: {  	v54 =	vpop (erf);
	v15 =	vmul.f32 v53, v21;
	[tilespmem:s0+$0xFFFFFFD0] =	vst v62  }
0x221: {  	v56 =	vmul.f32 v54, v30;
	[tilespmem:s0+$0xFFFFFFE0] =	vst v63  }
0x222: {  	v57 =	vpop (erf);
	v58 =	vmul.f32 v54, v29;
	[tilespmem:s0+$0xFFFFFFF0] =	vst v15  }
0x223: {  	v59 =	vmul.f32 v57, v27;
	[tilespmem:s0+$0xFFFFFF80] =	vst v56  }
0x224: {  	s25 =	sadd.s32 $0x1, s25;
	v14 =	vsel vm0, v53, v51;
	v60 =	vmul.f32 v57, v28;
	[tilespmem:s0+$0xFFFFFF90] =	vst v58  }
0x225: {  	p1 =	sne.s32 s25, $0x7D;
	v14 =	vsel vm1, v14, v57;
	[tilespmem:s0+$0xFFFFFFA0] =	vst v59  }
.Ltmp2:
0x226: {  	v12 =	vsel vm2, v54, v14;
	[tilespmem:s0+$0xFFFFFFB0] =	vst v60;
	(pc) =	sbr.rel @p1 .LBB2_2-.Ltmp2, $4  }
0x227: {  	[tilespmem:s2+$0xFFFFFFF0] =	vst v12  }
0x228: {  	[spmem:s3] =	stream.indirect.scatter.add.f32 [tilespmem:s18], [sflag:$0x7], $0x80, s26, s10, $0xb8;
	[tilespmem:$0x1EE80] =	vst v63  }
0x229: {  	_ = 	snop  }
0x22a: {  	[spmem:s4] =	stream.indirect.scatter.add.f32 [tilespmem:s19], [sflag:$0x8], $0x10, s26, s10, $0xb8;
	[tilespmem:$0x1EE80] =	vst v63  }
0x22b: {  	_ =	swait.ge [sflag:s9], $0x1400  }
0x22c: {  	[sflag:s9] =	ssyncset.done $0x0  }
0x22d: {  	[sflag:s9] =	ssyncadd.s32 $0xFFFFEC00  }
0x22e: {  	_ =	swait.ge [sflag:s21], $0x280  }
0x22f: {  	[sflag:s21] =	ssyncset.done $0x0  }
0x230: {  	[sflag:s21] =	ssyncadd.s32 $0xFFFFFD80  }
0x231: {  	[bflag:$0x0] =	sbarrier.arrive $0xFFFF  }
0x232: {  	s0 =	rddreg [dreg:$0x8]  }
0x233: {  	s2 =	rddreg [dreg:$0x15]  }
0x234: {  	s22 =	rddreg [dreg:$0x1a]  }
0x235: {  	[hbm:s0], [sflag:s22] =	dma.local @p0 [spmem:s2], $0x2700  }
0x236: {  	s0 =	simm.s32 @p0 $0x9  }
0x237: {  	_ =	swait.ge @p0 [sflag:s0], $0x2700  }
0x238: {  	[sflag:s0] =	ssyncset.done @p0 $0x0;
	s2 =	rddreg [dreg:$0xa]  }
0x239: {  	s5 =	rddreg [dreg:$0x16];
	[sflag:s0] =	ssyncadd.s32 @p0 $0xFFFFD900  }
0x23a: {  	[hbm:s2], [sflag:s22] =	dma.local @p0 [spmem:s5], $0x4E0  }
0x23b: {  	_ =	swait.ge @p0 [sflag:s0], $0x4E0  }
0x23c: {  	s2 =	rddreg [dreg:$0x17]  }
0x23d: {  	[sflag:s0] =	ssyncset.done @p0 $0x0;
	s22 =	rddreg [dreg:$0x1b]  }
0x23e: {  	[sflag:s0] =	ssyncadd.s32 @p0 $0xFFFFFB20;
	s0 =	rddreg [dreg:$0x7]  }
0x23f: {  	[hbm:s0], [sflag:s22] =	dma.local @!p0 [spmem:s2], $0x2780  }
0x240: {  	s0 =	simm.s32 @!p0 $0x9  }
0x241: {  	_ =	swait.ge @!p0 [sflag:s0], $0x2780  }
0x242: {  	[sflag:s0] =	ssyncset.done @!p0 $0x0;
	s2 =	rddreg [dreg:$0x9]  }
0x243: {  	s5 =	rddreg [dreg:$0x18];
	[sflag:s0] =	ssyncadd.s32 @!p0 $0xFFFFD880  }
0x244: {  	[hbm:s2], [sflag:s22] =	dma.local @!p0 [spmem:s5], $0x4F0  }
0x245: {  	_ =	swait.ge @!p0 [sflag:s0], $0x4F0  }
0x246: {  	s29 =	rddreg [dreg:$0x19]  }
0x247: {  	s30 =	rddreg [dreg:$0x10];
	s5 =	sadd.s32 $0x1, s29  }
0x248: {  	p1 =	sne.s32 s5, s30  }
.Ltmp3:
0x249: {  	_ = 	snop;
	(pc) =	sbr.rel @p1 .LBB2_1-.Ltmp3, $3  }
0x24a: {  	_ =	sdelay $0x1  }
0x24b: {  	[sflag:s0] =	ssyncset.done @!p0 $0x0  }
0x24c: {  	[sflag:s0] =	ssyncadd.s32 @!p0 $0xFFFFFB10  }
0x24d: {  	_ =	sfence.sel $0x180000  }
0x24e: {  	[bflag:$0x0] =	sbarrier.arrive $0xFFFF  }
0x24f: {  	_ =	strace $0x90000047  }
0x250: {  	s0 =	stileid.u32;
	[bflag:$0x2] =	sbarrier.arrive $0xFFFF  }
0x251: {  	p0 =	sne.s32 s0, $0x0;
	s0 =	rddreg [dreg:$0x4]  }
0x252: {  	s0 =	sadd.s32 @!p0 $0x100000, s0  }
0x253: {  	[sflag:s0] =	ssyncadd.tile.s32 @!p0 $0x1;
	_ =	shalt  }
.Lfunc_end2:
_tile_overlayer_lowered:
.L_overlay_start_2:
0x254: {  	(tag) =	ssettag $0x2  }
0x255: {  	s0 =	rddreg [dreg:$0x0];
	s2 =	stileid.u32  }
0x256: {  	s1 =	rddreg [dreg:$0x1];
	p0 =	sne.s32 s2, $0x0  }
0x257: {  	s3 =	rddreg [dreg:$0x2];
	[bflag:$0x3] =	sbarrier.arrive $0xFFFF;
	s2 =	simm.s32 @!p0 $0x1C09  }
0x258: {  	[timem:s3], [sflag:s2] =	dma.local @!p0 [hbm:s0], s1  }
0x259: {  	s0 =	simm.s32 @!p0 $0x9  }
0x25a: {  	_ =	swait.ge @!p0 [sflag:s0], s1  }
0x25b: {  	s1 =	ssub.s32 @!p0 $0x0, s1;
	[sflag:s0] =	ssyncset.done @!p0 $0x0  }
0x25c: {  	[sflag:s0] =	ssyncadd.s32 @!p0 s1  }
0x25d: {  	[bflag:$0x3] =	sbarrier.arrive $0xFFFF  }
0x25e: {  	_ =	shalt  }

</sc_bundles>
